<compile_context>
chip_gen: v7x
topology: tpu7x:2x2x1
jax: 0.10.2.dev20260603
libtpu: 0.0.44.dev20260713+nightly
codegen_flags: <defaults>
</compile_context>

<pallas_src>
import dataclasses

import jax
import jax.numpy as jnp
from jax import lax
from jax.experimental import pallas as pl
from jax.experimental.pallas import tpu as pltpu
from jax.experimental.pallas import tpu_sc as plsc

N = 10000
E = 320000
D = 128
H = 128

NC = 2
NS = 16
L = 16
CH = 128
NPAD = 10240
EPAD = NC * NS * NPAD
EPW = EPAD // (NC * NS)
ROWS_PER_TILE = NPAD // NS
NB = 2
NI = 4
NCHUNK = EPW // CH
MOUT = NCHUNK // NI


def _mm_kernel(x_ref, w_ref, o_ref):
    o_ref[...] = jnp.dot(x_ref[...], w_ref[...],
                         preferred_element_type=jnp.float32)


def _matmul(x, w):
    return pl.pallas_call(
        _mm_kernel,
        out_shape=jax.ShapeDtypeStruct((x.shape[0], w.shape[1]), jnp.float32),
    )(x, w)


def _relu_mm_kernel(p_ref, b_ref, w_ref, g_ref, h_ref):
    g = jnp.maximum(p_ref[0, :N] + p_ref[1, :N] + b_ref[...], 0.0)
    g_ref[...] = g
    h_ref[...] = jnp.dot(g, w_ref[...], preferred_element_type=jnp.float32)


def _relu_then_matmul(p, b, w):
    return pl.pallas_call(
        _relu_mm_kernel,
        out_shape=(
            jax.ShapeDtypeStruct((N, D), jnp.float32),
            jax.ShapeDtypeStruct((N, w.shape[1]), jnp.float32),
        ),
    )(p, b.reshape(1, -1), w)


def _head_kernel(p_ref, b3_ref, g1_ref, g2_ref, f1w1_ref, f1w2_ref, f1w3_ref,
                 f1b_ref, f2w_ref, f2b_ref, f3w_ref, f3b_ref, o_ref):
    g3 = jnp.maximum(p_ref[0, :N] + p_ref[1, :N] + b3_ref[...], 0.0)
    f1 = jnp.dot(g1_ref[...], f1w1_ref[...], preferred_element_type=jnp.float32)
    f1 += jnp.dot(g2_ref[...], f1w2_ref[...], preferred_element_type=jnp.float32)
    f1 += jnp.dot(g3, f1w3_ref[...], preferred_element_type=jnp.float32)
    f1 = jnp.maximum(f1 + f1b_ref[...], 0.0)
    f2 = jnp.maximum(jnp.dot(f1, f2w_ref[...], preferred_element_type=jnp.float32)
                     + f2b_ref[...], 0.0)
    o_ref[...] = (jnp.dot(f2, f3w_ref[...], preferred_element_type=jnp.float32)
                  + f3b_ref[...])


def _head(p3, b3, g1, g2, fc1_W, fc1_b, fc2_W, fc2_b, fc3_W, fc3_b):
    return pl.pallas_call(
        _head_kernel,
        out_shape=jax.ShapeDtypeStruct((N, fc3_W.shape[1]), jnp.float32),
    )(p3, b3.reshape(1, -1), g1, g2,
      fc1_W[:H], fc1_W[H:2 * H], fc1_W[2 * H:],
      fc1_b.reshape(1, -1), fc2_W, fc2_b.reshape(1, -1),
      fc3_W, fc3_b.reshape(1, -1))


def _lane_splat(v, t):
    idx = jnp.full((L, 1), t, jnp.int32)
    dnums = lax.GatherDimensionNumbers(
        offset_dims=(), collapsed_slice_dims=(0,), start_index_map=(0,))
    return lax.gather(v, idx, dnums, (1,),
                      mode=lax.GatherScatterMode.PROMISE_IN_BOUNDS)


def _sc_compiler_params():
    cp = pltpu.CompilerParams()
    if "needs_layout_passes" in pltpu.CompilerParams.__dataclass_fields__:
        cp = dataclasses.replace(cp, needs_layout_passes=False)
    return cp


def _spmm_sc_body(row_hbm, col_hbm, val_hbm, g_hbm, out_hbm,
                  colring, valring, rowring, gbuf, acc,
                  gsem, ssem, isem):
    c = lax.axis_index("c")
    s = lax.axis_index("s")
    base = (c * NS + s) * EPW

    def start_idx(k, slot):
        pltpu.async_copy(col_hbm.at[pl.ds(base + k * CH, CH)],
                         colring.at[slot], isem.at[slot])
        pltpu.async_copy(val_hbm.at[pl.ds(base + k * CH, CH)],
                         valring.at[slot], isem.at[slot])
        pltpu.async_copy(row_hbm.at[pl.ds(base + k * CH, CH)],
                         rowring.at[slot], isem.at[slot])

    def wait_idx(slot):
        pltpu.make_async_copy(col_hbm.at[pl.ds(0, CH)], colring.at[slot],
                              isem.at[slot]).wait()
        pltpu.make_async_copy(val_hbm.at[pl.ds(0, CH)], valring.at[slot],
                              isem.at[slot]).wait()
        pltpu.make_async_copy(row_hbm.at[pl.ds(0, CH)], rowring.at[slot],
                              isem.at[slot]).wait()

    def start_gather(slot, b):
        pltpu.async_copy(g_hbm.at[colring.at[slot]], gbuf.at[b], gsem.at[b])

    def wait_gather(b):
        pltpu.make_async_copy(g_hbm.at[pl.ds(0, CH)], gbuf.at[b],
                              gsem.at[b]).wait()

    def start_scatter(slot, b):
        pltpu.async_copy(gbuf.at[b], acc.at[rowring.at[slot]], ssem.at[b],
                         add=True)

    def wait_scatter(b):
        pltpu.make_async_copy(gbuf.at[b], acc.at[pl.ds(0, CH)],
                              ssem.at[b]).wait()

    @pl.loop(0, CH)
    def _(i):
        for f in range(D // L):
            gbuf[0, i, pl.ds(f * L, L)] = jnp.zeros((L,), jnp.float32)

    @pl.loop(0, ROWS_PER_TILE, step=CH)
    def _(r):
        pltpu.sync_copy(gbuf.at[0], acc.at[pl.ds(s * ROWS_PER_TILE + r, CH)])

    plsc.subcore_barrier()

    @pl.loop(0, NCHUNK)
    def _(k):
        start_idx(k, 0)
        wait_idx(0)
        start_gather(0, 0)
        wait_gather(0)

        @pl.loop(0, CH, step=L)
        def _(j):
            vj = valring[0, pl.ds(j, L)]
            for t in range(L):
                vv = _lane_splat(vj, t)
                for f in range(D // L):
                    sl = pl.ds(f * L, L)
                    gbuf[0, j + t, sl] = gbuf[0, j + t, sl] * vv

        start_scatter(0, 0)
        wait_scatter(0)

    plsc.subcore_barrier()

    pltpu.sync_copy(acc.at[pl.ds(s * ROWS_PER_TILE, ROWS_PER_TILE)],
                    out_hbm.at[c].at[pl.ds(s * ROWS_PER_TILE, ROWS_PER_TILE)])


@jax.jit
def _spmm_partials(row, col, vals, g):
    mesh = plsc.VectorSubcoreMesh(core_axis_name="c", subcore_axis_name="s")
    f = pl.kernel(
        _spmm_sc_body,
        out_type=jax.ShapeDtypeStruct((NC, NPAD, D), jnp.float32),
        mesh=mesh,
        scratch_types=[
            pltpu.VMEM((NI, CH), jnp.int32),
            pltpu.VMEM((NI, CH), jnp.float32),
            pltpu.VMEM((NI, CH), jnp.int32),
            pltpu.VMEM((NB, CH, D), jnp.float32),
            pltpu.VMEM_SHARED((NPAD, D), jnp.float32),
            pltpu.SemaphoreType.DMA((NB,)),
            pltpu.SemaphoreType.DMA((NB,)),
            pltpu.SemaphoreType.DMA((NI,)),
        ],
        compiler_params=_sc_compiler_params(),
    )
    return f(row, col, vals, g)


def kernel(adjacency_edge_index, adjacency_values, input_feature,
           graph_indicator, W1, b1, W2, b2, W3, b3,
           fc1_W, fc1_b, fc2_W, fc2_b, fc3_W, fc3_b):
    npad = EPAD - E
    row = jnp.concatenate(
        [adjacency_edge_index[0],
         jnp.arange(npad, dtype=adjacency_edge_index.dtype) % N])
    col = jnp.concatenate(
        [adjacency_edge_index[1],
         jnp.zeros((npad,), adjacency_edge_index.dtype)])
    vals = jnp.concatenate(
        [adjacency_values, jnp.zeros((npad,), adjacency_values.dtype)])
    h1 = _matmul(input_feature, W1)
    p1 = _spmm_partials(row, col, vals, h1)
    g1, h2 = _relu_then_matmul(p1, b1, W2)
    p2 = _spmm_partials(row, col, vals, h2)
    g2, h3 = _relu_then_matmul(p2, b2, W3)
    p3 = _spmm_partials(row, col, vals, h3)
    return _head(p3, b3, g1, g2, fc1_W, fc1_b, fc2_W, fc2_b, fc3_W, fc3_b)

# --- scband reference (transcript-rebuilt; emitter-appended) ---
"""Pipeline reference for scband-model-a-40192303956383 (READ-ONLY COPY).

The authoritative reference and input builder live on the scoring server;
editing this copy changes nothing except your own understanding.
"""

import jax, jax.numpy as jnp
import numpy as np

N = 10000
E = 320000
D = 128
H = 128
C = 2


def setup_inputs(seed: int = 0):
    key = jax.random.key(seed)
    ks = jax.random.split(key, 20)
    edge_index = jax.random.randint(ks[0], (2, E), 0, N)
    adj_values = jax.random.uniform(ks[1], (E,), dtype=jnp.float32)
    input_feature = jax.random.normal(ks[2], (N, D), dtype=jnp.float32)
    graph_indicator = jnp.sort(jax.random.randint(ks[3], (N,), 0, 64))
    def kaiming(k, shape):
        fan_in = shape[0]
        bound = np.sqrt(6.0 / fan_in)
        return jax.random.uniform(k, shape, dtype=jnp.float32, minval=-bound, maxval=bound)
    W1 = kaiming(ks[4], (D, H)); b1 = jnp.zeros((H,), jnp.float32)
    W2 = kaiming(ks[5], (H, H)); b2 = jnp.zeros((H,), jnp.float32)
    W3 = kaiming(ks[6], (H, H)); b3 = jnp.zeros((H,), jnp.float32)
    fc1_W = kaiming(ks[7], (H * 3, H)); fc1_b = jnp.zeros((H,), jnp.float32)
    fc2_W = kaiming(ks[8], (H, H // 2)); fc2_b = jnp.zeros((H // 2,), jnp.float32)
    fc3_W = kaiming(ks[9], (H // 2, C)); fc3_b = jnp.zeros((C,), jnp.float32)
    return {
        'adjacency_edge_index': edge_index,
        'adjacency_values': adj_values,
        'input_feature': input_feature,
        'graph_indicator': graph_indicator,
        'W1': W1, 'b1': b1, 'W2': W2, 'b2': b2, 'W3': W3, 'b3': b3,
        'fc1_W': fc1_W, 'fc1_b': fc1_b,
        'fc2_W': fc2_W, 'fc2_b': fc2_b,
        'fc3_W': fc3_W, 'fc3_b': fc3_b,
    }


def spmm(edge_index, vals, x, n):
    row = edge_index[0]
    col = edge_index[1]
    return jax.ops.segment_sum(vals[:, None] * x[col], row, num_segments=n)


def reference(adjacency_edge_index, adjacency_values, input_feature, graph_indicator,
              W1, b1, W2, b2, W3, b3, fc1_W, fc1_b, fc2_W, fc2_b, fc3_W, fc3_b):
    n = input_feature.shape[0]
    g1 = jax.nn.relu(spmm(adjacency_edge_index, adjacency_values, input_feature @ W1, n) + b1)
    g2 = jax.nn.relu(spmm(adjacency_edge_index, adjacency_values, g1 @ W2, n) + b2)
    g3 = jax.nn.relu(spmm(adjacency_edge_index, adjacency_values, g2 @ W3, n) + b3)
    gcn_feature = jnp.concatenate([g1, g2, g3], axis=1)
    f1 = jax.nn.relu(gcn_feature @ fc1_W + fc1_b)
    f2 = jax.nn.relu(f1 @ fc2_W + fc2_b)
    logits = f2 @ fc3_W + fc3_b
    return logits

if __name__ == "__main__":
    import jax
    _d = setup_inputs()
    print(jax.jit(kernel)(*tuple(_d.values())))

</pallas_src>

<mosaic_0001>
#map = affine_map<(d0, d1) -> (0)>
#map1 = affine_map<(d0, d1) -> (0, 0)>
#map2 = affine_map<(d0, d1) -> (0, 0, 0)>
module attributes {stable_mosaic.version = 14 : i64} {
  func.func @_spmm_sc_body(%arg0: i32, %arg1: i32, %arg2: memref<327680xi32, #tpu.memory_space<hbm>>, %arg3: memref<327680xi32, #tpu.memory_space<hbm>>, %arg4: memref<327680xf32, #tpu.memory_space<hbm>>, %arg5: memref<10000x128xf32, #tpu.memory_space<hbm>>, %arg6: memref<2x10240x128xf32, #tpu.memory_space<hbm>>, %arg7: memref<4x128xi32, #tpu.memory_space<vmem>>, %arg8: memref<4x128xf32, #tpu.memory_space<vmem>>, %arg9: memref<4x128xi32, #tpu.memory_space<vmem>>, %arg10: memref<2x128x128xf32, #tpu.memory_space<vmem>>, %arg11: memref<10240x128xf32, #tpu.memory_space<vmem_shared>>, %arg12: memref<2x!tpu.dma_semaphore, #tpu.memory_space<semaphore_mem>>, %arg13: memref<2x!tpu.dma_semaphore, #tpu.memory_space<semaphore_mem>>, %arg14: memref<4x!tpu.dma_semaphore, #tpu.memory_space<semaphore_mem>>) attributes {dimension_semantics = [#tpu.dimension_semantics<core_parallel>, #tpu.dimension_semantics<subcore_parallel>], iteration_bounds = array<i64: 2, 16>, scalar_prefetch = 0 : i64, scratch_operands = 8 : i64, tpu.core_type = #tpu.core_type<sc_vector_subcore>, window_params = [{transform_indices = #map}, {transform_indices = #map}, {transform_indices = #map}, {transform_indices = #map1}, {transform_indices = #map2}]} {
    %mul3A = arith.constant 16 : i32
    %mul3A_0 = arith.muli %arg0, %mul3A : i32
    %add3A = arith.addi %mul3A_0, %arg1 : i32
    %mul3A_1 = arith.constant 10240 : i32
    %mul3A_2 = arith.muli %add3A, %mul3A_1 : i32
    %scan3A = arith.constant 0 : i32
    %scan3A_3 = arith.constant 128 : i32
    %scan3A_4 = arith.addi %scan3A, %scan3A_3 : i32
    %scan3A_5 = arith.constant 1 : i32
    scf.for %scan3A_22 = %scan3A to %scan3A_4 step %scan3A_5  : i32 {
      %mul3A_23 = arith.constant 1 : i32
      %mul3A_24 = arith.muli %scan3A_22, %mul3A_23 : i32
      %add3A_25 = arith.constant 0 : i32
      %add3A_26 = arith.addi %add3A_25, %mul3A_24 : i32
      %broadcast_in_dim3A = arith.constant 0.000000e+00 : f32
      %broadcast_in_dim3A_27 = vector.broadcast %broadcast_in_dim3A : f32 to vector<16xf32>
      %swap3A = arith.constant 0 : i32
      %swap3A_28 = arith.index_cast %swap3A : i32 to index
      %swap3A_29 = arith.index_cast %add3A_26 : i32 to index
      %swap3A_30 = arith.constant 0 : index
      %swap3A_31 = tpu.vector_load %arg10[%swap3A_28, %swap3A_29, %swap3A_30] {strides = array<i32>} : memref<2x128x128xf32, #tpu.memory_space<vmem>>, vector<16xf32>,
      tpu.vector_store %arg10[%swap3A_28, %swap3A_29, %swap3A_30], %broadcast_in_dim3A_27 {strides = array<i32>} : memref<2x128x128xf32, #tpu.memory_space<vmem>>, vector<16xf32>,
      %broadcast_in_dim3A_32 = arith.constant 0.000000e+00 : f32
      %broadcast_in_dim3A_33 = vector.broadcast %broadcast_in_dim3A_32 : f32 to vector<16xf32>
      %swap3A_34 = arith.constant 0 : i32
      %swap3A_35 = arith.index_cast %swap3A_34 : i32 to index
      %swap3A_36 = arith.index_cast %add3A_26 : i32 to index
      %swap3A_37 = arith.constant 16 : index
      %swap3A_38 = tpu.vector_load %arg10[%swap3A_35, %swap3A_36, %swap3A_37] {strides = array<i32>} : memref<2x128x128xf32, #tpu.memory_space<vmem>>, vector<16xf32>,
      tpu.vector_store %arg10[%swap3A_35, %swap3A_36, %swap3A_37], %broadcast_in_dim3A_33 {strides = array<i32>} : memref<2x128x128xf32, #tpu.memory_space<vmem>>, vector<16xf32>,
      %broadcast_in_dim3A_39 = arith.constant 0.000000e+00 : f32
      %broadcast_in_dim3A_40 = vector.broadcast %broadcast_in_dim3A_39 : f32 to vector<16xf32>
      %swap3A_41 = arith.constant 0 : i32
      %swap3A_42 = arith.index_cast %swap3A_41 : i32 to index
      %swap3A_43 = arith.index_cast %add3A_26 : i32 to index
      %swap3A_44 = arith.constant 32 : index
      %swap3A_45 = tpu.vector_load %arg10[%swap3A_42, %swap3A_43, %swap3A_44] {strides = array<i32>} : memref<2x128x128xf32, #tpu.memory_space<vmem>>, vector<16xf32>,
      tpu.vector_store %arg10[%swap3A_42, %swap3A_43, %swap3A_44], %broadcast_in_dim3A_40 {strides = array<i32>} : memref<2x128x128xf32, #tpu.memory_space<vmem>>, vector<16xf32>,
      %broadcast_in_dim3A_46 = arith.constant 0.000000e+00 : f32
      %broadcast_in_dim3A_47 = vector.broadcast %broadcast_in_dim3A_46 : f32 to vector<16xf32>
      %swap3A_48 = arith.constant 0 : i32
      %swap3A_49 = arith.index_cast %swap3A_48 : i32 to index
      %swap3A_50 = arith.index_cast %add3A_26 : i32 to index
      %swap3A_51 = arith.constant 48 : index
      %swap3A_52 = tpu.vector_load %arg10[%swap3A_49, %swap3A_50, %swap3A_51] {strides = array<i32>} : memref<2x128x128xf32, #tpu.memory_space<vmem>>, vector<16xf32>,
      tpu.vector_store %arg10[%swap3A_49, %swap3A_50, %swap3A_51], %broadcast_in_dim3A_47 {strides = array<i32>} : memref<2x128x128xf32, #tpu.memory_space<vmem>>, vector<16xf32>,
      %broadcast_in_dim3A_53 = arith.constant 0.000000e+00 : f32
      %broadcast_in_dim3A_54 = vector.broadcast %broadcast_in_dim3A_53 : f32 to vector<16xf32>
      %swap3A_55 = arith.constant 0 : i32
      %swap3A_56 = arith.index_cast %swap3A_55 : i32 to index
      %swap3A_57 = arith.index_cast %add3A_26 : i32 to index
      %swap3A_58 = arith.constant 64 : index
      %swap3A_59 = tpu.vector_load %arg10[%swap3A_56, %swap3A_57, %swap3A_58] {strides = array<i32>} : memref<2x128x128xf32, #tpu.memory_space<vmem>>, vector<16xf32>,
      tpu.vector_store %arg10[%swap3A_56, %swap3A_57, %swap3A_58], %broadcast_in_dim3A_54 {strides = array<i32>} : memref<2x128x128xf32, #tpu.memory_space<vmem>>, vector<16xf32>,
      %broadcast_in_dim3A_60 = arith.constant 0.000000e+00 : f32
      %broadcast_in_dim3A_61 = vector.broadcast %broadcast_in_dim3A_60 : f32 to vector<16xf32>
      %swap3A_62 = arith.constant 0 : i32
      %swap3A_63 = arith.index_cast %swap3A_62 : i32 to index
      %swap3A_64 = arith.index_cast %add3A_26 : i32 to index
      %swap3A_65 = arith.constant 80 : index
      %swap3A_66 = tpu.vector_load %arg10[%swap3A_63, %swap3A_64, %swap3A_65] {strides = array<i32>} : memref<2x128x128xf32, #tpu.memory_space<vmem>>, vector<16xf32>,
      tpu.vector_store %arg10[%swap3A_63, %swap3A_64, %swap3A_65], %broadcast_in_dim3A_61 {strides = array<i32>} : memref<2x128x128xf32, #tpu.memory_space<vmem>>, vector<16xf32>,
      %broadcast_in_dim3A_67 = arith.constant 0.000000e+00 : f32
      %broadcast_in_dim3A_68 = vector.broadcast %broadcast_in_dim3A_67 : f32 to vector<16xf32>
      %swap3A_69 = arith.constant 0 : i32
      %swap3A_70 = arith.index_cast %swap3A_69 : i32 to index
      %swap3A_71 = arith.index_cast %add3A_26 : i32 to index
      %swap3A_72 = arith.constant 96 : index
      %swap3A_73 = tpu.vector_load %arg10[%swap3A_70, %swap3A_71, %swap3A_72] {strides = array<i32>} : memref<2x128x128xf32, #tpu.memory_space<vmem>>, vector<16xf32>,
      tpu.vector_store %arg10[%swap3A_70, %swap3A_71, %swap3A_72], %broadcast_in_dim3A_68 {strides = array<i32>} : memref<2x128x128xf32, #tpu.memory_space<vmem>>, vector<16xf32>,
      %broadcast_in_dim3A_74 = arith.constant 0.000000e+00 : f32
      %broadcast_in_dim3A_75 = vector.broadcast %broadcast_in_dim3A_74 : f32 to vector<16xf32>
      %swap3A_76 = arith.constant 0 : i32
      %swap3A_77 = arith.index_cast %swap3A_76 : i32 to index
      %swap3A_78 = arith.index_cast %add3A_26 : i32 to index
      %swap3A_79 = arith.constant 112 : index
      %swap3A_80 = tpu.vector_load %arg10[%swap3A_77, %swap3A_78, %swap3A_79] {strides = array<i32>} : memref<2x128x128xf32, #tpu.memory_space<vmem>>, vector<16xf32>,
      tpu.vector_store %arg10[%swap3A_77, %swap3A_78, %swap3A_79], %broadcast_in_dim3A_75 {strides = array<i32>} : memref<2x128x128xf32, #tpu.memory_space<vmem>>, vector<16xf32>,
    }
    %scan3A_6 = arith.constant 128 : i32
    %scan3A_7 = arith.constant 0 : i32
    %scan3A_8 = arith.constant 5 : i32
    %scan3A_9 = arith.addi %scan3A_7, %scan3A_8 : i32
    %scan3A_10 = arith.constant 1 : i32
    scf.for %scan3A_22 = %scan3A_7 to %scan3A_9 step %scan3A_10  : i32 {
      %mul3A_23 = arith.constant 128 : i32
      %mul3A_24 = arith.muli %scan3A_22, %mul3A_23 : i32
      %add3A_25 = arith.constant 0 : i32
      %add3A_26 = arith.addi %add3A_25, %mul3A_24 : i32
      %mul3A_27 = arith.constant 640 : i32
      %mul3A_28 = arith.muli %arg1, %mul3A_27 : i32
      %add3A_29 = arith.addi %mul3A_28, %add3A_26 : i32
      %run_scoped3A = arith.constant 0 : i32
      "tpu.region"() ({
        %run_scoped3A_30 = tpu.sem_alloc : memref<!tpu.dma_semaphore, #tpu.memory_space<semaphore_mem>>
        %dma_start3A = arith.constant 0 : i32
        %dma_start3A_31 = arith.constant 0 : i32
        %dma_start3A_32 = tpu.memref_slice %arg10[%run_scoped3A, %dma_start3A, %dma_start3A_31] : memref<2x128x128xf32, #tpu.memory_space<vmem>> -> memref<1x128x128xf32, #tpu.memory_space<vmem>>
        %dma_start3A_33 = tpu.memref_squeeze %dma_start3A_32 : memref<1x128x128xf32, #tpu.memory_space<vmem>> -> memref<128x128xf32, #tpu.memory_space<vmem>>
        %dma_start3A_34 = arith.constant 0 : i32
        %dma_start3A_35 = tpu.memref_slice %arg11[%add3A_29, %dma_start3A_34] : memref<10240x128xf32, #tpu.memory_space<vmem_shared>> -> memref<128x128xf32, #tpu.memory_space<vmem_shared>>
        %dma_start3A_36 = arith.constant 0 : i32
        %dma_start3A_37 = tpu.memref_slice %arg11[%add3A_29, %dma_start3A_36] : memref<10240x128xf32, #tpu.memory_space<vmem_shared>> -> memref<128x128xf32, #tpu.memory_space<vmem_shared>>
        %dma_start3A_38 = arith.constant 0 : i32
        %dma_start3A_39 = arith.constant 0 : i32
        %dma_start3A_40 = tpu.memref_slice %arg10[%run_scoped3A, %dma_start3A_38, %dma_start3A_39] : memref<2x128x128xf32, #tpu.memory_space<vmem>> -> memref<1x128x128xf32, #tpu.memory_space<vmem>>
        %dma_start3A_41 = tpu.memref_squeeze %dma_start3A_40 : memref<1x128x128xf32, #tpu.memory_space<vmem>> -> memref<128x128xf32, #tpu.memory_space<vmem>>
        tpu.enqueue_dma source(%dma_start3A_41 : memref<128x128xf32, #tpu.memory_space<vmem>>) target(%dma_start3A_37 : memref<128x128xf32, #tpu.memory_space<vmem_shared>>) target_semaphore(%run_scoped3A_30 : memref<!tpu.dma_semaphore, #tpu.memory_space<semaphore_mem>>)
        %dma_wait3A = arith.constant 0 : i32
        %dma_wait3A_42 = arith.constant 0 : i32
        %dma_wait3A_43 = tpu.memref_slice %arg10[%run_scoped3A, %dma_wait3A, %dma_wait3A_42] : memref<2x128x128xf32, #tpu.memory_space<vmem>> -> memref<1x128x128xf32, #tpu.memory_space<vmem>>
        %dma_wait3A_44 = tpu.memref_squeeze %dma_wait3A_43 : memref<1x128x128xf32, #tpu.memory_space<vmem>> -> memref<128x128xf32, #tpu.memory_space<vmem>>
        %dma_wait3A_45 = arith.constant 0 : i32
        %dma_wait3A_46 = tpu.memref_slice %arg11[%add3A_29, %dma_wait3A_45] : memref<10240x128xf32, #tpu.memory_space<vmem_shared>> -> memref<128x128xf32, #tpu.memory_space<vmem_shared>>
        %dma_wait3A_47 = arith.constant 0 : i32
        %dma_wait3A_48 = tpu.memref_slice %arg11[%add3A_29, %dma_wait3A_47] : memref<10240x128xf32, #tpu.memory_space<vmem_shared>> -> memref<128x128xf32, #tpu.memory_space<vmem_shared>>
        %dma_wait3A_49 = arith.constant 0 : i32
        %dma_wait3A_50 = arith.constant 0 : i32
        %dma_wait3A_51 = tpu.memref_slice %arg10[%run_scoped3A, %dma_wait3A_49, %dma_wait3A_50] : memref<2x128x128xf32, #tpu.memory_space<vmem>> -> memref<1x128x128xf32, #tpu.memory_space<vmem>>
        %dma_wait3A_52 = tpu.memref_squeeze %dma_wait3A_51 : memref<1x128x128xf32, #tpu.memory_space<vmem>> -> memref<128x128xf32, #tpu.memory_space<vmem>>
        tpu.wait_dma2 semaphore(%run_scoped3A_30 : memref<!tpu.dma_semaphore, #tpu.memory_space<semaphore_mem>>) src(%dma_wait3A_52 : memref<128x128xf32, #tpu.memory_space<vmem>>) dst(%dma_wait3A_48 : memref<128x128xf32, #tpu.memory_space<vmem_shared>>)
        tpu.yield
      }) : () -> ()
    }
    %scan3A_11 = arith.constant 5 : i32
    %barrier3A = arith.constant 0 : index
    tpu.barrier barrier_id(%barrier3A)
    %scan3A_12 = arith.constant 0 : i32
    %scan3A_13 = arith.constant 80 : i32
    %scan3A_14 = arith.addi %scan3A_12, %scan3A_13 : i32
    %scan3A_15 = arith.constant 1 : i32
    scf.for %scan3A_22 = %scan3A_12 to %scan3A_14 step %scan3A_15  : i32 {
      %mul3A_23 = arith.constant 1 : i32
      %mul3A_24 = arith.muli %scan3A_22, %mul3A_23 : i32
      %add3A_25 = arith.constant 0 : i32
      %add3A_26 = arith.addi %add3A_25, %mul3A_24 : i32
      %mul3A_27 = arith.constant 128 : i32
      %mul3A_28 = arith.muli %add3A_26, %mul3A_27 : i32
      %add3A_29 = arith.addi %mul3A_2, %mul3A_28 : i32
      %dma_start3A = arith.constant 0 : i32
      %dma_start3A_30 = arith.constant 0 : i32
      %dma_start3A_31 = arith.constant 0 : i32
      %dma_start3A_32 = tpu.memref_slice %arg7[%dma_start3A, %dma_start3A_31] : memref<4x128xi32, #tpu.memory_space<vmem>> -> memref<1x128xi32, #tpu.memory_space<vmem>>
      %dma_start3A_33 = tpu.memref_squeeze %dma_start3A_32 : memref<1x128xi32, #tpu.memory_space<vmem>> -> memref<128xi32, #tpu.memory_space<vmem>>
      %dma_start3A_34 = tpu.memref_slice %arg3[%add3A_29] : memref<327680xi32, #tpu.memory_space<hbm>> -> memref<128xi32, #tpu.memory_space<hbm>>
      %dma_start3A_35 = tpu.memref_slice %arg14[%dma_start3A_30] : memref<4x!tpu.dma_semaphore, #tpu.memory_space<semaphore_mem>> -> memref<1x!tpu.dma_semaphore, #tpu.memory_space<semaphore_mem>>
      %dma_start3A_36 = tpu.memref_squeeze %dma_start3A_35 : memref<1x!tpu.dma_semaphore, #tpu.memory_space<semaphore_mem>> -> memref<!tpu.dma_semaphore, #tpu.memory_space<semaphore_mem>>
      %dma_start3A_37 = arith.constant 0 : i32
      %dma_start3A_38 = tpu.memref_slice %arg7[%dma_start3A, %dma_start3A_37] : memref<4x128xi32, #tpu.memory_space<vmem>> -> memref<1x128xi32, #tpu.memory_space<vmem>>
      %dma_start3A_39 = tpu.memref_squeeze %dma_start3A_38 : memref<1x128xi32, #tpu.memory_space<vmem>> -> memref<128xi32, #tpu.memory_space<vmem>>
      %dma_start3A_40 = tpu.memref_slice %arg3[%add3A_29] : memref<327680xi32, #tpu.memory_space<hbm>> -> memref<128xi32, #tpu.memory_space<hbm>>
      tpu.enqueue_dma source(%dma_start3A_40 : memref<128xi32, #tpu.memory_space<hbm>>) target(%dma_start3A_39 : memref<128xi32, #tpu.memory_space<vmem>>) target_semaphore(%dma_start3A_36 : memref<!tpu.dma_semaphore, #tpu.memory_space<semaphore_mem>>)
      %mul3A_41 = arith.constant 128 : i32
      %mul3A_42 = arith.muli %add3A_26, %mul3A_41 : i32
      %add3A_43 = arith.addi %mul3A_2, %mul3A_42 : i32
      %dma_start3A_44 = arith.constant 0 : i32
      %dma_start3A_45 = arith.constant 0 : i32
      %dma_start3A_46 = arith.constant 0 : i32
      %dma_start3A_47 = tpu.memref_slice %arg8[%dma_start3A_44, %dma_start3A_46] : memref<4x128xf32, #tpu.memory_space<vmem>> -> memref<1x128xf32, #tpu.memory_space<vmem>>
      %dma_start3A_48 = tpu.memref_squeeze %dma_start3A_47 : memref<1x128xf32, #tpu.memory_space<vmem>> -> memref<128xf32, #tpu.memory_space<vmem>>
      %dma_start3A_49 = tpu.memref_slice %arg4[%add3A_43] : memref<327680xf32, #tpu.memory_space<hbm>> -> memref<128xf32, #tpu.memory_space<hbm>>
      %dma_start3A_50 = tpu.memref_slice %arg14[%dma_start3A_45] : memref<4x!tpu.dma_semaphore, #tpu.memory_space<semaphore_mem>> -> memref<1x!tpu.dma_semaphore, #tpu.memory_space<semaphore_mem>>
      %dma_start3A_51 = tpu.memref_squeeze %dma_start3A_50 : memref<1x!tpu.dma_semaphore, #tpu.memory_space<semaphore_mem>> -> memref<!tpu.dma_semaphore, #tpu.memory_space<semaphore_mem>>
      %dma_start3A_52 = arith.constant 0 : i32
      %dma_start3A_53 = tpu.memref_slice %arg8[%dma_start3A_44, %dma_start3A_52] : memref<4x128xf32, #tpu.memory_space<vmem>> -> memref<1x128xf32, #tpu.memory_space<vmem>>
      %dma_start3A_54 = tpu.memref_squeeze %dma_start3A_53 : memref<1x128xf32, #tpu.memory_space<vmem>> -> memref<128xf32, #tpu.memory_space<vmem>>
      %dma_start3A_55 = tpu.memref_slice %arg4[%add3A_43] : memref<327680xf32, #tpu.memory_space<hbm>> -> memref<128xf32, #tpu.memory_space<hbm>>
      tpu.enqueue_dma source(%dma_start3A_55 : memref<128xf32, #tpu.memory_space<hbm>>) target(%dma_start3A_54 : memref<128xf32, #tpu.memory_space<vmem>>) target_semaphore(%dma_start3A_51 : memref<!tpu.dma_semaphore, #tpu.memory_space<semaphore_mem>>)
      %mul3A_56 = arith.constant 128 : i32
      %mul3A_57 = arith.muli %add3A_26, %mul3A_56 : i32
      %add3A_58 = arith.addi %mul3A_2, %mul3A_57 : i32
      %dma_start3A_59 = arith.constant 0 : i32
      %dma_start3A_60 = arith.constant 0 : i32
      %dma_start3A_61 = arith.constant 0 : i32
      %dma_start3A_62 = tpu.memref_slice %arg9[%dma_start3A_59, %dma_start3A_61] : memref<4x128xi32, #tpu.memory_space<vmem>> -> memref<1x128xi32, #tpu.memory_space<vmem>>
      %dma_start3A_63 = tpu.memref_squeeze %dma_start3A_62 : memref<1x128xi32, #tpu.memory_space<vmem>> -> memref<128xi32, #tpu.memory_space<vmem>>
      %dma_start3A_64 = tpu.memref_slice %arg2[%add3A_58] : memref<327680xi32, #tpu.memory_space<hbm>> -> memref<128xi32, #tpu.memory_space<hbm>>
      %dma_start3A_65 = tpu.memref_slice %arg14[%dma_start3A_60] : memref<4x!tpu.dma_semaphore, #tpu.memory_space<semaphore_mem>> -> memref<1x!tpu.dma_semaphore, #tpu.memory_space<semaphore_mem>>
      %dma_start3A_66 = tpu.memref_squeeze %dma_start3A_65 : memref<1x!tpu.dma_semaphore, #tpu.memory_space<semaphore_mem>> -> memref<!tpu.dma_semaphore, #tpu.memory_space<semaphore_mem>>
      %dma_start3A_67 = arith.constant 0 : i32
      %dma_start3A_68 = tpu.memref_slice %arg9[%dma_start3A_59, %dma_start3A_67] : memref<4x128xi32, #tpu.memory_space<vmem>> -> memref<1x128xi32, #tpu.memory_space<vmem>>
      %dma_start3A_69 = tpu.memref_squeeze %dma_start3A_68 : memref<1x128xi32, #tpu.memory_space<vmem>> -> memref<128xi32, #tpu.memory_space<vmem>>
      %dma_start3A_70 = tpu.memref_slice %arg2[%add3A_58] : memref<327680xi32, #tpu.memory_space<hbm>> -> memref<128xi32, #tpu.memory_space<hbm>>
      tpu.enqueue_dma source(%dma_start3A_70 : memref<128xi32, #tpu.memory_space<hbm>>) target(%dma_start3A_69 : memref<128xi32, #tpu.memory_space<vmem>>) target_semaphore(%dma_start3A_66 : memref<!tpu.dma_semaphore, #tpu.memory_space<semaphore_mem>>)
      %dma_wait3A = arith.constant 0 : i32
      %dma_wait3A_71 = arith.constant 0 : i32
      %dma_wait3A_72 = arith.constant 0 : i32
      %dma_wait3A_73 = tpu.memref_slice %arg7[%dma_wait3A, %dma_wait3A_72] : memref<4x128xi32, #tpu.memory_space<vmem>> -> memref<1x128xi32, #tpu.memory_space<vmem>>
      %dma_wait3A_74 = tpu.memref_squeeze %dma_wait3A_73 : memref<1x128xi32, #tpu.memory_space<vmem>> -> memref<128xi32, #tpu.memory_space<vmem>>
      %dma_wait3A_75 = arith.constant 0 : i32
      %dma_wait3A_76 = tpu.memref_slice %arg3[%dma_wait3A_75] : memref<327680xi32, #tpu.memory_space<hbm>> -> memref<128xi32, #tpu.memory_space<hbm>>
      %dma_wait3A_77 = tpu.memref_slice %arg14[%dma_wait3A_71] : memref<4x!tpu.dma_semaphore, #tpu.memory_space<semaphore_mem>> -> memref<1x!tpu.dma_semaphore, #tpu.memory_space<semaphore_mem>>
      %dma_wait3A_78 = tpu.memref_squeeze %dma_wait3A_77 : memref<1x!tpu.dma_semaphore, #tpu.memory_space<semaphore_mem>> -> memref<!tpu.dma_semaphore, #tpu.memory_space<semaphore_mem>>
      %dma_wait3A_79 = arith.constant 0 : i32
      %dma_wait3A_80 = tpu.memref_slice %arg7[%dma_wait3A, %dma_wait3A_79] : memref<4x128xi32, #tpu.memory_space<vmem>> -> memref<1x128xi32, #tpu.memory_space<vmem>>
      %dma_wait3A_81 = tpu.memref_squeeze %dma_wait3A_80 : memref<1x128xi32, #tpu.memory_space<vmem>> -> memref<128xi32, #tpu.memory_space<vmem>>
      %dma_wait3A_82 = arith.constant 0 : i32
      %dma_wait3A_83 = tpu.memref_slice %arg3[%dma_wait3A_82] : memref<327680xi32, #tpu.memory_space<hbm>> -> memref<128xi32, #tpu.memory_space<hbm>>
      tpu.wait_dma2 semaphore(%dma_wait3A_78 : memref<!tpu.dma_semaphore, #tpu.memory_space<semaphore_mem>>) src(%dma_wait3A_83 : memref<128xi32, #tpu.memory_space<hbm>>) dst(%dma_wait3A_81 : memref<128xi32, #tpu.memory_space<vmem>>)
      %dma_wait3A_84 = arith.constant 0 : i32
      %dma_wait3A_85 = arith.constant 0 : i32
      %dma_wait3A_86 = arith.constant 0 : i32
      %dma_wait3A_87 = tpu.memref_slice %arg8[%dma_wait3A_84, %dma_wait3A_86] : memref<4x128xf32, #tpu.memory_space<vmem>> -> memref<1x128xf32, #tpu.memory_space<vmem>>
      %dma_wait3A_88 = tpu.memref_squeeze %dma_wait3A_87 : memref<1x128xf32, #tpu.memory_space<vmem>> -> memref<128xf32, #tpu.memory_space<vmem>>
      %dma_wait3A_89 = arith.constant 0 : i32
      %dma_wait3A_90 = tpu.memref_slice %arg4[%dma_wait3A_89] : memref<327680xf32, #tpu.memory_space<hbm>> -> memref<128xf32, #tpu.memory_space<hbm>>
      %dma_wait3A_91 = tpu.memref_slice %arg14[%dma_wait3A_85] : memref<4x!tpu.dma_semaphore, #tpu.memory_space<semaphore_mem>> -> memref<1x!tpu.dma_semaphore, #tpu.memory_space<semaphore_mem>>
      %dma_wait3A_92 = tpu.memref_squeeze %dma_wait3A_91 : memref<1x!tpu.dma_semaphore, #tpu.memory_space<semaphore_mem>> -> memref<!tpu.dma_semaphore, #tpu.memory_space<semaphore_mem>>
      %dma_wait3A_93 = arith.constant 0 : i32
      %dma_wait3A_94 = tpu.memref_slice %arg8[%dma_wait3A_84, %dma_wait3A_93] : memref<4x128xf32, #tpu.memory_space<vmem>> -> memref<1x128xf32, #tpu.memory_space<vmem>>
      %dma_wait3A_95 = tpu.memref_squeeze %dma_wait3A_94 : memref<1x128xf32, #tpu.memory_space<vmem>> -> memref<128xf32, #tpu.memory_space<vmem>>
      %dma_wait3A_96 = arith.constant 0 : i32
      %dma_wait3A_97 = tpu.memref_slice %arg4[%dma_wait3A_96] : memref<327680xf32, #tpu.memory_space<hbm>> -> memref<128xf32, #tpu.memory_space<hbm>>
      tpu.wait_dma2 semaphore(%dma_wait3A_92 : memref<!tpu.dma_semaphore, #tpu.memory_space<semaphore_mem>>) src(%dma_wait3A_97 : memref<128xf32, #tpu.memory_space<hbm>>) dst(%dma_wait3A_95 : memref<128xf32, #tpu.memory_space<vmem>>)
      %dma_wait3A_98 = arith.constant 0 : i32
      %dma_wait3A_99 = arith.constant 0 : i32
      %dma_wait3A_100 = arith.constant 0 : i32
      %dma_wait3A_101 = tpu.memref_slice %arg9[%dma_wait3A_98, %dma_wait3A_100] : memref<4x128xi32, #tpu.memory_space<vmem>> -> memref<1x128xi32, #tpu.memory_space<vmem>>
      %dma_wait3A_102 = tpu.memref_squeeze %dma_wait3A_101 : memref<1x128xi32, #tpu.memory_space<vmem>> -> memref<128xi32, #tpu.memory_space<vmem>>
      %dma_wait3A_103 = arith.constant 0 : i32
      %dma_wait3A_104 = tpu.memref_slice %arg2[%dma_wait3A_103] : memref<327680xi32, #tpu.memory_space<hbm>> -> memref<128xi32, #tpu.memory_space<hbm>>
      %dma_wait3A_105 = tpu.memref_slice %arg14[%dma_wait3A_99] : memref<4x!tpu.dma_semaphore, #tpu.memory_space<semaphore_mem>> -> memref<1x!tpu.dma_semaphore, #tpu.memory_space<semaphore_mem>>
      %dma_wait3A_106 = tpu.memref_squeeze %dma_wait3A_105 : memref<1x!tpu.dma_semaphore, #tpu.memory_space<semaphore_mem>> -> memref<!tpu.dma_semaphore, #tpu.memory_space<semaphore_mem>>
      %dma_wait3A_107 = arith.constant 0 : i32
      %dma_wait3A_108 = tpu.memref_slice %arg9[%dma_wait3A_98, %dma_wait3A_107] : memref<4x128xi32, #tpu.memory_space<vmem>> -> memref<1x128xi32, #tpu.memory_space<vmem>>
      %dma_wait3A_109 = tpu.memref_squeeze %dma_wait3A_108 : memref<1x128xi32, #tpu.memory_space<vmem>> -> memref<128xi32, #tpu.memory_space<vmem>>
      %dma_wait3A_110 = arith.constant 0 : i32
      %dma_wait3A_111 = tpu.memref_slice %arg2[%dma_wait3A_110] : memref<327680xi32, #tpu.memory_space<hbm>> -> memref<128xi32, #tpu.memory_space<hbm>>
      tpu.wait_dma2 semaphore(%dma_wait3A_106 : memref<!tpu.dma_semaphore, #tpu.memory_space<semaphore_mem>>) src(%dma_wait3A_111 : memref<128xi32, #tpu.memory_space<hbm>>) dst(%dma_wait3A_109 : memref<128xi32, #tpu.memory_space<vmem>>)
      %dma_start3A_112 = arith.constant 0 : i32
      %dma_start3A_113 = arith.constant 0 : i32
      %dma_start3A_114 = arith.constant 0 : i32
      %dma_start3A_115 = arith.constant 0 : i32
      %dma_start3A_116 = arith.constant 0 : i32
      %dma_start3A_117 = tpu.memref_slice %arg10[%dma_start3A_113, %dma_start3A_115, %dma_start3A_116] : memref<2x128x128xf32, #tpu.memory_space<vmem>> -> memref<1x128x128xf32, #tpu.memory_space<vmem>>
      %dma_start3A_118 = tpu.memref_squeeze %dma_start3A_117 : memref<1x128x128xf32, #tpu.memory_space<vmem>> -> memref<128x128xf32, #tpu.memory_space<vmem>>
      %dma_start3A_119 = arith.constant 0 : i32
      %dma_start3A_120 = tpu.memref_slice %arg7[%dma_start3A_112, %dma_start3A_119] : memref<4x128xi32, #tpu.memory_space<vmem>> -> memref<1x128xi32, #tpu.memory_space<vmem>>
      %dma_start3A_121 = tpu.memref_squeeze %dma_start3A_120 : memref<1x128xi32, #tpu.memory_space<vmem>> -> memref<128xi32, #tpu.memory_space<vmem>>
      %dma_start3A_122 = arith.constant 0 : i32
      %dma_start3A_123 = arith.constant 0 : i32
      %dma_start3A_124 = tpu.memref_slice %arg5[%dma_start3A_122, %dma_start3A_123] : memref<10000x128xf32, #tpu.memory_space<hbm>> -> memref<10000x128xf32, #tpu.memory_space<hbm>>
      %dma_start3A_125 = tpu.memref_slice %arg12[%dma_start3A_114] : memref<2x!tpu.dma_semaphore, #tpu.memory_space<semaphore_mem>> -> memref<1x!tpu.dma_semaphore, #tpu.memory_space<semaphore_mem>>
      %dma_start3A_126 = tpu.memref_squeeze %dma_start3A_125 : memref<1x!tpu.dma_semaphore, #tpu.memory_space<semaphore_mem>> -> memref<!tpu.dma_semaphore, #tpu.memory_space<semaphore_mem>>
      tpu.enqueue_indirect_dma source(%dma_start3A_124 : memref<10000x128xf32, #tpu.memory_space<hbm>>) target(%dma_start3A_118 : memref<128x128xf32, #tpu.memory_space<vmem>>) offsets(%dma_start3A_121 : memref<128xi32, #tpu.memory_space<vmem>>) semaphore(%dma_start3A_126 : memref<!tpu.dma_semaphore, #tpu.memory_space<semaphore_mem>>)
      %dma_wait3A_127 = arith.constant 0 : i32
      %dma_wait3A_128 = arith.constant 0 : i32
      %dma_wait3A_129 = arith.constant 0 : i32
      %dma_wait3A_130 = arith.constant 0 : i32
      %dma_wait3A_131 = tpu.memref_slice %arg10[%dma_wait3A_127, %dma_wait3A_129, %dma_wait3A_130] : memref<2x128x128xf32, #tpu.memory_space<vmem>> -> memref<1x128x128xf32, #tpu.memory_space<vmem>>
      %dma_wait3A_132 = tpu.memref_squeeze %dma_wait3A_131 : memref<1x128x128xf32, #tpu.memory_space<vmem>> -> memref<128x128xf32, #tpu.memory_space<vmem>>
      %dma_wait3A_133 = arith.constant 0 : i32
      %dma_wait3A_134 = arith.constant 0 : i32
      %dma_wait3A_135 = tpu.memref_slice %arg5[%dma_wait3A_133, %dma_wait3A_134] : memref<10000x128xf32, #tpu.memory_space<hbm>> -> memref<128x128xf32, #tpu.memory_space<hbm>>
      %dma_wait3A_136 = tpu.memref_slice %arg12[%dma_wait3A_128] : memref<2x!tpu.dma_semaphore, #tpu.memory_space<semaphore_mem>> -> memref<1x!tpu.dma_semaphore, #tpu.memory_space<semaphore_mem>>
      %dma_wait3A_137 = tpu.memref_squeeze %dma_wait3A_136 : memref<1x!tpu.dma_semaphore, #tpu.memory_space<semaphore_mem>> -> memref<!tpu.dma_semaphore, #tpu.memory_space<semaphore_mem>>
      %dma_wait3A_138 = arith.constant 0 : i32
      %dma_wait3A_139 = arith.constant 0 : i32
      %dma_wait3A_140 = tpu.memref_slice %arg10[%dma_wait3A_127, %dma_wait3A_138, %dma_wait3A_139] : memref<2x128x128xf32, #tpu.memory_space<vmem>> -> memref<1x128x128xf32, #tpu.memory_space<vmem>>
      %dma_wait3A_141 = tpu.memref_squeeze %dma_wait3A_140 : memref<1x128x128xf32, #tpu.memory_space<vmem>> -> memref<128x128xf32, #tpu.memory_space<vmem>>
      %dma_wait3A_142 = arith.constant 0 : i32
      %dma_wait3A_143 = arith.constant 0 : i32
      %dma_wait3A_144 = tpu.memref_slice %arg5[%dma_wait3A_142, %dma_wait3A_143] : memref<10000x128xf32, #tpu.memory_space<hbm>> -> memref<128x128xf32, #tpu.memory_space<hbm>>
      tpu.wait_dma2 semaphore(%dma_wait3A_137 : memref<!tpu.dma_semaphore, #tpu.memory_space<semaphore_mem>>) src(%dma_wait3A_144 : memref<128x128xf32, #tpu.memory_space<hbm>>) dst(%dma_wait3A_141 : memref<128x128xf32, #tpu.memory_space<vmem>>)
      %scan3A_145 = arith.constant 0 : i32
      %scan3A_146 = arith.constant 8 : i32
      %scan3A_147 = arith.addi %scan3A_145, %scan3A_146 : i32
      %scan3A_148 = arith.constant 1 : i32
      scf.for %scan3A_183 = %scan3A_145 to %scan3A_147 step %scan3A_148  : i32 {
        %mul3A_184 = arith.constant 16 : i32
        %mul3A_185 = arith.muli %scan3A_183, %mul3A_184 : i32
        %add3A_186 = arith.constant 0 : i32
        %add3A_187 = arith.addi %add3A_186, %mul3A_185 : i32
        %get3A = arith.constant 0 : i32
        %get3A_188 = arith.index_cast %get3A : i32 to index
        %get3A_189 = arith.index_cast %add3A_187 : i32 to index
        %get3A_190 = tpu.vector_load %arg8[%get3A_188, %get3A_189] {strides = array<i32>} : memref<4x128xf32, #tpu.memory_space<vmem>>, vector<16xf32>,
        %broadcast_in_dim3A = arith.constant 0 : i32
        %broadcast_in_dim3A_191 = vector.broadcast %broadcast_in_dim3A : i32 to vector<16x1xi32>
        %gather3A = vector.shape_cast %broadcast_in_dim3A_191 : vector<16x1xi32> to vector<16xi32>
        %gather3A_192 = tpu.dynamic_gather %get3A_190[%gather3A] in [0] : vector<16xf32>, vector<16xi32> -> vector<16xf32>
        %add3A_193 = arith.constant 0 : i32
        %add3A_194 = arith.addi %add3A_187, %add3A_193 : i32
        %get3A_195 = arith.constant 0 : i32
        %get3A_196 = arith.index_cast %get3A_195 : i32 to index
        %get3A_197 = arith.index_cast %add3A_194 : i32 to index
        %get3A_198 = arith.constant 0 : index
        %get3A_199 = tpu.vector_load %arg10[%get3A_196, %get3A_197, %get3A_198] {strides = array<i32>} : memref<2x128x128xf32, #tpu.memory_space<vmem>>, vector<16xf32>,
        %mul3A_200 = arith.mulf %get3A_199, %gather3A_192 : vector<16xf32>
        %add3A_201 = arith.constant 0 : i32
        %add3A_202 = arith.addi %add3A_187, %add3A_201 : i32
        %swap3A = arith.constant 0 : i32
        %swap3A_203 = arith.index_cast %swap3A : i32 to index
        %swap3A_204 = arith.index_cast %add3A_202 : i32 to index
        %swap3A_205 = arith.constant 0 : index
        %swap3A_206 = tpu.vector_load %arg10[%swap3A_203, %swap3A_204, %swap3A_205] {strides = array<i32>} : memref<2x128x128xf32, #tpu.memory_space<vmem>>, vector<16xf32>,
        tpu.vector_store %arg10[%swap3A_203, %swap3A_204, %swap3A_205], %mul3A_200 {strides = array<i32>} : memref<2x128x128xf32, #tpu.memory_space<vmem>>, vector<16xf32>,
        %add3A_207 = arith.constant 0 : i32
        %add3A_208 = arith.addi %add3A_187, %add3A_207 : i32
        %get3A_209 = arith.constant 0 : i32
        %get3A_210 = arith.index_cast %get3A_209 : i32 to index
        %get3A_211 = arith.index_cast %add3A_208 : i32 to index
        %get3A_212 = arith.constant 16 : index
        %get3A_213 = tpu.vector_load %arg10[%get3A_210, %get3A_211, %get3A_212] {strides = array<i32>} : memref<2x128x128xf32, #tpu.memory_space<vmem>>, vector<16xf32>,
        %mul3A_214 = arith.mulf %get3A_213, %gather3A_192 : vector<16xf32>
        %add3A_215 = arith.constant 0 : i32
        %add3A_216 = arith.addi %add3A_187, %add3A_215 : i32
        %swap3A_217 = arith.constant 0 : i32
        %swap3A_218 = arith.index_cast %swap3A_217 : i32 to index
        %swap3A_219 = arith.index_cast %add3A_216 : i32 to index
        %swap3A_220 = arith.constant 16 : index
        %swap3A_221 = tpu.vector_load %arg10[%swap3A_218, %swap3A_219, %swap3A_220] {strides = array<i32>} : memref<2x128x128xf32, #tpu.memory_space<vmem>>, vector<16xf32>,
        tpu.vector_store %arg10[%swap3A_218, %swap3A_219, %swap3A_220], %mul3A_214 {strides = array<i32>} : memref<2x128x128xf32, #tpu.memory_space<vmem>>, vector<16xf32>,
        %add3A_222 = arith.constant 0 : i32
        %add3A_223 = arith.addi %add3A_187, %add3A_222 : i32
        %get3A_224 = arith.constant 0 : i32
        %get3A_225 = arith.index_cast %get3A_224 : i32 to index
        %get3A_226 = arith.index_cast %add3A_223 : i32 to index
        %get3A_227 = arith.constant 32 : index
        %get3A_228 = tpu.vector_load %arg10[%get3A_225, %get3A_226, %get3A_227] {strides = array<i32>} : memref<2x128x128xf32, #tpu.memory_space<vmem>>, vector<16xf32>,
        %mul3A_229 = arith.mulf %get3A_228, %gather3A_192 : vector<16xf32>
        %add3A_230 = arith.constant 0 : i32
        %add3A_231 = arith.addi %add3A_187, %add3A_230 : i32
        %swap3A_232 = arith.constant 0 : i32
        %swap3A_233 = arith.index_cast %swap3A_232 : i32 to index
        %swap3A_234 = arith.index_cast %add3A_231 : i32 to index
        %swap3A_235 = arith.constant 32 : index
        %swap3A_236 = tpu.vector_load %arg10[%swap3A_233, %swap3A_234, %swap3A_235] {strides = array<i32>} : memref<2x128x128xf32, #tpu.memory_space<vmem>>, vector<16xf32>,
        tpu.vector_store %arg10[%swap3A_233, %swap3A_234, %swap3A_235], %mul3A_229 {strides = array<i32>} : memref<2x128x128xf32, #tpu.memory_space<vmem>>, vector<16xf32>,
        %add3A_237 = arith.constant 0 : i32
        %add3A_238 = arith.addi %add3A_187, %add3A_237 : i32
        %get3A_239 = arith.constant 0 : i32
        %get3A_240 = arith.index_cast %get3A_239 : i32 to index
        %get3A_241 = arith.index_cast %add3A_238 : i32 to index
        %get3A_242 = arith.constant 48 : index
        %get3A_243 = tpu.vector_load %arg10[%get3A_240, %get3A_241, %get3A_242] {strides = array<i32>} : memref<2x128x128xf32, #tpu.memory_space<vmem>>, vector<16xf32>,
        %mul3A_244 = arith.mulf %get3A_243, %gather3A_192 : vector<16xf32>
        %add3A_245 = arith.constant 0 : i32
        %add3A_246 = arith.addi %add3A_187, %add3A_245 : i32
        %swap3A_247 = arith.constant 0 : i32
        %swap3A_248 = arith.index_cast %swap3A_247 : i32 to index
        %swap3A_249 = arith.index_cast %add3A_246 : i32 to index
        %swap3A_250 = arith.constant 48 : index
        %swap3A_251 = tpu.vector_load %arg10[%swap3A_248, %swap3A_249, %swap3A_250] {strides = array<i32>} : memref<2x128x128xf32, #tpu.memory_space<vmem>>, vector<16xf32>,
        tpu.vector_store %arg10[%swap3A_248, %swap3A_249, %swap3A_250], %mul3A_244 {strides = array<i32>} : memref<2x128x128xf32, #tpu.memory_space<vmem>>, vector<16xf32>,
        %add3A_252 = arith.constant 0 : i32
        %add3A_253 = arith.addi %add3A_187, %add3A_252 : i32
        %get3A_254 = arith.constant 0 : i32
        %get3A_255 = arith.index_cast %get3A_254 : i32 to index
        %get3A_256 = arith.index_cast %add3A_253 : i32 to index
        %get3A_257 = arith.constant 64 : index
        %get3A_258 = tpu.vector_load %arg10[%get3A_255, %get3A_256, %get3A_257] {strides = array<i32>} : memref<2x128x128xf32, #tpu.memory_space<vmem>>, vector<16xf32>,
        %mul3A_259 = arith.mulf %get3A_258, %gather3A_192 : vector<16xf32>
        %add3A_260 = arith.constant 0 : i32
        %add3A_261 = arith.addi %add3A_187, %add3A_260 : i32
        %swap3A_262 = arith.constant 0 : i32
        %swap3A_263 = arith.index_cast %swap3A_262 : i32 to index
        %swap3A_264 = arith.index_cast %add3A_261 : i32 to index
        %swap3A_265 = arith.constant 64 : index
        %swap3A_266 = tpu.vector_load %arg10[%swap3A_263, %swap3A_264, %swap3A_265] {strides = array<i32>} : memref<2x128x128xf32, #tpu.memory_space<vmem>>, vector<16xf32>,
        tpu.vector_store %arg10[%swap3A_263, %swap3A_264, %swap3A_265], %mul3A_259 {strides = array<i32>} : memref<2x128x128xf32, #tpu.memory_space<vmem>>, vector<16xf32>,
        %add3A_267 = arith.constant 0 : i32
        %add3A_268 = arith.addi %add3A_187, %add3A_267 : i32
        %get3A_269 = arith.constant 0 : i32
        %get3A_270 = arith.index_cast %get3A_269 : i32 to index
        %get3A_271 = arith.index_cast %add3A_268 : i32 to index
        %get3A_272 = arith.constant 80 : index
        %get3A_273 = tpu.vector_load %arg10[%get3A_270, %get3A_271, %get3A_272] {strides = array<i32>} : memref<2x128x128xf32, #tpu.memory_space<vmem>>, vector<16xf32>,
        %mul3A_274 = arith.mulf %get3A_273, %gather3A_192 : vector<16xf32>
        %add3A_275 = arith.constant 0 : i32
        %add3A_276 = arith.addi %add3A_187, %add3A_275 : i32
        %swap3A_277 = arith.constant 0 : i32
        %swap3A_278 = arith.index_cast %swap3A_277 : i32 to index
        %swap3A_279 = arith.index_cast %add3A_276 : i32 to index
        %swap3A_280 = arith.constant 80 : index
        %swap3A_281 = tpu.vector_load %arg10[%swap3A_278, %swap3A_279, %swap3A_280] {strides = array<i32>} : memref<2x128x128xf32, #tpu.memory_space<vmem>>, vector<16xf32>,
        tpu.vector_store %arg10[%swap3A_278, %swap3A_279, %swap3A_280], %mul3A_274 {strides = array<i32>} : memref<2x128x128xf32, #tpu.memory_space<vmem>>, vector<16xf32>,
        %add3A_282 = arith.constant 0 : i32
        %add3A_283 = arith.addi %add3A_187, %add3A_282 : i32
        %get3A_284 = arith.constant 0 : i32
        %get3A_285 = arith.index_cast %get3A_284 : i32 to index
        %get3A_286 = arith.index_cast %add3A_283 : i32 to index
        %get3A_287 = arith.constant 96 : index
        %get3A_288 = tpu.vector_load %arg10[%get3A_285, %get3A_286, %get3A_287] {strides = array<i32>} : memref<2x128x128xf32, #tpu.memory_space<vmem>>, vector<16xf32>,
        %mul3A_289 = arith.mulf %get3A_288, %gather3A_192 : vector<16xf32>
        %add3A_290 = arith.constant 0 : i32
        %add3A_291 = arith.addi %add3A_187, %add3A_290 : i32
        %swap3A_292 = arith.constant 0 : i32
        %swap3A_293 = arith.index_cast %swap3A_292 : i32 to index
        %swap3A_294 = arith.index_cast %add3A_291 : i32 to index
        %swap3A_295 = arith.constant 96 : index
        %swap3A_296 = tpu.vector_load %arg10[%swap3A_293, %swap3A_294, %swap3A_295] {strides = array<i32>} : memref<2x128x128xf32, #tpu.memory_space<vmem>>, vector<16xf32>,
        tpu.vector_store %arg10[%swap3A_293, %swap3A_294, %swap3A_295], %mul3A_289 {strides = array<i32>} : memref<2x128x128xf32, #tpu.memory_space<vmem>>, vector<16xf32>,
        %add3A_297 = arith.constant 0 : i32
        %add3A_298 = arith.addi %add3A_187, %add3A_297 : i32
        %get3A_299 = arith.constant 0 : i32
        %get3A_300 = arith.index_cast %get3A_299 : i32 to index
        %get3A_301 = arith.index_cast %add3A_298 : i32 to index
        %get3A_302 = arith.constant 112 : index
        %get3A_303 = tpu.vector_load %arg10[%get3A_300, %get3A_301, %get3A_302] {strides = array<i32>} : memref<2x128x128xf32, #tpu.memory_space<vmem>>, vector<16xf32>,
        %mul3A_304 = arith.mulf %get3A_303, %gather3A_192 : vector<16xf32>
        %add3A_305 = arith.constant 0 : i32
        %add3A_306 = arith.addi %add3A_187, %add3A_305 : i32
        %swap3A_307 = arith.constant 0 : i32
        %swap3A_308 = arith.index_cast %swap3A_307 : i32 to index
        %swap3A_309 = arith.index_cast %add3A_306 : i32 to index
        %swap3A_310 = arith.constant 112 : index
        %swap3A_311 = tpu.vector_load %arg10[%swap3A_308, %swap3A_309, %swap3A_310] {strides = array<i32>} : memref<2x128x128xf32, #tpu.memory_space<vmem>>, vector<16xf32>,
        tpu.vector_store %arg10[%swap3A_308, %swap3A_309, %swap3A_310], %mul3A_304 {strides = array<i32>} : memref<2x128x128xf32, #tpu.memory_space<vmem>>, vector<16xf32>,
        %broadcast_in_dim3A_312 = arith.constant 1 : i32
        %broadcast_in_dim3A_313 = vector.broadcast %broadcast_in_dim3A_312 : i32 to vector<16x1xi32>
        %gather3A_314 = vector.shape_cast %broadcast_in_dim3A_313 : vector<16x1xi32> to vector<16xi32>
        %gather3A_315 = tpu.dynamic_gather %get3A_190[%gather3A_314] in [0] : vector<16xf32>, vector<16xi32> -> vector<16xf32>
        %add3A_316 = arith.constant 1 : i32
        %add3A_317 = arith.addi %add3A_187, %add3A_316 : i32
        %get3A_318 = arith.constant 0 : i32
        %get3A_319 = arith.index_cast %get3A_318 : i32 to index
        %get3A_320 = arith.index_cast %add3A_317 : i32 to index
        %get3A_321 = arith.constant 0 : index
        %get3A_322 = tpu.vector_load %arg10[%get3A_319, %get3A_320, %get3A_321] {strides = array<i32>} : memref<2x128x128xf32, #tpu.memory_space<vmem>>, vector<16xf32>,
        %mul3A_323 = arith.mulf %get3A_322, %gather3A_315 : vector<16xf32>
        %add3A_324 = arith.constant 1 : i32
        %add3A_325 = arith.addi %add3A_187, %add3A_324 : i32
        %swap3A_326 = arith.constant 0 : i32
        %swap3A_327 = arith.index_cast %swap3A_326 : i32 to index
        %swap3A_328 = arith.index_cast %add3A_325 : i32 to index
        %swap3A_329 = arith.constant 0 : index
        %swap3A_330 = tpu.vector_load %arg10[%swap3A_327, %swap3A_328, %swap3A_329] {strides = array<i32>} : memref<2x128x128xf32, #tpu.memory_space<vmem>>, vector<16xf32>,
        tpu.vector_store %arg10[%swap3A_327, %swap3A_328, %swap3A_329], %mul3A_323 {strides = array<i32>} : memref<2x128x128xf32, #tpu.memory_space<vmem>>, vector<16xf32>,
        %add3A_331 = arith.constant 1 : i32
        %add3A_332 = arith.addi %add3A_187, %add3A_331 : i32
        %get3A_333 = arith.constant 0 : i32
        %get3A_334 = arith.index_cast %get3A_333 : i32 to index
        %get3A_335 = arith.index_cast %add3A_332 : i32 to index
        %get3A_336 = arith.constant 16 : index
        %get3A_337 = tpu.vector_load %arg10[%get3A_334, %get3A_335, %get3A_336] {strides = array<i32>} : memref<2x128x128xf32, #tpu.memory_space<vmem>>, vector<16xf32>,
        %mul3A_338 = arith.mulf %get3A_337, %gather3A_315 : vector<16xf32>
        %add3A_339 = arith.constant 1 : i32
        %add3A_340 = arith.addi %add3A_187, %add3A_339 : i32
        %swap3A_341 = arith.constant 0 : i32
        %swap3A_342 = arith.index_cast %swap3A_341 : i32 to index
        %swap3A_343 = arith.index_cast %add3A_340 : i32 to index
        %swap3A_344 = arith.constant 16 : index
        %swap3A_345 = tpu.vector_load %arg10[%swap3A_342, %swap3A_343, %swap3A_344] {strides = array<i32>} : memref<2x128x128xf32, #tpu.memory_space<vmem>>, vector<16xf32>,
        tpu.vector_store %arg10[%swap3A_342, %swap3A_343, %swap3A_344], %mul3A_338 {strides = array<i32>} : memref<2x128x128xf32, #tpu.memory_space<vmem>>, vector<16xf32>,
        %add3A_346 = arith.constant 1 : i32
        %add3A_347 = arith.addi %add3A_187, %add3A_346 : i32
        %get3A_348 = arith.constant 0 : i32
        %get3A_349 = arith.index_cast %get3A_348 : i32 to index
        %get3A_350 = arith.index_cast %add3A_347 : i32 to index
        %get3A_351 = arith.constant 32 : index
        %get3A_352 = tpu.vector_load %arg10[%get3A_349, %get3A_350, %get3A_351] {strides = array<i32>} : memref<2x128x128xf32, #tpu.memory_space<vmem>>, vector<16xf32>,
        %mul3A_353 = arith.mulf %get3A_352, %gather3A_315 : vector<16xf32>
        %add3A_354 = arith.constant 1 : i32
        %add3A_355 = arith.addi %add3A_187, %add3A_354 : i32
        %swap3A_356 = arith.constant 0 : i32
        %swap3A_357 = arith.index_cast %swap3A_356 : i32 to index
        %swap3A_358 = arith.index_cast %add3A_355 : i32 to index
        %swap3A_359 = arith.constant 32 : index
        %swap3A_360 = tpu.vector_load %arg10[%swap3A_357, %swap3A_358, %swap3A_359] {strides = array<i32>} : memref<2x128x128xf32, #tpu.memory_space<vmem>>, vector<16xf32>,
        tpu.vector_store %arg10[%swap3A_357, %swap3A_358, %swap3A_359], %mul3A_353 {strides = array<i32>} : memref<2x128x128xf32, #tpu.memory_space<vmem>>, vector<16xf32>,
        %add3A_361 = arith.constant 1 : i32
        %add3A_362 = arith.addi %add3A_187, %add3A_361 : i32
        %get3A_363 = arith.constant 0 : i32
        %get3A_364 = arith.index_cast %get3A_363 : i32 to index
        %get3A_365 = arith.index_cast %add3A_362 : i32 to index
        %get3A_366 = arith.constant 48 : index
        %get3A_367 = tpu.vector_load %arg10[%get3A_364, %get3A_365, %get3A_366] {strides = array<i32>} : memref<2x128x128xf32, #tpu.memory_space<vmem>>, vector<16xf32>,
        %mul3A_368 = arith.mulf %get3A_367, %gather3A_315 : vector<16xf32>
        %add3A_369 = arith.constant 1 : i32
        %add3A_370 = arith.addi %add3A_187, %add3A_369 : i32
        %swap3A_371 = arith.constant 0 : i32
        %swap3A_372 = arith.index_cast %swap3A_371 : i32 to index
        %swap3A_373 = arith.index_cast %add3A_370 : i32 to index
        %swap3A_374 = arith.constant 48 : index
        %swap3A_375 = tpu.vector_load %arg10[%swap3A_372, %swap3A_373, %swap3A_374] {strides = array<i32>} : memref<2x128x128xf32, #tpu.memory_space<vmem>>, vector<16xf32>,
        tpu.vector_store %arg10[%swap3A_372, %swap3A_373, %swap3A_374], %mul3A_368 {strides = array<i32>} : memref<2x128x128xf32, #tpu.memory_space<vmem>>, vector<16xf32>,
        %add3A_376 = arith.constant 1 : i32
        %add3A_377 = arith.addi %add3A_187, %add3A_376 : i32
        %get3A_378 = arith.constant 0 : i32
        %get3A_379 = arith.index_cast %get3A_378 : i32 to index
        %get3A_380 = arith.index_cast %add3A_377 : i32 to index
        %get3A_381 = arith.constant 64 : index
        %get3A_382 = tpu.vector_load %arg10[%get3A_379, %get3A_380, %get3A_381] {strides = array<i32>} : memref<2x128x128xf32, #tpu.memory_space<vmem>>, vector<16xf32>,
        %mul3A_383 = arith.mulf %get3A_382, %gather3A_315 : vector<16xf32>
        %add3A_384 = arith.constant 1 : i32
        %add3A_385 = arith.addi %add3A_187, %add3A_384 : i32
        %swap3A_386 = arith.constant 0 : i32
        %swap3A_387 = arith.index_cast %swap3A_386 : i32 to index
        %swap3A_388 = arith.index_cast %add3A_385 : i32 to index
        %swap3A_389 = arith.constant 64 : index
        %swap3A_390 = tpu.vector_load %arg10[%swap3A_387, %swap3A_388, %swap3A_389] {strides = array<i32>} : memref<2x128x128xf32, #tpu.memory_space<vmem>>, vector<16xf32>,
        tpu.vector_store %arg10[%swap3A_387, %swap3A_388, %swap3A_389], %mul3A_383 {strides = array<i32>} : memref<2x128x128xf32, #tpu.memory_space<vmem>>, vector<16xf32>,
        %add3A_391 = arith.constant 1 : i32
        %add3A_392 = arith.addi %add3A_187, %add3A_391 : i32
        %get3A_393 = arith.constant 0 : i32
        %get3A_394 = arith.index_cast %get3A_393 : i32 to index
        %get3A_395 = arith.index_cast %add3A_392 : i32 to index
        %get3A_396 = arith.constant 80 : index
        %get3A_397 = tpu.vector_load %arg10[%get3A_394, %get3A_395, %get3A_396] {strides = array<i32>} : memref<2x128x128xf32, #tpu.memory_space<vmem>>, vector<16xf32>,
        %mul3A_398 = arith.mulf %get3A_397, %gather3A_315 : vector<16xf32>
        %add3A_399 = arith.constant 1 : i32
        %add3A_400 = arith.addi %add3A_187, %add3A_399 : i32
        %swap3A_401 = arith.constant 0 : i32
        %swap3A_402 = arith.index_cast %swap3A_401 : i32 to index
        %swap3A_403 = arith.index_cast %add3A_400 : i32 to index
        %swap3A_404 = arith.constant 80 : index
        %swap3A_405 = tpu.vector_load %arg10[%swap3A_402, %swap3A_403, %swap3A_404] {strides = array<i32>} : memref<2x128x128xf32, #tpu.memory_space<vmem>>, vector<16xf32>,
        tpu.vector_store %arg10[%swap3A_402, %swap3A_403, %swap3A_404], %mul3A_398 {strides = array<i32>} : memref<2x128x128xf32, #tpu.memory_space<vmem>>, vector<16xf32>,
        %add3A_406 = arith.constant 1 : i32
        %add3A_407 = arith.addi %add3A_187, %add3A_406 : i32
        %get3A_408 = arith.constant 0 : i32
        %get3A_409 = arith.index_cast %get3A_408 : i32 to index
        %get3A_410 = arith.index_cast %add3A_407 : i32 to index
        %get3A_411 = arith.constant 96 : index
        %get3A_412 = tpu.vector_load %arg10[%get3A_409, %get3A_410, %get3A_411] {strides = array<i32>} : memref<2x128x128xf32, #tpu.memory_space<vmem>>, vector<16xf32>,
        %mul3A_413 = arith.mulf %get3A_412, %gather3A_315 : vector<16xf32>
        %add3A_414 = arith.constant 1 : i32
        %add3A_415 = arith.addi %add3A_187, %add3A_414 : i32
        %swap3A_416 = arith.constant 0 : i32
        %swap3A_417 = arith.index_cast %swap3A_416 : i32 to index
        %swap3A_418 = arith.index_cast %add3A_415 : i32 to index
        %swap3A_419 = arith.constant 96 : index
        %swap3A_420 = tpu.vector_load %arg10[%swap3A_417, %swap3A_418, %swap3A_419] {strides = array<i32>} : memref<2x128x128xf32, #tpu.memory_space<vmem>>, vector<16xf32>,
        tpu.vector_store %arg10[%swap3A_417, %swap3A_418, %swap3A_419], %mul3A_413 {strides = array<i32>} : memref<2x128x128xf32, #tpu.memory_space<vmem>>, vector<16xf32>,
        %add3A_421 = arith.constant 1 : i32
        %add3A_422 = arith.addi %add3A_187, %add3A_421 : i32
        %get3A_423 = arith.constant 0 : i32
        %get3A_424 = arith.index_cast %get3A_423 : i32 to index
        %get3A_425 = arith.index_cast %add3A_422 : i32 to index
        %get3A_426 = arith.constant 112 : index
        %get3A_427 = tpu.vector_load %arg10[%get3A_424, %get3A_425, %get3A_426] {strides = array<i32>} : memref<2x128x128xf32, #tpu.memory_space<vmem>>, vector<16xf32>,
        %mul3A_428 = arith.mulf %get3A_427, %gather3A_315 : vector<16xf32>
        %add3A_429 = arith.constant 1 : i32
        %add3A_430 = arith.addi %add3A_187, %add3A_429 : i32
        %swap3A_431 = arith.constant 0 : i32
        %swap3A_432 = arith.index_cast %swap3A_431 : i32 to index
        %swap3A_433 = arith.index_cast %add3A_430 : i32 to index
        %swap3A_434 = arith.constant 112 : index
        %swap3A_435 = tpu.vector_load %arg10[%swap3A_432, %swap3A_433, %swap3A_434] {strides = array<i32>} : memref<2x128x128xf32, #tpu.memory_space<vmem>>, vector<16xf32>,
        tpu.vector_store %arg10[%swap3A_432, %swap3A_433, %swap3A_434], %mul3A_428 {strides = array<i32>} : memref<2x128x128xf32, #tpu.memory_space<vmem>>, vector<16xf32>,
        %broadcast_in_dim3A_436 = arith.constant 2 : i32
        %broadcast_in_dim3A_437 = vector.broadcast %broadcast_in_dim3A_436 : i32 to vector<16x1xi32>
        %gather3A_438 = vector.shape_cast %broadcast_in_dim3A_437 : vector<16x1xi32> to vector<16xi32>
        %gather3A_439 = tpu.dynamic_gather %get3A_190[%gather3A_438] in [0] : vector<16xf32>, vector<16xi32> -> vector<16xf32>
        %add3A_440 = arith.constant 2 : i32
        %add3A_441 = arith.addi %add3A_187, %add3A_440 : i32
        %get3A_442 = arith.constant 0 : i32
        %get3A_443 = arith.index_cast %get3A_442 : i32 to index
        %get3A_444 = arith.index_cast %add3A_441 : i32 to index
        %get3A_445 = arith.constant 0 : index
        %get3A_446 = tpu.vector_load %arg10[%get3A_443, %get3A_444, %get3A_445] {strides = array<i32>} : memref<2x128x128xf32, #tpu.memory_space<vmem>>, vector<16xf32>,
        %mul3A_447 = arith.mulf %get3A_446, %gather3A_439 : vector<16xf32>
        %add3A_448 = arith.constant 2 : i32
        %add3A_449 = arith.addi %add3A_187, %add3A_448 : i32
        %swap3A_450 = arith.constant 0 : i32
        %swap3A_451 = arith.index_cast %swap3A_450 : i32 to index
        %swap3A_452 = arith.index_cast %add3A_449 : i32 to index
        %swap3A_453 = arith.constant 0 : index
        %swap3A_454 = tpu.vector_load %arg10[%swap3A_451, %swap3A_452, %swap3A_453] {strides = array<i32>} : memref<2x128x128xf32, #tpu.memory_space<vmem>>, vector<16xf32>,
        tpu.vector_store %arg10[%swap3A_451, %swap3A_452, %swap3A_453], %mul3A_447 {strides = array<i32>} : memref<2x128x128xf32, #tpu.memory_space<vmem>>, vector<16xf32>,
        %add3A_455 = arith.constant 2 : i32
        %add3A_456 = arith.addi %add3A_187, %add3A_455 : i32
        %get3A_457 = arith.constant 0 : i32
        %get3A_458 = arith.index_cast %get3A_457 : i32 to index
        %get3A_459 = arith.index_cast %add3A_456 : i32 to index
        %get3A_460 = arith.constant 16 : index
        %get3A_461 = tpu.vector_load %arg10[%get3A_458, %get3A_459, %get3A_460] {strides = array<i32>} : memref<2x128x128xf32, #tpu.memory_space<vmem>>, vector<16xf32>,
        %mul3A_462 = arith.mulf %get3A_461, %gather3A_439 : vector<16xf32>
        %add3A_463 = arith.constant 2 : i32
        %add3A_464 = arith.addi %add3A_187, %add3A_463 : i32
        %swap3A_465 = arith.constant 0 : i32
        %swap3A_466 = arith.index_cast %swap3A_465 : i32 to index
        %swap3A_467 = arith.index_cast %add3A_464 : i32 to index
        %swap3A_468 = arith.constant 16 : index
        %swap3A_469 = tpu.vector_load %arg10[%swap3A_466, %swap3A_467, %swap3A_468] {strides = array<i32>} : memref<2x128x128xf32, #tpu.memory_space<vmem>>, vector<16xf32>,
        tpu.vector_store %arg10[%swap3A_466, %swap3A_467, %swap3A_468], %mul3A_462 {strides = array<i32>} : memref<2x128x128xf32, #tpu.memory_space<vmem>>, vector<16xf32>,
        %add3A_470 = arith.constant 2 : i32
        %add3A_471 = arith.addi %add3A_187, %add3A_470 : i32
        %get3A_472 = arith.constant 0 : i32
        %get3A_473 = arith.index_cast %get3A_472 : i32 to index
        %get3A_474 = arith.index_cast %add3A_471 : i32 to index
        %get3A_475 = arith.constant 32 : index
        %get3A_476 = tpu.vector_load %arg10[%get3A_473, %get3A_474, %get3A_475] {strides = array<i32>} : memref<2x128x128xf32, #tpu.memory_space<vmem>>, vector<16xf32>,
        %mul3A_477 = arith.mulf %get3A_476, %gather3A_439 : vector<16xf32>
        %add3A_478 = arith.constant 2 : i32
        %add3A_479 = arith.addi %add3A_187, %add3A_478 : i32
        %swap3A_480 = arith.constant 0 : i32
        %swap3A_481 = arith.index_cast %swap3A_480 : i32 to index
        %swap3A_482 = arith.index_cast %add3A_479 : i32 to index
        %swap3A_483 = arith.constant 32 : index
        %swap3A_484 = tpu.vector_load %arg10[%swap3A_481, %swap3A_482, %swap3A_483] {strides = array<i32>} : memref<2x128x128xf32, #tpu.memory_space<vmem>>, vector<16xf32>,
        tpu.vector_store %arg10[%swap3A_481, %swap3A_482, %swap3A_483], %mul3A_477 {strides = array<i32>} : memref<2x128x128xf32, #tpu.memory_space<vmem>>, vector<16xf32>,
        %add3A_485 = arith.constant 2 : i32
        %add3A_486 = arith.addi %add3A_187, %add3A_485 : i32
        %get3A_487 = arith.constant 0 : i32
        %get3A_488 = arith.index_cast %get3A_487 : i32 to index
        %get3A_489 = arith.index_cast %add3A_486 : i32 to index
        %get3A_490 = arith.constant 48 : index
        %get3A_491 = tpu.vector_load %arg10[%get3A_488, %get3A_489, %get3A_490] {strides = array<i32>} : memref<2x128x128xf32, #tpu.memory_space<vmem>>, vector<16xf32>,
        %mul3A_492 = arith.mulf %get3A_491, %gather3A_439 : vector<16xf32>
        %add3A_493 = arith.constant 2 : i32
        %add3A_494 = arith.addi %add3A_187, %add3A_493 : i32
        %swap3A_495 = arith.constant 0 : i32
        %swap3A_496 = arith.index_cast %swap3A_495 : i32 to index
        %swap3A_497 = arith.index_cast %add3A_494 : i32 to index
        %swap3A_498 = arith.constant 48 : index
        %swap3A_499 = tpu.vector_load %arg10[%swap3A_496, %swap3A_497, %swap3A_498] {strides = array<i32>} : memref<2x128x128xf32, #tpu.memory_space<vmem>>, vector<16xf32>,
        tpu.vector_store %arg10[%swap3A_496, %swap3A_497, %swap3A_498], %mul3A_492 {strides = array<i32>} : memref<2x128x128xf32, #tpu.memory_space<vmem>>, vector<16xf32>,
        %add3A_500 = arith.constant 2 : i32
        %add3A_501 = arith.addi %add3A_187, %add3A_500 : i32
        %get3A_502 = arith.constant 0 : i32
        %get3A_503 = arith.index_cast %get3A_502 : i32 to index
        %get3A_504 = arith.index_cast %add3A_501 : i32 to index
        %get3A_505 = arith.constant 64 : index
        %get3A_506 = tpu.vector_load %arg10[%get3A_503, %get3A_504, %get3A_505] {strides = array<i32>} : memref<2x128x128xf32, #tpu.memory_space<vmem>>, vector<16xf32>,
        %mul3A_507 = arith.mulf %get3A_506, %gather3A_439 : vector<16xf32>
        %add3A_508 = arith.constant 2 : i32
        %add3A_509 = arith.addi %add3A_187, %add3A_508 : i32
        %swap3A_510 = arith.constant 0 : i32
        %swap3A_511 = arith.index_cast %swap3A_510 : i32 to index
        %swap3A_512 = arith.index_cast %add3A_509 : i32 to index
        %swap3A_513 = arith.constant 64 : index
        %swap3A_514 = tpu.vector_load %arg10[%swap3A_511, %swap3A_512, %swap3A_513] {strides = array<i32>} : memref<2x128x128xf32, #tpu.memory_space<vmem>>, vector<16xf32>,
        tpu.vector_store %arg10[%swap3A_511, %swap3A_512, %swap3A_513], %mul3A_507 {strides = array<i32>} : memref<2x128x128xf32, #tpu.memory_space<vmem>>, vector<16xf32>,
        %add3A_515 = arith.constant 2 : i32
        %add3A_516 = arith.addi %add3A_187, %add3A_515 : i32
        %get3A_517 = arith.constant 0 : i32
        %get3A_518 = arith.index_cast %get3A_517 : i32 to index
        %get3A_519 = arith.index_cast %add3A_516 : i32 to index
        %get3A_520 = arith.constant 80 : index
        %get3A_521 = tpu.vector_load %arg10[%get3A_518, %get3A_519, %get3A_520] {strides = array<i32>} : memref<2x128x128xf32, #tpu.memory_space<vmem>>, vector<16xf32>,
        %mul3A_522 = arith.mulf %get3A_521, %gather3A_439 : vector<16xf32>
        %add3A_523 = arith.constant 2 : i32
        %add3A_524 = arith.addi %add3A_187, %add3A_523 : i32
        %swap3A_525 = arith.constant 0 : i32
        %swap3A_526 = arith.index_cast %swap3A_525 : i32 to index
        %swap3A_527 = arith.index_cast %add3A_524 : i32 to index
        %swap3A_528 = arith.constant 80 : index
        %swap3A_529 = tpu.vector_load %arg10[%swap3A_526, %swap3A_527, %swap3A_528] {strides = array<i32>} : memref<2x128x128xf32, #tpu.memory_space<vmem>>, vector<16xf32>,
        tpu.vector_store %arg10[%swap3A_526, %swap3A_527, %swap3A_528], %mul3A_522 {strides = array<i32>} : memref<2x128x128xf32, #tpu.memory_space<vmem>>, vector<16xf32>,
        %add3A_530 = arith.constant 2 : i32
        %add3A_531 = arith.addi %add3A_187, %add3A_530 : i32
        %get3A_532 = arith.constant 0 : i32
        %get3A_533 = arith.index_cast %get3A_532 : i32 to index
        %get3A_534 = arith.index_cast %add3A_531 : i32 to index
        %get3A_535 = arith.constant 96 : index
        %get3A_536 = tpu.vector_load %arg10[%get3A_533, %get3A_534, %get3A_535] {strides = array<i32>} : memref<2x128x128xf32, #tpu.memory_space<vmem>>, vector<16xf32>,
        %mul3A_537 = arith.mulf %get3A_536, %gather3A_439 : vector<16xf32>
        %add3A_538 = arith.constant 2 : i32
        %add3A_539 = arith.addi %add3A_187, %add3A_538 : i32
        %swap3A_540 = arith.constant 0 : i32
        %swap3A_541 = arith.index_cast %swap3A_540 : i32 to index
        %swap3A_542 = arith.index_cast %add3A_539 : i32 to index
        %swap3A_543 = arith.constant 96 : index
        %swap3A_544 = tpu.vector_load %arg10[%swap3A_541, %swap3A_542, %swap3A_543] {strides = array<i32>} : memref<2x128x128xf32, #tpu.memory_space<vmem>>, vector<16xf32>,
        tpu.vector_store %arg10[%swap3A_541, %swap3A_542, %swap3A_543], %mul3A_537 {strides = array<i32>} : memref<2x128x128xf32, #tpu.memory_space<vmem>>, vector<16xf32>,
        %add3A_545 = arith.constant 2 : i32
        %add3A_546 = arith.addi %add3A_187, %add3A_545 : i32
        %get3A_547 = arith.constant 0 : i32
        %get3A_548 = arith.index_cast %get3A_547 : i32 to index
        %get3A_549 = arith.index_cast %add3A_546 : i32 to index
        %get3A_550 = arith.constant 112 : index
        %get3A_551 = tpu.vector_load %arg10[%get3A_548, %get3A_549, %get3A_550] {strides = array<i32>} : memref<2x128x128xf32, #tpu.memory_space<vmem>>, vector<16xf32>,
        %mul3A_552 = arith.mulf %get3A_551, %gather3A_439 : vector<16xf32>
        %add3A_553 = arith.constant 2 : i32
        %add3A_554 = arith.addi %add3A_187, %add3A_553 : i32
        %swap3A_555 = arith.constant 0 : i32
        %swap3A_556 = arith.index_cast %swap3A_555 : i32 to index
        %swap3A_557 = arith.index_cast %add3A_554 : i32 to index
        %swap3A_558 = arith.constant 112 : index
        %swap3A_559 = tpu.vector_load %arg10[%swap3A_556, %swap3A_557, %swap3A_558] {strides = array<i32>} : memref<2x128x128xf32, #tpu.memory_space<vmem>>, vector<16xf32>,
        tpu.vector_store %arg10[%swap3A_556, %swap3A_557, %swap3A_558], %mul3A_552 {strides = array<i32>} : memref<2x128x128xf32, #tpu.memory_space<vmem>>, vector<16xf32>,
        %broadcast_in_dim3A_560 = arith.constant 3 : i32
        %broadcast_in_dim3A_561 = vector.broadcast %broadcast_in_dim3A_560 : i32 to vector<16x1xi32>
        %gather3A_562 = vector.shape_cast %broadcast_in_dim3A_561 : vector<16x1xi32> to vector<16xi32>
        %gather3A_563 = tpu.dynamic_gather %get3A_190[%gather3A_562] in [0] : vector<16xf32>, vector<16xi32> -> vector<16xf32>
        %add3A_564 = arith.constant 3 : i32
        %add3A_565 = arith.addi %add3A_187, %add3A_564 : i32
        %get3A_566 = arith.constant 0 : i32
        %get3A_567 = arith.index_cast %get3A_566 : i32 to index
        %get3A_568 = arith.index_cast %add3A_565 : i32 to index
        %get3A_569 = arith.constant 0 : index
        %get3A_570 = tpu.vector_load %arg10[%get3A_567, %get3A_568, %get3A_569] {strides = array<i32>} : memref<2x128x128xf32, #tpu.memory_space<vmem>>, vector<16xf32>,
        %mul3A_571 = arith.mulf %get3A_570, %gather3A_563 : vector<16xf32>
        %add3A_572 = arith.constant 3 : i32
        %add3A_573 = arith.addi %add3A_187, %add3A_572 : i32
        %swap3A_574 = arith.constant 0 : i32
        %swap3A_575 = arith.index_cast %swap3A_574 : i32 to index
        %swap3A_576 = arith.index_cast %add3A_573 : i32 to index
        %swap3A_577 = arith.constant 0 : index
        %swap3A_578 = tpu.vector_load %arg10[%swap3A_575, %swap3A_576, %swap3A_577] {strides = array<i32>} : memref<2x128x128xf32, #tpu.memory_space<vmem>>, vector<16xf32>,
        tpu.vector_store %arg10[%swap3A_575, %swap3A_576, %swap3A_577], %mul3A_571 {strides = array<i32>} : memref<2x128x128xf32, #tpu.memory_space<vmem>>, vector<16xf32>,
        %add3A_579 = arith.constant 3 : i32
        %add3A_580 = arith.addi %add3A_187, %add3A_579 : i32
        %get3A_581 = arith.constant 0 : i32
        %get3A_582 = arith.index_cast %get3A_581 : i32 to index
        %get3A_583 = arith.index_cast %add3A_580 : i32 to index
        %get3A_584 = arith.constant 16 : index
        %get3A_585 = tpu.vector_load %arg10[%get3A_582, %get3A_583, %get3A_584] {strides = array<i32>} : memref<2x128x128xf32, #tpu.memory_space<vmem>>, vector<16xf32>,
        %mul3A_586 = arith.mulf %get3A_585, %gather3A_563 : vector<16xf32>
        %add3A_587 = arith.constant 3 : i32
        %add3A_588 = arith.addi %add3A_187, %add3A_587 : i32
        %swap3A_589 = arith.constant 0 : i32
        %swap3A_590 = arith.index_cast %swap3A_589 : i32 to index
        %swap3A_591 = arith.index_cast %add3A_588 : i32 to index
        %swap3A_592 = arith.constant 16 : index
        %swap3A_593 = tpu.vector_load %arg10[%swap3A_590, %swap3A_591, %swap3A_592] {strides = array<i32>} : memref<2x128x128xf32, #tpu.memory_space<vmem>>, vector<16xf32>,
        tpu.vector_store %arg10[%swap3A_590, %swap3A_591, %swap3A_592], %mul3A_586 {strides = array<i32>} : memref<2x128x128xf32, #tpu.memory_space<vmem>>, vector<16xf32>,
        %add3A_594 = arith.constant 3 : i32
        %add3A_595 = arith.addi %add3A_187, %add3A_594 : i32
        %get3A_596 = arith.constant 0 : i32
        %get3A_597 = arith.index_cast %get3A_596 : i32 to index
        %get3A_598 = arith.index_cast %add3A_595 : i32 to index
        %get3A_599 = arith.constant 32 : index
        %get3A_600 = tpu.vector_load %arg10[%get3A_597, %get3A_598, %get3A_599] {strides = array<i32>} : memref<2x128x128xf32, #tpu.memory_space<vmem>>, vector<16xf32>,
        %mul3A_601 = arith.mulf %get3A_600, %gather3A_563 : vector<16xf32>
        %add3A_602 = arith.constant 3 : i32
        %add3A_603 = arith.addi %add3A_187, %add3A_602 : i32
        %swap3A_604 = arith.constant 0 : i32
        %swap3A_605 = arith.index_cast %swap3A_604 : i32 to index
        %swap3A_606 = arith.index_cast %add3A_603 : i32 to index
        %swap3A_607 = arith.constant 32 : index
        %swap3A_608 = tpu.vector_load %arg10[%swap3A_605, %swap3A_606, %swap3A_607] {strides = array<i32>} : memref<2x128x128xf32, #tpu.memory_space<vmem>>, vector<16xf32>,
        tpu.vector_store %arg10[%swap3A_605, %swap3A_606, %swap3A_607], %mul3A_601 {strides = array<i32>} : memref<2x128x128xf32, #tpu.memory_space<vmem>>, vector<16xf32>,
        %add3A_609 = arith.constant 3 : i32
        %add3A_610 = arith.addi %add3A_187, %add3A_609 : i32
        %get3A_611 = arith.constant 0 : i32
        %get3A_612 = arith.index_cast %get3A_611 : i32 to index
        %get3A_613 = arith.index_cast %add3A_610 : i32 to index
        %get3A_614 = arith.constant 48 : index
        %get3A_615 = tpu.vector_load %arg10[%get3A_612, %get3A_613, %get3A_614] {strides = array<i32>} : memref<2x128x128xf32, #tpu.memory_space<vmem>>, vector<16xf32>,
        %mul3A_616 = arith.mulf %get3A_615, %gather3A_563 : vector<16xf32>
        %add3A_617 = arith.constant 3 : i32
        %add3A_618 = arith.addi %add3A_187, %add3A_617 : i32
        %swap3A_619 = arith.constant 0 : i32
        %swap3A_620 = arith.index_cast %swap3A_619 : i32 to index
        %swap3A_621 = arith.index_cast %add3A_618 : i32 to index
        %swap3A_622 = arith.constant 48 : index
        %swap3A_623 = tpu.vector_load %arg10[%swap3A_620, %swap3A_621, %swap3A_622] {strides = array<i32>} : memref<2x128x128xf32, #tpu.memory_space<vmem>>, vector<16xf32>,
        tpu.vector_store %arg10[%swap3A_620, %swap3A_621, %swap3A_622], %mul3A_616 {strides = array<i32>} : memref<2x128x128xf32, #tpu.memory_space<vmem>>, vector<16xf32>,
        %add3A_624 = arith.constant 3 : i32
        %add3A_625 = arith.addi %add3A_187, %add3A_624 : i32
        %get3A_626 = arith.constant 0 : i32
        %get3A_627 = arith.index_cast %get3A_626 : i32 to index
        %get3A_628 = arith.index_cast %add3A_625 : i32 to index
        %get3A_629 = arith.constant 64 : index
        %get3A_630 = tpu.vector_load %arg10[%get3A_627, %get3A_628, %get3A_629] {strides = array<i32>} : memref<2x128x128xf32, #tpu.memory_space<vmem>>, vector<16xf32>,
        %mul3A_631 = arith.mulf %get3A_630, %gather3A_563 : vector<16xf32>
        %add3A_632 = arith.constant 3 : i32
        %add3A_633 = arith.addi %add3A_187, %add3A_632 : i32
        %swap3A_634 = arith.constant 0 : i32
        %swap3A_635 = arith.index_cast %swap3A_634 : i32 to index
        %swap3A_636 = arith.index_cast %add3A_633 : i32 to index
        %swap3A_637 = arith.constant 64 : index
        %swap3A_638 = tpu.vector_load %arg10[%swap3A_635, %swap3A_636, %swap3A_637] {strides = array<i32>} : memref<2x128x128xf32, #tpu.memory_space<vmem>>, vector<16xf32>,
        tpu.vector_store %arg10[%swap3A_635, %swap3A_636, %swap3A_637], %mul3A_631 {strides = array<i32>} : memref<2x128x128xf32, #tpu.memory_space<vmem>>, vector<16xf32>,
        %add3A_639 = arith.constant 3 : i32
        %add3A_640 = arith.addi %add3A_187, %add3A_639 : i32
        %get3A_641 = arith.constant 0 : i32
        %get3A_642 = arith.index_cast %get3A_641 : i32 to index
        %get3A_643 = arith.index_cast %add3A_640 : i32 to index
        %get3A_644 = arith.constant 80 : index
        %get3A_645 = tpu.vector_load %arg10[%get3A_642, %get3A_643, %get3A_644] {strides = array<i32>} : memref<2x128x128xf32, #tpu.memory_space<vmem>>, vector<16xf32>,
        %mul3A_646 = arith.mulf %get3A_645, %gather3A_563 : vector<16xf32>
        %add3A_647 = arith.constant 3 : i32
        %add3A_648 = arith.addi %add3A_187, %add3A_647 : i32
        %swap3A_649 = arith.constant 0 : i32
        %swap3A_650 = arith.index_cast %swap3A_649 : i32 to index
        %swap3A_651 = arith.index_cast %add3A_648 : i32 to index
        %swap3A_652 = arith.constant 80 : index
        %swap3A_653 = tpu.vector_load %arg10[%swap3A_650, %swap3A_651, %swap3A_652] {strides = array<i32>} : memref<2x128x128xf32, #tpu.memory_space<vmem>>, vector<16xf32>,
        tpu.vector_store %arg10[%swap3A_650, %swap3A_651, %swap3A_652], %mul3A_646 {strides = array<i32>} : memref<2x128x128xf32, #tpu.memory_space<vmem>>, vector<16xf32>,
        %add3A_654 = arith.constant 3 : i32
        %add3A_655 = arith.addi %add3A_187, %add3A_654 : i32
        %get3A_656 = arith.constant 0 : i32
        %get3A_657 = arith.index_cast %get3A_656 : i32 to index
        %get3A_658 = arith.index_cast %add3A_655 : i32 to index
        %get3A_659 = arith.constant 96 : index
        %get3A_660 = tpu.vector_load %arg10[%get3A_657, %get3A_658, %get3A_659] {strides = array<i32>} : memref<2x128x128xf32, #tpu.memory_space<vmem>>, vector<16xf32>,
        %mul3A_661 = arith.mulf %get3A_660, %gather3A_563 : vector<16xf32>
        %add3A_662 = arith.constant 3 : i32
        %add3A_663 = arith.addi %add3A_187, %add3A_662 : i32
        %swap3A_664 = arith.constant 0 : i32
        %swap3A_665 = arith.index_cast %swap3A_664 : i32 to index
        %swap3A_666 = arith.index_cast %add3A_663 : i32 to index
        %swap3A_667 = arith.constant 96 : index
        %swap3A_668 = tpu.vector_load %arg10[%swap3A_665, %swap3A_666, %swap3A_667] {strides = array<i32>} : memref<2x128x128xf32, #tpu.memory_space<vmem>>, vector<16xf32>,
        tpu.vector_store %arg10[%swap3A_665, %swap3A_666, %swap3A_667], %mul3A_661 {strides = array<i32>} : memref<2x128x128xf32, #tpu.memory_space<vmem>>, vector<16xf32>,
        %add3A_669 = arith.constant 3 : i32
        %add3A_670 = arith.addi %add3A_187, %add3A_669 : i32
        %get3A_671 = arith.constant 0 : i32
        %get3A_672 = arith.index_cast %get3A_671 : i32 to index
        %get3A_673 = arith.index_cast %add3A_670 : i32 to index
        %get3A_674 = arith.constant 112 : index
        %get3A_675 = tpu.vector_load %arg10[%get3A_672, %get3A_673, %get3A_674] {strides = array<i32>} : memref<2x128x128xf32, #tpu.memory_space<vmem>>, vector<16xf32>,
        %mul3A_676 = arith.mulf %get3A_675, %gather3A_563 : vector<16xf32>
        %add3A_677 = arith.constant 3 : i32
        %add3A_678 = arith.addi %add3A_187, %add3A_677 : i32
        %swap3A_679 = arith.constant 0 : i32
        %swap3A_680 = arith.index_cast %swap3A_679 : i32 to index
        %swap3A_681 = arith.index_cast %add3A_678 : i32 to index
        %swap3A_682 = arith.constant 112 : index
        %swap3A_683 = tpu.vector_load %arg10[%swap3A_680, %swap3A_681, %swap3A_682] {strides = array<i32>} : memref<2x128x128xf32, #tpu.memory_space<vmem>>, vector<16xf32>,
        tpu.vector_store %arg10[%swap3A_680, %swap3A_681, %swap3A_682], %mul3A_676 {strides = array<i32>} : memref<2x128x128xf32, #tpu.memory_space<vmem>>, vector<16xf32>,
        %broadcast_in_dim3A_684 = arith.constant 4 : i32
        %broadcast_in_dim3A_685 = vector.broadcast %broadcast_in_dim3A_684 : i32 to vector<16x1xi32>
        %gather3A_686 = vector.shape_cast %broadcast_in_dim3A_685 : vector<16x1xi32> to vector<16xi32>
        %gather3A_687 = tpu.dynamic_gather %get3A_190[%gather3A_686] in [0] : vector<16xf32>, vector<16xi32> -> vector<16xf32>
        %add3A_688 = arith.constant 4 : i32
        %add3A_689 = arith.addi %add3A_187, %add3A_688 : i32
        %get3A_690 = arith.constant 0 : i32
        %get3A_691 = arith.index_cast %get3A_690 : i32 to index
        %get3A_692 = arith.index_cast %add3A_689 : i32 to index
        %get3A_693 = arith.constant 0 : index
        %get3A_694 = tpu.vector_load %arg10[%get3A_691, %get3A_692, %get3A_693] {strides = array<i32>} : memref<2x128x128xf32, #tpu.memory_space<vmem>>, vector<16xf32>,
        %mul3A_695 = arith.mulf %get3A_694, %gather3A_687 : vector<16xf32>
        %add3A_696 = arith.constant 4 : i32
        %add3A_697 = arith.addi %add3A_187, %add3A_696 : i32
        %swap3A_698 = arith.constant 0 : i32
        %swap3A_699 = arith.index_cast %swap3A_698 : i32 to index
        %swap3A_700 = arith.index_cast %add3A_697 : i32 to index
        %swap3A_701 = arith.constant 0 : index
        %swap3A_702 = tpu.vector_load %arg10[%swap3A_699, %swap3A_700, %swap3A_701] {strides = array<i32>} : memref<2x128x128xf32, #tpu.memory_space<vmem>>, vector<16xf32>,
        tpu.vector_store %arg10[%swap3A_699, %swap3A_700, %swap3A_701], %mul3A_695 {strides = array<i32>} : memref<2x128x128xf32, #tpu.memory_space<vmem>>, vector<16xf32>,
        %add3A_703 = arith.constant 4 : i32
        %add3A_704 = arith.addi %add3A_187, %add3A_703 : i32
        %get3A_705 = arith.constant 0 : i32
        %get3A_706 = arith.index_cast %get3A_705 : i32 to index
        %get3A_707 = arith.index_cast %add3A_704 : i32 to index
        %get3A_708 = arith.constant 16 : index
        %get3A_709 = tpu.vector_load %arg10[%get3A_706, %get3A_707, %get3A_708] {strides = array<i32>} : memref<2x128x128xf32, #tpu.memory_space<vmem>>, vector<16xf32>,
        %mul3A_710 = arith.mulf %get3A_709, %gather3A_687 : vector<16xf32>
        %add3A_711 = arith.constant 4 : i32
        %add3A_712 = arith.addi %add3A_187, %add3A_711 : i32
        %swap3A_713 = arith.constant 0 : i32
        %swap3A_714 = arith.index_cast %swap3A_713 : i32 to index
        %swap3A_715 = arith.index_cast %add3A_712 : i32 to index
        %swap3A_716 = arith.constant 16 : index
        %swap3A_717 = tpu.vector_load %arg10[%swap3A_714, %swap3A_715, %swap3A_716] {strides = array<i32>} : memref<2x128x128xf32, #tpu.memory_space<vmem>>, vector<16xf32>,
        tpu.vector_store %arg10[%swap3A_714, %swap3A_715, %swap3A_716], %mul3A_710 {strides = array<i32>} : memref<2x128x128xf32, #tpu.memory_space<vmem>>, vector<16xf32>,
        %add3A_718 = arith.constant 4 : i32
        %add3A_719 = arith.addi %add3A_187, %add3A_718 : i32
        %get3A_720 = arith.constant 0 : i32
        %get3A_721 = arith.index_cast %get3A_720 : i32 to index
        %get3A_722 = arith.index_cast %add3A_719 : i32 to index
        %get3A_723 = arith.constant 32 : index
        %get3A_724 = tpu.vector_load %arg10[%get3A_721, %get3A_722, %get3A_723] {strides = array<i32>} : memref<2x128x128xf32, #tpu.memory_space<vmem>>, vector<16xf32>,
        %mul3A_725 = arith.mulf %get3A_724, %gather3A_687 : vector<16xf32>
        %add3A_726 = arith.constant 4 : i32
        %add3A_727 = arith.addi %add3A_187, %add3A_726 : i32
        %swap3A_728 = arith.constant 0 : i32
        %swap3A_729 = arith.index_cast %swap3A_728 : i32 to index
        %swap3A_730 = arith.index_cast %add3A_727 : i32 to index
        %swap3A_731 = arith.constant 32 : index
        %swap3A_732 = tpu.vector_load %arg10[%swap3A_729, %swap3A_730, %swap3A_731] {strides = array<i32>} : memref<2x128x128xf32, #tpu.memory_space<vmem>>, vector<16xf32>,
        tpu.vector_store %arg10[%swap3A_729, %swap3A_730, %swap3A_731], %mul3A_725 {strides = array<i32>} : memref<2x128x128xf32, #tpu.memory_space<vmem>>, vector<16xf32>,
        %add3A_733 = arith.constant 4 : i32
        %add3A_734 = arith.addi %add3A_187, %add3A_733 : i32
        %get3A_735 = arith.constant 0 : i32
        %get3A_736 = arith.index_cast %get3A_735 : i32 to index
        %get3A_737 = arith.index_cast %add3A_734 : i32 to index
        %get3A_738 = arith.constant 48 : index
        %get3A_739 = tpu.vector_load %arg10[%get3A_736, %get3A_737, %get3A_738] {strides = array<i32>} : memref<2x128x128xf32, #tpu.memory_space<vmem>>, vector<16xf32>,
        %mul3A_740 = arith.mulf %get3A_739, %gather3A_687 : vector<16xf32>
        %add3A_741 = arith.constant 4 : i32
        %add3A_742 = arith.addi %add3A_187, %add3A_741 : i32
        %swap3A_743 = arith.constant 0 : i32
        %swap3A_744 = arith.index_cast %swap3A_743 : i32 to index
        %swap3A_745 = arith.index_cast %add3A_742 : i32 to index
        %swap3A_746 = arith.constant 48 : index
        %swap3A_747 = tpu.vector_load %arg10[%swap3A_744, %swap3A_745, %swap3A_746] {strides = array<i32>} : memref<2x128x128xf32, #tpu.memory_space<vmem>>, vector<16xf32>,
        tpu.vector_store %arg10[%swap3A_744, %swap3A_745, %swap3A_746], %mul3A_740 {strides = array<i32>} : memref<2x128x128xf32, #tpu.memory_space<vmem>>, vector<16xf32>,
        %add3A_748 = arith.constant 4 : i32
        %add3A_749 = arith.addi %add3A_187, %add3A_748 : i32
        %get3A_750 = arith.constant 0 : i32
        %get3A_751 = arith.index_cast %get3A_750 : i32 to index
        %get3A_752 = arith.index_cast %add3A_749 : i32 to index
        %get3A_753 = arith.constant 64 : index
        %get3A_754 = tpu.vector_load %arg10[%get3A_751, %get3A_752, %get3A_753] {strides = array<i32>} : memref<2x128x128xf32, #tpu.memory_space<vmem>>, vector<16xf32>,
        %mul3A_755 = arith.mulf %get3A_754, %gather3A_687 : vector<16xf32>
        %add3A_756 = arith.constant 4 : i32
        %add3A_757 = arith.addi %add3A_187, %add3A_756 : i32
        %swap3A_758 = arith.constant 0 : i32
        %swap3A_759 = arith.index_cast %swap3A_758 : i32 to index
        %swap3A_760 = arith.index_cast %add3A_757 : i32 to index
        %swap3A_761 = arith.constant 64 : index
        %swap3A_762 = tpu.vector_load %arg10[%swap3A_759, %swap3A_760, %swap3A_761] {strides = array<i32>} : memref<2x128x128xf32, #tpu.memory_space<vmem>>, vector<16xf32>,
        tpu.vector_store %arg10[%swap3A_759, %swap3A_760, %swap3A_761], %mul3A_755 {strides = array<i32>} : memref<2x128x128xf32, #tpu.memory_space<vmem>>, vector<16xf32>,
        %add3A_763 = arith.constant 4 : i32
        %add3A_764 = arith.addi %add3A_187, %add3A_763 : i32
        %get3A_765 = arith.constant 0 : i32
        %get3A_766 = arith.index_cast %get3A_765 : i32 to index
        %get3A_767 = arith.index_cast %add3A_764 : i32 to index
        %get3A_768 = arith.constant 80 : index
        %get3A_769 = tpu.vector_load %arg10[%get3A_766, %get3A_767, %get3A_768] {strides = array<i32>} : memref<2x128x128xf32, #tpu.memory_space<vmem>>, vector<16xf32>,
        %mul3A_770 = arith.mulf %get3A_769, %gather3A_687 : vector<16xf32>
        %add3A_771 = arith.constant 4 : i32
        %add3A_772 = arith.addi %add3A_187, %add3A_771 : i32
        %swap3A_773 = arith.constant 0 : i32
        %swap3A_774 = arith.index_cast %swap3A_773 : i32 to index
        %swap3A_775 = arith.index_cast %add3A_772 : i32 to index
        %swap3A_776 = arith.constant 80 : index
        %swap3A_777 = tpu.vector_load %arg10[%swap3A_774, %swap3A_775, %swap3A_776] {strides = array<i32>} : memref<2x128x128xf32, #tpu.memory_space<vmem>>, vector<16xf32>,
        tpu.vector_store %arg10[%swap3A_774, %swap3A_775, %swap3A_776], %mul3A_770 {strides = array<i32>} : memref<2x128x128xf32, #tpu.memory_space<vmem>>, vector<16xf32>,
        %add3A_778 = arith.constant 4 : i32
        %add3A_779 = arith.addi %add3A_187, %add3A_778 : i32
        %get3A_780 = arith.constant 0 : i32
        %get3A_781 = arith.index_cast %get3A_780 : i32 to index
        %get3A_782 = arith.index_cast %add3A_779 : i32 to index
        %get3A_783 = arith.constant 96 : index
        %get3A_784 = tpu.vector_load %arg10[%get3A_781, %get3A_782, %get3A_783] {strides = array<i32>} : memref<2x128x128xf32, #tpu.memory_space<vmem>>, vector<16xf32>,
        %mul3A_785 = arith.mulf %get3A_784, %gather3A_687 : vector<16xf32>
        %add3A_786 = arith.constant 4 : i32
        %add3A_787 = arith.addi %add3A_187, %add3A_786 : i32
        %swap3A_788 = arith.constant 0 : i32
        %swap3A_789 = arith.index_cast %swap3A_788 : i32 to index
        %swap3A_790 = arith.index_cast %add3A_787 : i32 to index
        %swap3A_791 = arith.constant 96 : index
        %swap3A_792 = tpu.vector_load %arg10[%swap3A_789, %swap3A_790, %swap3A_791] {strides = array<i32>} : memref<2x128x128xf32, #tpu.memory_space<vmem>>, vector<16xf32>,
        tpu.vector_store %arg10[%swap3A_789, %swap3A_790, %swap3A_791], %mul3A_785 {strides = array<i32>} : memref<2x128x128xf32, #tpu.memory_space<vmem>>, vector<16xf32>,
        %add3A_793 = arith.constant 4 : i32
        %add3A_794 = arith.addi %add3A_187, %add3A_793 : i32
        %get3A_795 = arith.constant 0 : i32
        %get3A_796 = arith.index_cast %get3A_795 : i32 to index
        %get3A_797 = arith.index_cast %add3A_794 : i32 to index
        %get3A_798 = arith.constant 112 : index
        %get3A_799 = tpu.vector_load %arg10[%get3A_796, %get3A_797, %get3A_798] {strides = array<i32>} : memref<2x128x128xf32, #tpu.memory_space<vmem>>, vector<16xf32>,
        %mul3A_800 = arith.mulf %get3A_799, %gather3A_687 : vector<16xf32>
        %add3A_801 = arith.constant 4 : i32
        %add3A_802 = arith.addi %add3A_187, %add3A_801 : i32
        %swap3A_803 = arith.constant 0 : i32
        %swap3A_804 = arith.index_cast %swap3A_803 : i32 to index
        %swap3A_805 = arith.index_cast %add3A_802 : i32 to index
        %swap3A_806 = arith.constant 112 : index
        %swap3A_807 = tpu.vector_load %arg10[%swap3A_804, %swap3A_805, %swap3A_806] {strides = array<i32>} : memref<2x128x128xf32, #tpu.memory_space<vmem>>, vector<16xf32>,
        tpu.vector_store %arg10[%swap3A_804, %swap3A_805, %swap3A_806], %mul3A_800 {strides = array<i32>} : memref<2x128x128xf32, #tpu.memory_space<vmem>>, vector<16xf32>,
        %broadcast_in_dim3A_808 = arith.constant 5 : i32
        %broadcast_in_dim3A_809 = vector.broadcast %broadcast_in_dim3A_808 : i32 to vector<16x1xi32>
        %gather3A_810 = vector.shape_cast %broadcast_in_dim3A_809 : vector<16x1xi32> to vector<16xi32>
        %gather3A_811 = tpu.dynamic_gather %get3A_190[%gather3A_810] in [0] : vector<16xf32>, vector<16xi32> -> vector<16xf32>
        %add3A_812 = arith.constant 5 : i32
        %add3A_813 = arith.addi %add3A_187, %add3A_812 : i32
        %get3A_814 = arith.constant 0 : i32
        %get3A_815 = arith.index_cast %get3A_814 : i32 to index
        %get3A_816 = arith.index_cast %add3A_813 : i32 to index
        %get3A_817 = arith.constant 0 : index
        %get3A_818 = tpu.vector_load %arg10[%get3A_815, %get3A_816, %get3A_817] {strides = array<i32>} : memref<2x128x128xf32, #tpu.memory_space<vmem>>, vector<16xf32>,
        %mul3A_819 = arith.mulf %get3A_818, %gather3A_811 : vector<16xf32>
        %add3A_820 = arith.constant 5 : i32
        %add3A_821 = arith.addi %add3A_187, %add3A_820 : i32
        %swap3A_822 = arith.constant 0 : i32
        %swap3A_823 = arith.index_cast %swap3A_822 : i32 to index
        %swap3A_824 = arith.index_cast %add3A_821 : i32 to index
        %swap3A_825 = arith.constant 0 : index
        %swap3A_826 = tpu.vector_load %arg10[%swap3A_823, %swap3A_824, %swap3A_825] {strides = array<i32>} : memref<2x128x128xf32, #tpu.memory_space<vmem>>, vector<16xf32>,
        tpu.vector_store %arg10[%swap3A_823, %swap3A_824, %swap3A_825], %mul3A_819 {strides = array<i32>} : memref<2x128x128xf32, #tpu.memory_space<vmem>>, vector<16xf32>,
        %add3A_827 = arith.constant 5 : i32
        %add3A_828 = arith.addi %add3A_187, %add3A_827 : i32
        %get3A_829 = arith.constant 0 : i32
        %get3A_830 = arith.index_cast %get3A_829 : i32 to index
        %get3A_831 = arith.index_cast %add3A_828 : i32 to index
        %get3A_832 = arith.constant 16 : index
        %get3A_833 = tpu.vector_load %arg10[%get3A_830, %get3A_831, %get3A_832] {strides = array<i32>} : memref<2x128x128xf32, #tpu.memory_space<vmem>>, vector<16xf32>,
        %mul3A_834 = arith.mulf %get3A_833, %gather3A_811 : vector<16xf32>
        %add3A_835 = arith.constant 5 : i32
        %add3A_836 = arith.addi %add3A_187, %add3A_835 : i32
        %swap3A_837 = arith.constant 0 : i32
        %swap3A_838 = arith.index_cast %swap3A_837 : i32 to index
        %swap3A_839 = arith.index_cast %add3A_836 : i32 to index
        %swap3A_840 = arith.constant 16 : index
        %swap3A_841 = tpu.vector_load %arg10[%swap3A_838, %swap3A_839, %swap3A_840] {strides = array<i32>} : memref<2x128x128xf32, #tpu.memory_space<vmem>>, vector<16xf32>,
        tpu.vector_store %arg10[%swap3A_838, %swap3A_839, %swap3A_840], %mul3A_834 {strides = array<i32>} : memref<2x128x128xf32, #tpu.memory_space<vmem>>, vector<16xf32>,
        %add3A_842 = arith.constant 5 : i32
        %add3A_843 = arith.addi %add3A_187, %add3A_842 : i32
        %get3A_844 = arith.constant 0 : i32
        %get3A_845 = arith.index_cast %get3A_844 : i32 to index
        %get3A_846 = arith.index_cast %add3A_843 : i32 to index
        %get3A_847 = arith.constant 32 : index
        %get3A_848 = tpu.vector_load %arg10[%get3A_845, %get3A_846, %get3A_847] {strides = array<i32>} : memref<2x128x128xf32, #tpu.memory_space<vmem>>, vector<16xf32>,
        %mul3A_849 = arith.mulf %get3A_848, %gather3A_811 : vector<16xf32>
        %add3A_850 = arith.constant 5 : i32
        %add3A_851 = arith.addi %add3A_187, %add3A_850 : i32
        %swap3A_852 = arith.constant 0 : i32
        %swap3A_853 = arith.index_cast %swap3A_852 : i32 to index
        %swap3A_854 = arith.index_cast %add3A_851 : i32 to index
        %swap3A_855 = arith.constant 32 : index
        %swap3A_856 = tpu.vector_load %arg10[%swap3A_853, %swap3A_854, %swap3A_855] {strides = array<i32>} : memref<2x128x128xf32, #tpu.memory_space<vmem>>, vector<16xf32>,
        tpu.vector_store %arg10[%swap3A_853, %swap3A_854, %swap3A_855], %mul3A_849 {strides = array<i32>} : memref<2x128x128xf32, #tpu.memory_space<vmem>>, vector<16xf32>,
        %add3A_857 = arith.constant 5 : i32
        %add3A_858 = arith.addi %add3A_187, %add3A_857 : i32
        %get3A_859 = arith.constant 0 : i32
        %get3A_860 = arith.index_cast %get3A_859 : i32 to index
        %get3A_861 = arith.index_cast %add3A_858 : i32 to index
        %get3A_862 = arith.constant 48 : index
        %get3A_863 = tpu.vector_load %arg10[%get3A_860, %get3A_861, %get3A_862] {strides = array<i32>} : memref<2x128x128xf32, #tpu.memory_space<vmem>>, vector<16xf32>,
        %mul3A_864 = arith.mulf %get3A_863, %gather3A_811 : vector<16xf32>
        %add3A_865 = arith.constant 5 : i32
        %add3A_866 = arith.addi %add3A_187, %add3A_865 : i32
        %swap3A_867 = arith.constant 0 : i32
        %swap3A_868 = arith.index_cast %swap3A_867 : i32 to index
        %swap3A_869 = arith.index_cast %add3A_866 : i32 to index
        %swap3A_870 = arith.constant 48 : index
        %swap3A_871 = tpu.vector_load %arg10[%swap3A_868, %swap3A_869, %swap3A_870] {strides = array<i32>} : memref<2x128x128xf32, #tpu.memory_space<vmem>>, vector<16xf32>,
        tpu.vector_store %arg10[%swap3A_868, %swap3A_869, %swap3A_870], %mul3A_864 {strides = array<i32>} : memref<2x128x128xf32, #tpu.memory_space<vmem>>, vector<16xf32>,
        %add3A_872 = arith.constant 5 : i32
        %add3A_873 = arith.addi %add3A_187, %add3A_872 : i32
        %get3A_874 = arith.constant 0 : i32
        %get3A_875 = arith.index_cast %get3A_874 : i32 to index
        %get3A_876 = arith.index_cast %add3A_873 : i32 to index
        %get3A_877 = arith.constant 64 : index
        %get3A_878 = tpu.vector_load %arg10[%get3A_875, %get3A_876, %get3A_877] {strides = array<i32>} : memref<2x128x128xf32, #tpu.memory_space<vmem>>, vector<16xf32>,
        %mul3A_879 = arith.mulf %get3A_878, %gather3A_811 : vector<16xf32>
        %add3A_880 = arith.constant 5 : i32
        %add3A_881 = arith.addi %add3A_187, %add3A_880 : i32
        %swap3A_882 = arith.constant 0 : i32
        %swap3A_883 = arith.index_cast %swap3A_882 : i32 to index
        %swap3A_884 = arith.index_cast %add3A_881 : i32 to index
        %swap3A_885 = arith.constant 64 : index
        %swap3A_886 = tpu.vector_load %arg10[%swap3A_883, %swap3A_884, %swap3A_885] {strides = array<i32>} : memref<2x128x128xf32, #tpu.memory_space<vmem>>, vector<16xf32>,
        tpu.vector_store %arg10[%swap3A_883, %swap3A_884, %swap3A_885], %mul3A_879 {strides = array<i32>} : memref<2x128x128xf32, #tpu.memory_space<vmem>>, vector<16xf32>,
        %add3A_887 = arith.constant 5 : i32
        %add3A_888 = arith.addi %add3A_187, %add3A_887 : i32
        %get3A_889 = arith.constant 0 : i32
        %get3A_890 = arith.index_cast %get3A_889 : i32 to index
        %get3A_891 = arith.index_cast %add3A_888 : i32 to index
        %get3A_892 = arith.constant 80 : index
        %get3A_893 = tpu.vector_load %arg10[%get3A_890, %get3A_891, %get3A_892] {strides = array<i32>} : memref<2x128x128xf32, #tpu.memory_space<vmem>>, vector<16xf32>,
        %mul3A_894 = arith.mulf %get3A_893, %gather3A_811 : vector<16xf32>
        %add3A_895 = arith.constant 5 : i32
        %add3A_896 = arith.addi %add3A_187, %add3A_895 : i32
        %swap3A_897 = arith.constant 0 : i32
        %swap3A_898 = arith.index_cast %swap3A_897 : i32 to index
        %swap3A_899 = arith.index_cast %add3A_896 : i32 to index
        %swap3A_900 = arith.constant 80 : index
        %swap3A_901 = tpu.vector_load %arg10[%swap3A_898, %swap3A_899, %swap3A_900] {strides = array<i32>} : memref<2x128x128xf32, #tpu.memory_space<vmem>>, vector<16xf32>,
        tpu.vector_store %arg10[%swap3A_898, %swap3A_899, %swap3A_900], %mul3A_894 {strides = array<i32>} : memref<2x128x128xf32, #tpu.memory_space<vmem>>, vector<16xf32>,
        %add3A_902 = arith.constant 5 : i32
        %add3A_903 = arith.addi %add3A_187, %add3A_902 : i32
        %get3A_904 = arith.constant 0 : i32
        %get3A_905 = arith.index_cast %get3A_904 : i32 to index
        %get3A_906 = arith.index_cast %add3A_903 : i32 to index
        %get3A_907 = arith.constant 96 : index
        %get3A_908 = tpu.vector_load %arg10[%get3A_905, %get3A_906, %get3A_907] {strides = array<i32>} : memref<2x128x128xf32, #tpu.memory_space<vmem>>, vector<16xf32>,
        %mul3A_909 = arith.mulf %get3A_908, %gather3A_811 : vector<16xf32>
        %add3A_910 = arith.constant 5 : i32
        %add3A_911 = arith.addi %add3A_187, %add3A_910 : i32
        %swap3A_912 = arith.constant 0 : i32
        %swap3A_913 = arith.index_cast %swap3A_912 : i32 to index
        %swap3A_914 = arith.index_cast %add3A_911 : i32 to index
        %swap3A_915 = arith.constant 96 : index
        %swap3A_916 = tpu.vector_load %arg10[%swap3A_913, %swap3A_914, %swap3A_915] {strides = array<i32>} : memref<2x128x128xf32, #tpu.memory_space<vmem>>, vector<16xf32>,
        tpu.vector_store %arg10[%swap3A_913, %swap3A_914, %swap3A_915], %mul3A_909 {strides = array<i32>} : memref<2x128x128xf32, #tpu.memory_space<vmem>>, vector<16xf32>,
        %add3A_917 = arith.constant 5 : i32
        %add3A_918 = arith.addi %add3A_187, %add3A_917 : i32
        %get3A_919 = arith.constant 0 : i32
        %get3A_920 = arith.index_cast %get3A_919 : i32 to index
        %get3A_921 = arith.index_cast %add3A_918 : i32 to index
        %get3A_922 = arith.constant 112 : index
        %get3A_923 = tpu.vector_load %arg10[%get3A_920, %get3A_921, %get3A_922] {strides = array<i32>} : memref<2x128x128xf32, #tpu.memory_space<vmem>>, vector<16xf32>,
        %mul3A_924 = arith.mulf %get3A_923, %gather3A_811 : vector<16xf32>
        %add3A_925 = arith.constant 5 : i32
        %add3A_926 = arith.addi %add3A_187, %add3A_925 : i32
        %swap3A_927 = arith.constant 0 : i32
        %swap3A_928 = arith.index_cast %swap3A_927 : i32 to index
        %swap3A_929 = arith.index_cast %add3A_926 : i32 to index
        %swap3A_930 = arith.constant 112 : index
        %swap3A_931 = tpu.vector_load %arg10[%swap3A_928, %swap3A_929, %swap3A_930] {strides = array<i32>} : memref<2x128x128xf32, #tpu.memory_space<vmem>>, vector<16xf32>,
        tpu.vector_store %arg10[%swap3A_928, %swap3A_929, %swap3A_930], %mul3A_924 {strides = array<i32>} : memref<2x128x128xf32, #tpu.memory_space<vmem>>, vector<16xf32>,
        %broadcast_in_dim3A_932 = arith.constant 6 : i32
        %broadcast_in_dim3A_933 = vector.broadcast %broadcast_in_dim3A_932 : i32 to vector<16x1xi32>
        %gather3A_934 = vector.shape_cast %broadcast_in_dim3A_933 : vector<16x1xi32> to vector<16xi32>
        %gather3A_935 = tpu.dynamic_gather %get3A_190[%gather3A_934] in [0] : vector<16xf32>, vector<16xi32> -> vector<16xf32>
        %add3A_936 = arith.constant 6 : i32
        %add3A_937 = arith.addi %add3A_187, %add3A_936 : i32
        %get3A_938 = arith.constant 0 : i32
        %get3A_939 = arith.index_cast %get3A_938 : i32 to index
        %get3A_940 = arith.index_cast %add3A_937 : i32 to index
        %get3A_941 = arith.constant 0 : index
        %get3A_942 = tpu.vector_load %arg10[%get3A_939, %get3A_940, %get3A_941] {strides = array<i32>} : memref<2x128x128xf32, #tpu.memory_space<vmem>>, vector<16xf32>,
        %mul3A_943 = arith.mulf %get3A_942, %gather3A_935 : vector<16xf32>
        %add3A_944 = arith.constant 6 : i32
        %add3A_945 = arith.addi %add3A_187, %add3A_944 : i32
        %swap3A_946 = arith.constant 0 : i32
        %swap3A_947 = arith.index_cast %swap3A_946 : i32 to index
        %swap3A_948 = arith.index_cast %add3A_945 : i32 to index
        %swap3A_949 = arith.constant 0 : index
        %swap3A_950 = tpu.vector_load %arg10[%swap3A_947, %swap3A_948, %swap3A_949] {strides = array<i32>} : memref<2x128x128xf32, #tpu.memory_space<vmem>>, vector<16xf32>,
        tpu.vector_store %arg10[%swap3A_947, %swap3A_948, %swap3A_949], %mul3A_943 {strides = array<i32>} : memref<2x128x128xf32, #tpu.memory_space<vmem>>, vector<16xf32>,
        %add3A_951 = arith.constant 6 : i32
        %add3A_952 = arith.addi %add3A_187, %add3A_951 : i32
        %get3A_953 = arith.constant 0 : i32
        %get3A_954 = arith.index_cast %get3A_953 : i32 to index
        %get3A_955 = arith.index_cast %add3A_952 : i32 to index
        %get3A_956 = arith.constant 16 : index
        %get3A_957 = tpu.vector_load %arg10[%get3A_954, %get3A_955, %get3A_956] {strides = array<i32>} : memref<2x128x128xf32, #tpu.memory_space<vmem>>, vector<16xf32>,
        %mul3A_958 = arith.mulf %get3A_957, %gather3A_935 : vector<16xf32>
        %add3A_959 = arith.constant 6 : i32
        %add3A_960 = arith.addi %add3A_187, %add3A_959 : i32
        %swap3A_961 = arith.constant 0 : i32
        %swap3A_962 = arith.index_cast %swap3A_961 : i32 to index
        %swap3A_963 = arith.index_cast %add3A_960 : i32 to index
        %swap3A_964 = arith.constant 16 : index
        %swap3A_965 = tpu.vector_load %arg10[%swap3A_962, %swap3A_963, %swap3A_964] {strides = array<i32>} : memref<2x128x128xf32, #tpu.memory_space<vmem>>, vector<16xf32>,
        tpu.vector_store %arg10[%swap3A_962, %swap3A_963, %swap3A_964], %mul3A_958 {strides = array<i32>} : memref<2x128x128xf32, #tpu.memory_space<vmem>>, vector<16xf32>,
        %add3A_966 = arith.constant 6 : i32
        %add3A_967 = arith.addi %add3A_187, %add3A_966 : i32
        %get3A_968 = arith.constant 0 : i32
        %get3A_969 = arith.index_cast %get3A_968 : i32 to index
        %get3A_970 = arith.index_cast %add3A_967 : i32 to index
        %get3A_971 = arith.constant 32 : index
        %get3A_972 = tpu.vector_load %arg10[%get3A_969, %get3A_970, %get3A_971] {strides = array<i32>} : memref<2x128x128xf32, #tpu.memory_space<vmem>>, vector<16xf32>,
        %mul3A_973 = arith.mulf %get3A_972, %gather3A_935 : vector<16xf32>
        %add3A_974 = arith.constant 6 : i32
        %add3A_975 = arith.addi %add3A_187, %add3A_974 : i32
        %swap3A_976 = arith.constant 0 : i32
        %swap3A_977 = arith.index_cast %swap3A_976 : i32 to index
        %swap3A_978 = arith.index_cast %add3A_975 : i32 to index
        %swap3A_979 = arith.constant 32 : index
        %swap3A_980 = tpu.vector_load %arg10[%swap3A_977, %swap3A_978, %swap3A_979] {strides = array<i32>} : memref<2x128x128xf32, #tpu.memory_space<vmem>>, vector<16xf32>,
        tpu.vector_store %arg10[%swap3A_977, %swap3A_978, %swap3A_979], %mul3A_973 {strides = array<i32>} : memref<2x128x128xf32, #tpu.memory_space<vmem>>, vector<16xf32>,
        %add3A_981 = arith.constant 6 : i32
        %add3A_982 = arith.addi %add3A_187, %add3A_981 : i32
        %get3A_983 = arith.constant 0 : i32
        %get3A_984 = arith.index_cast %get3A_983 : i32 to index
        %get3A_985 = arith.index_cast %add3A_982 : i32 to index
        %get3A_986 = arith.constant 48 : index
        %get3A_987 = tpu.vector_load %arg10[%get3A_984, %get3A_985, %get3A_986] {strides = array<i32>} : memref<2x128x128xf32, #tpu.memory_space<vmem>>, vector<16xf32>,
        %mul3A_988 = arith.mulf %get3A_987, %gather3A_935 : vector<16xf32>
        %add3A_989 = arith.constant 6 : i32
        %add3A_990 = arith.addi %add3A_187, %add3A_989 : i32
        %swap3A_991 = arith.constant 0 : i32
        %swap3A_992 = arith.index_cast %swap3A_991 : i32 to index
        %swap3A_993 = arith.index_cast %add3A_990 : i32 to index
        %swap3A_994 = arith.constant 48 : index
        %swap3A_995 = tpu.vector_load %arg10[%swap3A_992, %swap3A_993, %swap3A_994] {strides = array<i32>} : memref<2x128x128xf32, #tpu.memory_space<vmem>>, vector<16xf32>,
        tpu.vector_store %arg10[%swap3A_992, %swap3A_993, %swap3A_994], %mul3A_988 {strides = array<i32>} : memref<2x128x128xf32, #tpu.memory_space<vmem>>, vector<16xf32>,
        %add3A_996 = arith.constant 6 : i32
        %add3A_997 = arith.addi %add3A_187, %add3A_996 : i32
        %get3A_998 = arith.constant 0 : i32
        %get3A_999 = arith.index_cast %get3A_998 : i32 to index
        %get3A_1000 = arith.index_cast %add3A_997 : i32 to index
        %get3A_1001 = arith.constant 64 : index
        %get3A_1002 = tpu.vector_load %arg10[%get3A_999, %get3A_1000, %get3A_1001] {strides = array<i32>} : memref<2x128x128xf32, #tpu.memory_space<vmem>>, vector<16xf32>,
        %mul3A_1003 = arith.mulf %get3A_1002, %gather3A_935 : vector<16xf32>
        %add3A_1004 = arith.constant 6 : i32
        %add3A_1005 = arith.addi %add3A_187, %add3A_1004 : i32
        %swap3A_1006 = arith.constant 0 : i32
        %swap3A_1007 = arith.index_cast %swap3A_1006 : i32 to index
        %swap3A_1008 = arith.index_cast %add3A_1005 : i32 to index
        %swap3A_1009 = arith.constant 64 : index
        %swap3A_1010 = tpu.vector_load %arg10[%swap3A_1007, %swap3A_1008, %swap3A_1009] {strides = array<i32>} : memref<2x128x128xf32, #tpu.memory_space<vmem>>, vector<16xf32>,
        tpu.vector_store %arg10[%swap3A_1007, %swap3A_1008, %swap3A_1009], %mul3A_1003 {strides = array<i32>} : memref<2x128x128xf32, #tpu.memory_space<vmem>>, vector<16xf32>,
        %add3A_1011 = arith.constant 6 : i32
        %add3A_1012 = arith.addi %add3A_187, %add3A_1011 : i32
        %get3A_1013 = arith.constant 0 : i32
        %get3A_1014 = arith.index_cast %get3A_1013 : i32 to index
        %get3A_1015 = arith.index_cast %add3A_1012 : i32 to index
        %get3A_1016 = arith.constant 80 : index
        %get3A_1017 = tpu.vector_load %arg10[%get3A_1014, %get3A_1015, %get3A_1016] {strides = array<i32>} : memref<2x128x128xf32, #tpu.memory_space<vmem>>, vector<16xf32>,
        %mul3A_1018 = arith.mulf %get3A_1017, %gather3A_935 : vector<16xf32>
        %add3A_1019 = arith.constant 6 : i32
        %add3A_1020 = arith.addi %add3A_187, %add3A_1019 : i32
        %swap3A_1021 = arith.constant 0 : i32
        %swap3A_1022 = arith.index_cast %swap3A_1021 : i32 to index
        %swap3A_1023 = arith.index_cast %add3A_1020 : i32 to index
        %swap3A_1024 = arith.constant 80 : index
        %swap3A_1025 = tpu.vector_load %arg10[%swap3A_1022, %swap3A_1023, %swap3A_1024] {strides = array<i32>} : memref<2x128x128xf32, #tpu.memory_space<vmem>>, vector<16xf32>,
        tpu.vector_store %arg10[%swap3A_1022, %swap3A_1023, %swap3A_1024], %mul3A_1018 {strides = array<i32>} : memref<2x128x128xf32, #tpu.memory_space<vmem>>, vector<16xf32>,
        %add3A_1026 = arith.constant 6 : i32
        %add3A_1027 = arith.addi %add3A_187, %add3A_1026 : i32
        %get3A_1028 = arith.constant 0 : i32
        %get3A_1029 = arith.index_cast %get3A_1028 : i32 to index
        %get3A_1030 = arith.index_cast %add3A_1027 : i32 to index
        %get3A_1031 = arith.constant 96 : index
        %get3A_1032 = tpu.vector_load %arg10[%get3A_1029, %get3A_1030, %get3A_1031] {strides = array<i32>} : memref<2x128x128xf32, #tpu.memory_space<vmem>>, vector<16xf32>,
        %mul3A_1033 = arith.mulf %get3A_1032, %gather3A_935 : vector<16xf32>
        %add3A_1034 = arith.constant 6 : i32
        %add3A_1035 = arith.addi %add3A_187, %add3A_1034 : i32
        %swap3A_1036 = arith.constant 0 : i32
        %swap3A_1037 = arith.index_cast %swap3A_1036 : i32 to index
        %swap3A_1038 = arith.index_cast %add3A_1035 : i32 to index
        %swap3A_1039 = arith.constant 96 : index
        %swap3A_1040 = tpu.vector_load %arg10[%swap3A_1037, %swap3A_1038, %swap3A_1039] {strides = array<i32>} : memref<2x128x128xf32, #tpu.memory_space<vmem>>, vector<16xf32>,
        tpu.vector_store %arg10[%swap3A_1037, %swap3A_1038, %swap3A_1039], %mul3A_1033 {strides = array<i32>} : memref<2x128x128xf32, #tpu.memory_space<vmem>>, vector<16xf32>,
        %add3A_1041 = arith.constant 6 : i32
        %add3A_1042 = arith.addi %add3A_187, %add3A_1041 : i32
        %get3A_1043 = arith.constant 0 : i32
        %get3A_1044 = arith.index_cast %get3A_1043 : i32 to index
        %get3A_1045 = arith.index_cast %add3A_1042 : i32 to index
        %get3A_1046 = arith.constant 112 : index
        %get3A_1047 = tpu.vector_load %arg10[%get3A_1044, %get3A_1045, %get3A_1046] {strides = array<i32>} : memref<2x128x128xf32, #tpu.memory_space<vmem>>, vector<16xf32>,
        %mul3A_1048 = arith.mulf %get3A_1047, %gather3A_935 : vector<16xf32>
        %add3A_1049 = arith.constant 6 : i32
        %add3A_1050 = arith.addi %add3A_187, %add3A_1049 : i32
        %swap3A_1051 = arith.constant 0 : i32
        %swap3A_1052 = arith.index_cast %swap3A_1051 : i32 to index
        %swap3A_1053 = arith.index_cast %add3A_1050 : i32 to index
        %swap3A_1054 = arith.constant 112 : index
        %swap3A_1055 = tpu.vector_load %arg10[%swap3A_1052, %swap3A_1053, %swap3A_1054] {strides = array<i32>} : memref<2x128x128xf32, #tpu.memory_space<vmem>>, vector<16xf32>,
        tpu.vector_store %arg10[%swap3A_1052, %swap3A_1053, %swap3A_1054], %mul3A_1048 {strides = array<i32>} : memref<2x128x128xf32, #tpu.memory_space<vmem>>, vector<16xf32>,
        %broadcast_in_dim3A_1056 = arith.constant 7 : i32
        %broadcast_in_dim3A_1057 = vector.broadcast %broadcast_in_dim3A_1056 : i32 to vector<16x1xi32>
        %gather3A_1058 = vector.shape_cast %broadcast_in_dim3A_1057 : vector<16x1xi32> to vector<16xi32>
        %gather3A_1059 = tpu.dynamic_gather %get3A_190[%gather3A_1058] in [0] : vector<16xf32>, vector<16xi32> -> vector<16xf32>
        %add3A_1060 = arith.constant 7 : i32
        %add3A_1061 = arith.addi %add3A_187, %add3A_1060 : i32
        %get3A_1062 = arith.constant 0 : i32
        %get3A_1063 = arith.index_cast %get3A_1062 : i32 to index
        %get3A_1064 = arith.index_cast %add3A_1061 : i32 to index
        %get3A_1065 = arith.constant 0 : index
        %get3A_1066 = tpu.vector_load %arg10[%get3A_1063, %get3A_1064, %get3A_1065] {strides = array<i32>} : memref<2x128x128xf32, #tpu.memory_space<vmem>>, vector<16xf32>,
        %mul3A_1067 = arith.mulf %get3A_1066, %gather3A_1059 : vector<16xf32>
        %add3A_1068 = arith.constant 7 : i32
        %add3A_1069 = arith.addi %add3A_187, %add3A_1068 : i32
        %swap3A_1070 = arith.constant 0 : i32
        %swap3A_1071 = arith.index_cast %swap3A_1070 : i32 to index
        %swap3A_1072 = arith.index_cast %add3A_1069 : i32 to index
        %swap3A_1073 = arith.constant 0 : index
        %swap3A_1074 = tpu.vector_load %arg10[%swap3A_1071, %swap3A_1072, %swap3A_1073] {strides = array<i32>} : memref<2x128x128xf32, #tpu.memory_space<vmem>>, vector<16xf32>,
        tpu.vector_store %arg10[%swap3A_1071, %swap3A_1072, %swap3A_1073], %mul3A_1067 {strides = array<i32>} : memref<2x128x128xf32, #tpu.memory_space<vmem>>, vector<16xf32>,
        %add3A_1075 = arith.constant 7 : i32
        %add3A_1076 = arith.addi %add3A_187, %add3A_1075 : i32
        %get3A_1077 = arith.constant 0 : i32
        %get3A_1078 = arith.index_cast %get3A_1077 : i32 to index
        %get3A_1079 = arith.index_cast %add3A_1076 : i32 to index
        %get3A_1080 = arith.constant 16 : index
        %get3A_1081 = tpu.vector_load %arg10[%get3A_1078, %get3A_1079, %get3A_1080] {strides = array<i32>} : memref<2x128x128xf32, #tpu.memory_space<vmem>>, vector<16xf32>,
        %mul3A_1082 = arith.mulf %get3A_1081, %gather3A_1059 : vector<16xf32>
        %add3A_1083 = arith.constant 7 : i32
        %add3A_1084 = arith.addi %add3A_187, %add3A_1083 : i32
        %swap3A_1085 = arith.constant 0 : i32
        %swap3A_1086 = arith.index_cast %swap3A_1085 : i32 to index
        %swap3A_1087 = arith.index_cast %add3A_1084 : i32 to index
        %swap3A_1088 = arith.constant 16 : index
        %swap3A_1089 = tpu.vector_load %arg10[%swap3A_1086, %swap3A_1087, %swap3A_1088] {strides = array<i32>} : memref<2x128x128xf32, #tpu.memory_space<vmem>>, vector<16xf32>,
        tpu.vector_store %arg10[%swap3A_1086, %swap3A_1087, %swap3A_1088], %mul3A_1082 {strides = array<i32>} : memref<2x128x128xf32, #tpu.memory_space<vmem>>, vector<16xf32>,
        %add3A_1090 = arith.constant 7 : i32
        %add3A_1091 = arith.addi %add3A_187, %add3A_1090 : i32
        %get3A_1092 = arith.constant 0 : i32
        %get3A_1093 = arith.index_cast %get3A_1092 : i32 to index
        %get3A_1094 = arith.index_cast %add3A_1091 : i32 to index
        %get3A_1095 = arith.constant 32 : index
        %get3A_1096 = tpu.vector_load %arg10[%get3A_1093, %get3A_1094, %get3A_1095] {strides = array<i32>} : memref<2x128x128xf32, #tpu.memory_space<vmem>>, vector<16xf32>,
        %mul3A_1097 = arith.mulf %get3A_1096, %gather3A_1059 : vector<16xf32>
        %add3A_1098 = arith.constant 7 : i32
        %add3A_1099 = arith.addi %add3A_187, %add3A_1098 : i32
        %swap3A_1100 = arith.constant 0 : i32
        %swap3A_1101 = arith.index_cast %swap3A_1100 : i32 to index
        %swap3A_1102 = arith.index_cast %add3A_1099 : i32 to index
        %swap3A_1103 = arith.constant 32 : index
        %swap3A_1104 = tpu.vector_load %arg10[%swap3A_1101, %swap3A_1102, %swap3A_1103] {strides = array<i32>} : memref<2x128x128xf32, #tpu.memory_space<vmem>>, vector<16xf32>,
        tpu.vector_store %arg10[%swap3A_1101, %swap3A_1102, %swap3A_1103], %mul3A_1097 {strides = array<i32>} : memref<2x128x128xf32, #tpu.memory_space<vmem>>, vector<16xf32>,
        %add3A_1105 = arith.constant 7 : i32
        %add3A_1106 = arith.addi %add3A_187, %add3A_1105 : i32
        %get3A_1107 = arith.constant 0 : i32
        %get3A_1108 = arith.index_cast %get3A_1107 : i32 to index
        %get3A_1109 = arith.index_cast %add3A_1106 : i32 to index
        %get3A_1110 = arith.constant 48 : index
        %get3A_1111 = tpu.vector_load %arg10[%get3A_1108, %get3A_1109, %get3A_1110] {strides = array<i32>} : memref<2x128x128xf32, #tpu.memory_space<vmem>>, vector<16xf32>,
        %mul3A_1112 = arith.mulf %get3A_1111, %gather3A_1059 : vector<16xf32>
        %add3A_1113 = arith.constant 7 : i32
        %add3A_1114 = arith.addi %add3A_187, %add3A_1113 : i32
        %swap3A_1115 = arith.constant 0 : i32
        %swap3A_1116 = arith.index_cast %swap3A_1115 : i32 to index
        %swap3A_1117 = arith.index_cast %add3A_1114 : i32 to index
        %swap3A_1118 = arith.constant 48 : index
        %swap3A_1119 = tpu.vector_load %arg10[%swap3A_1116, %swap3A_1117, %swap3A_1118] {strides = array<i32>} : memref<2x128x128xf32, #tpu.memory_space<vmem>>, vector<16xf32>,
        tpu.vector_store %arg10[%swap3A_1116, %swap3A_1117, %swap3A_1118], %mul3A_1112 {strides = array<i32>} : memref<2x128x128xf32, #tpu.memory_space<vmem>>, vector<16xf32>,
        %add3A_1120 = arith.constant 7 : i32
        %add3A_1121 = arith.addi %add3A_187, %add3A_1120 : i32
        %get3A_1122 = arith.constant 0 : i32
        %get3A_1123 = arith.index_cast %get3A_1122 : i32 to index
        %get3A_1124 = arith.index_cast %add3A_1121 : i32 to index
        %get3A_1125 = arith.constant 64 : index
        %get3A_1126 = tpu.vector_load %arg10[%get3A_1123, %get3A_1124, %get3A_1125] {strides = array<i32>} : memref<2x128x128xf32, #tpu.memory_space<vmem>>, vector<16xf32>,
        %mul3A_1127 = arith.mulf %get3A_1126, %gather3A_1059 : vector<16xf32>
        %add3A_1128 = arith.constant 7 : i32
        %add3A_1129 = arith.addi %add3A_187, %add3A_1128 : i32
        %swap3A_1130 = arith.constant 0 : i32
        %swap3A_1131 = arith.index_cast %swap3A_1130 : i32 to index
        %swap3A_1132 = arith.index_cast %add3A_1129 : i32 to index
        %swap3A_1133 = arith.constant 64 : index
        %swap3A_1134 = tpu.vector_load %arg10[%swap3A_1131, %swap3A_1132, %swap3A_1133] {strides = array<i32>} : memref<2x128x128xf32, #tpu.memory_space<vmem>>, vector<16xf32>,
        tpu.vector_store %arg10[%swap3A_1131, %swap3A_1132, %swap3A_1133], %mul3A_1127 {strides = array<i32>} : memref<2x128x128xf32, #tpu.memory_space<vmem>>, vector<16xf32>,
        %add3A_1135 = arith.constant 7 : i32
        %add3A_1136 = arith.addi %add3A_187, %add3A_1135 : i32
        %get3A_1137 = arith.constant 0 : i32
        %get3A_1138 = arith.index_cast %get3A_1137 : i32 to index
        %get3A_1139 = arith.index_cast %add3A_1136 : i32 to index
        %get3A_1140 = arith.constant 80 : index
        %get3A_1141 = tpu.vector_load %arg10[%get3A_1138, %get3A_1139, %get3A_1140] {strides = array<i32>} : memref<2x128x128xf32, #tpu.memory_space<vmem>>, vector<16xf32>,
        %mul3A_1142 = arith.mulf %get3A_1141, %gather3A_1059 : vector<16xf32>
        %add3A_1143 = arith.constant 7 : i32
        %add3A_1144 = arith.addi %add3A_187, %add3A_1143 : i32
        %swap3A_1145 = arith.constant 0 : i32
        %swap3A_1146 = arith.index_cast %swap3A_1145 : i32 to index
        %swap3A_1147 = arith.index_cast %add3A_1144 : i32 to index
        %swap3A_1148 = arith.constant 80 : index
        %swap3A_1149 = tpu.vector_load %arg10[%swap3A_1146, %swap3A_1147, %swap3A_1148] {strides = array<i32>} : memref<2x128x128xf32, #tpu.memory_space<vmem>>, vector<16xf32>,
        tpu.vector_store %arg10[%swap3A_1146, %swap3A_1147, %swap3A_1148], %mul3A_1142 {strides = array<i32>} : memref<2x128x128xf32, #tpu.memory_space<vmem>>, vector<16xf32>,
        %add3A_1150 = arith.constant 7 : i32
        %add3A_1151 = arith.addi %add3A_187, %add3A_1150 : i32
        %get3A_1152 = arith.constant 0 : i32
        %get3A_1153 = arith.index_cast %get3A_1152 : i32 to index
        %get3A_1154 = arith.index_cast %add3A_1151 : i32 to index
        %get3A_1155 = arith.constant 96 : index
        %get3A_1156 = tpu.vector_load %arg10[%get3A_1153, %get3A_1154, %get3A_1155] {strides = array<i32>} : memref<2x128x128xf32, #tpu.memory_space<vmem>>, vector<16xf32>,
        %mul3A_1157 = arith.mulf %get3A_1156, %gather3A_1059 : vector<16xf32>
        %add3A_1158 = arith.constant 7 : i32
        %add3A_1159 = arith.addi %add3A_187, %add3A_1158 : i32
        %swap3A_1160 = arith.constant 0 : i32
        %swap3A_1161 = arith.index_cast %swap3A_1160 : i32 to index
        %swap3A_1162 = arith.index_cast %add3A_1159 : i32 to index
        %swap3A_1163 = arith.constant 96 : index
        %swap3A_1164 = tpu.vector_load %arg10[%swap3A_1161, %swap3A_1162, %swap3A_1163] {strides = array<i32>} : memref<2x128x128xf32, #tpu.memory_space<vmem>>, vector<16xf32>,
        tpu.vector_store %arg10[%swap3A_1161, %swap3A_1162, %swap3A_1163], %mul3A_1157 {strides = array<i32>} : memref<2x128x128xf32, #tpu.memory_space<vmem>>, vector<16xf32>,
        %add3A_1165 = arith.constant 7 : i32
        %add3A_1166 = arith.addi %add3A_187, %add3A_1165 : i32
        %get3A_1167 = arith.constant 0 : i32
        %get3A_1168 = arith.index_cast %get3A_1167 : i32 to index
        %get3A_1169 = arith.index_cast %add3A_1166 : i32 to index
        %get3A_1170 = arith.constant 112 : index
        %get3A_1171 = tpu.vector_load %arg10[%get3A_1168, %get3A_1169, %get3A_1170] {strides = array<i32>} : memref<2x128x128xf32, #tpu.memory_space<vmem>>, vector<16xf32>,
        %mul3A_1172 = arith.mulf %get3A_1171, %gather3A_1059 : vector<16xf32>
        %add3A_1173 = arith.constant 7 : i32
        %add3A_1174 = arith.addi %add3A_187, %add3A_1173 : i32
        %swap3A_1175 = arith.constant 0 : i32
        %swap3A_1176 = arith.index_cast %swap3A_1175 : i32 to index
        %swap3A_1177 = arith.index_cast %add3A_1174 : i32 to index
        %swap3A_1178 = arith.constant 112 : index
        %swap3A_1179 = tpu.vector_load %arg10[%swap3A_1176, %swap3A_1177, %swap3A_1178] {strides = array<i32>} : memref<2x128x128xf32, #tpu.memory_space<vmem>>, vector<16xf32>,
        tpu.vector_store %arg10[%swap3A_1176, %swap3A_1177, %swap3A_1178], %mul3A_1172 {strides = array<i32>} : memref<2x128x128xf32, #tpu.memory_space<vmem>>, vector<16xf32>,
        %broadcast_in_dim3A_1180 = arith.constant 8 : i32
        %broadcast_in_dim3A_1181 = vector.broadcast %broadcast_in_dim3A_1180 : i32 to vector<16x1xi32>
        %gather3A_1182 = vector.shape_cast %broadcast_in_dim3A_1181 : vector<16x1xi32> to vector<16xi32>
        %gather3A_1183 = tpu.dynamic_gather %get3A_190[%gather3A_1182] in [0] : vector<16xf32>, vector<16xi32> -> vector<16xf32>
        %add3A_1184 = arith.constant 8 : i32
        %add3A_1185 = arith.addi %add3A_187, %add3A_1184 : i32
        %get3A_1186 = arith.constant 0 : i32
        %get3A_1187 = arith.index_cast %get3A_1186 : i32 to index
        %get3A_1188 = arith.index_cast %add3A_1185 : i32 to index
        %get3A_1189 = arith.constant 0 : index
        %get3A_1190 = tpu.vector_load %arg10[%get3A_1187, %get3A_1188, %get3A_1189] {strides = array<i32>} : memref<2x128x128xf32, #tpu.memory_space<vmem>>, vector<16xf32>,
        %mul3A_1191 = arith.mulf %get3A_1190, %gather3A_1183 : vector<16xf32>
        %add3A_1192 = arith.constant 8 : i32
        %add3A_1193 = arith.addi %add3A_187, %add3A_1192 : i32
        %swap3A_1194 = arith.constant 0 : i32
        %swap3A_1195 = arith.index_cast %swap3A_1194 : i32 to index
        %swap3A_1196 = arith.index_cast %add3A_1193 : i32 to index
        %swap3A_1197 = arith.constant 0 : index
        %swap3A_1198 = tpu.vector_load %arg10[%swap3A_1195, %swap3A_1196, %swap3A_1197] {strides = array<i32>} : memref<2x128x128xf32, #tpu.memory_space<vmem>>, vector<16xf32>,
        tpu.vector_store %arg10[%swap3A_1195, %swap3A_1196, %swap3A_1197], %mul3A_1191 {strides = array<i32>} : memref<2x128x128xf32, #tpu.memory_space<vmem>>, vector<16xf32>,
        %add3A_1199 = arith.constant 8 : i32
        %add3A_1200 = arith.addi %add3A_187, %add3A_1199 : i32
        %get3A_1201 = arith.constant 0 : i32
        %get3A_1202 = arith.index_cast %get3A_1201 : i32 to index
        %get3A_1203 = arith.index_cast %add3A_1200 : i32 to index
        %get3A_1204 = arith.constant 16 : index
        %get3A_1205 = tpu.vector_load %arg10[%get3A_1202, %get3A_1203, %get3A_1204] {strides = array<i32>} : memref<2x128x128xf32, #tpu.memory_space<vmem>>, vector<16xf32>,
        %mul3A_1206 = arith.mulf %get3A_1205, %gather3A_1183 : vector<16xf32>
        %add3A_1207 = arith.constant 8 : i32
        %add3A_1208 = arith.addi %add3A_187, %add3A_1207 : i32
        %swap3A_1209 = arith.constant 0 : i32
        %swap3A_1210 = arith.index_cast %swap3A_1209 : i32 to index
        %swap3A_1211 = arith.index_cast %add3A_1208 : i32 to index
        %swap3A_1212 = arith.constant 16 : index
        %swap3A_1213 = tpu.vector_load %arg10[%swap3A_1210, %swap3A_1211, %swap3A_1212] {strides = array<i32>} : memref<2x128x128xf32, #tpu.memory_space<vmem>>, vector<16xf32>,
        tpu.vector_store %arg10[%swap3A_1210, %swap3A_1211, %swap3A_1212], %mul3A_1206 {strides = array<i32>} : memref<2x128x128xf32, #tpu.memory_space<vmem>>, vector<16xf32>,
        %add3A_1214 = arith.constant 8 : i32
        %add3A_1215 = arith.addi %add3A_187, %add3A_1214 : i32
        %get3A_1216 = arith.constant 0 : i32
        %get3A_1217 = arith.index_cast %get3A_1216 : i32 to index
        %get3A_1218 = arith.index_cast %add3A_1215 : i32 to index
        %get3A_1219 = arith.constant 32 : index
        %get3A_1220 = tpu.vector_load %arg10[%get3A_1217, %get3A_1218, %get3A_1219] {strides = array<i32>} : memref<2x128x128xf32, #tpu.memory_space<vmem>>, vector<16xf32>,
        %mul3A_1221 = arith.mulf %get3A_1220, %gather3A_1183 : vector<16xf32>
        %add3A_1222 = arith.constant 8 : i32
        %add3A_1223 = arith.addi %add3A_187, %add3A_1222 : i32
        %swap3A_1224 = arith.constant 0 : i32
        %swap3A_1225 = arith.index_cast %swap3A_1224 : i32 to index
        %swap3A_1226 = arith.index_cast %add3A_1223 : i32 to index
        %swap3A_1227 = arith.constant 32 : index
        %swap3A_1228 = tpu.vector_load %arg10[%swap3A_1225, %swap3A_1226, %swap3A_1227] {strides = array<i32>} : memref<2x128x128xf32, #tpu.memory_space<vmem>>, vector<16xf32>,
        tpu.vector_store %arg10[%swap3A_1225, %swap3A_1226, %swap3A_1227], %mul3A_1221 {strides = array<i32>} : memref<2x128x128xf32, #tpu.memory_space<vmem>>, vector<16xf32>,
        %add3A_1229 = arith.constant 8 : i32
        %add3A_1230 = arith.addi %add3A_187, %add3A_1229 : i32
        %get3A_1231 = arith.constant 0 : i32
        %get3A_1232 = arith.index_cast %get3A_1231 : i32 to index
        %get3A_1233 = arith.index_cast %add3A_1230 : i32 to index
        %get3A_1234 = arith.constant 48 : index
        %get3A_1235 = tpu.vector_load %arg10[%get3A_1232, %get3A_1233, %get3A_1234] {strides = array<i32>} : memref<2x128x128xf32, #tpu.memory_space<vmem>>, vector<16xf32>,
        %mul3A_1236 = arith.mulf %get3A_1235, %gather3A_1183 : vector<16xf32>
        %add3A_1237 = arith.constant 8 : i32
        %add3A_1238 = arith.addi %add3A_187, %add3A_1237 : i32
        %swap3A_1239 = arith.constant 0 : i32
        %swap3A_1240 = arith.index_cast %swap3A_1239 : i32 to index
        %swap3A_1241 = arith.index_cast %add3A_1238 : i32 to index
        %swap3A_1242 = arith.constant 48 : index
        %swap3A_1243 = tpu.vector_load %arg10[%swap3A_1240, %swap3A_1241, %swap3A_1242] {strides = array<i32>} : memref<2x128x128xf32, #tpu.memory_space<vmem>>, vector<16xf32>,
        tpu.vector_store %arg10[%swap3A_1240, %swap3A_1241, %swap3A_1242], %mul3A_1236 {strides = array<i32>} : memref<2x128x128xf32, #tpu.memory_space<vmem>>, vector<16xf32>,
        %add3A_1244 = arith.constant 8 : i32
        %add3A_1245 = arith.addi %add3A_187, %add3A_1244 : i32
        %get3A_1246 = arith.constant 0 : i32
        %get3A_1247 = arith.index_cast %get3A_1246 : i32 to index
        %get3A_1248 = arith.index_cast %add3A_1245 : i32 to index
        %get3A_1249 = arith.constant 64 : index
        %get3A_1250 = tpu.vector_load %arg10[%get3A_1247, %get3A_1248, %get3A_1249] {strides = array<i32>} : memref<2x128x128xf32, #tpu.memory_space<vmem>>, vector<16xf32>,
        %mul3A_1251 = arith.mulf %get3A_1250, %gather3A_1183 : vector<16xf32>
        %add3A_1252 = arith.constant 8 : i32
        %add3A_1253 = arith.addi %add3A_187, %add3A_1252 : i32
        %swap3A_1254 = arith.constant 0 : i32
        %swap3A_1255 = arith.index_cast %swap3A_1254 : i32 to index
        %swap3A_1256 = arith.index_cast %add3A_1253 : i32 to index
        %swap3A_1257 = arith.constant 64 : index
        %swap3A_1258 = tpu.vector_load %arg10[%swap3A_1255, %swap3A_1256, %swap3A_1257] {strides = array<i32>} : memref<2x128x128xf32, #tpu.memory_space<vmem>>, vector<16xf32>,
        tpu.vector_store %arg10[%swap3A_1255, %swap3A_1256, %swap3A_1257], %mul3A_1251 {strides = array<i32>} : memref<2x128x128xf32, #tpu.memory_space<vmem>>, vector<16xf32>,
        %add3A_1259 = arith.constant 8 : i32
        %add3A_1260 = arith.addi %add3A_187, %add3A_1259 : i32
        %get3A_1261 = arith.constant 0 : i32
        %get3A_1262 = arith.index_cast %get3A_1261 : i32 to index
        %get3A_1263 = arith.index_cast %add3A_1260 : i32 to index
        %get3A_1264 = arith.constant 80 : index
        %get3A_1265 = tpu.vector_load %arg10[%get3A_1262, %get3A_1263, %get3A_1264] {strides = array<i32>} : memref<2x128x128xf32, #tpu.memory_space<vmem>>, vector<16xf32>,
        %mul3A_1266 = arith.mulf %get3A_1265, %gather3A_1183 : vector<16xf32>
        %add3A_1267 = arith.constant 8 : i32
        %add3A_1268 = arith.addi %add3A_187, %add3A_1267 : i32
        %swap3A_1269 = arith.constant 0 : i32
        %swap3A_1270 = arith.index_cast %swap3A_1269 : i32 to index
        %swap3A_1271 = arith.index_cast %add3A_1268 : i32 to index
        %swap3A_1272 = arith.constant 80 : index
        %swap3A_1273 = tpu.vector_load %arg10[%swap3A_1270, %swap3A_1271, %swap3A_1272] {strides = array<i32>} : memref<2x128x128xf32, #tpu.memory_space<vmem>>, vector<16xf32>,
        tpu.vector_store %arg10[%swap3A_1270, %swap3A_1271, %swap3A_1272], %mul3A_1266 {strides = array<i32>} : memref<2x128x128xf32, #tpu.memory_space<vmem>>, vector<16xf32>,
        %add3A_1274 = arith.constant 8 : i32
        %add3A_1275 = arith.addi %add3A_187, %add3A_1274 : i32
        %get3A_1276 = arith.constant 0 : i32
        %get3A_1277 = arith.index_cast %get3A_1276 : i32 to index
        %get3A_1278 = arith.index_cast %add3A_1275 : i32 to index
        %get3A_1279 = arith.constant 96 : index
        %get3A_1280 = tpu.vector_load %arg10[%get3A_1277, %get3A_1278, %get3A_1279] {strides = array<i32>} : memref<2x128x128xf32, #tpu.memory_space<vmem>>, vector<16xf32>,
        %mul3A_1281 = arith.mulf %get3A_1280, %gather3A_1183 : vector<16xf32>
        %add3A_1282 = arith.constant 8 : i32
        %add3A_1283 = arith.addi %add3A_187, %add3A_1282 : i32
        %swap3A_1284 = arith.constant 0 : i32
        %swap3A_1285 = arith.index_cast %swap3A_1284 : i32 to index
        %swap3A_1286 = arith.index_cast %add3A_1283 : i32 to index
        %swap3A_1287 = arith.constant 96 : index
        %swap3A_1288 = tpu.vector_load %arg10[%swap3A_1285, %swap3A_1286, %swap3A_1287] {strides = array<i32>} : memref<2x128x128xf32, #tpu.memory_space<vmem>>, vector<16xf32>,
        tpu.vector_store %arg10[%swap3A_1285, %swap3A_1286, %swap3A_1287], %mul3A_1281 {strides = array<i32>} : memref<2x128x128xf32, #tpu.memory_space<vmem>>, vector<16xf32>,
        %add3A_1289 = arith.constant 8 : i32
        %add3A_1290 = arith.addi %add3A_187, %add3A_1289 : i32
        %get3A_1291 = arith.constant 0 : i32
        %get3A_1292 = arith.index_cast %get3A_1291 : i32 to index
        %get3A_1293 = arith.index_cast %add3A_1290 : i32 to index
        %get3A_1294 = arith.constant 112 : index
        %get3A_1295 = tpu.vector_load %arg10[%get3A_1292, %get3A_1293, %get3A_1294] {strides = array<i32>} : memref<2x128x128xf32, #tpu.memory_space<vmem>>, vector<16xf32>,
        %mul3A_1296 = arith.mulf %get3A_1295, %gather3A_1183 : vector<16xf32>
        %add3A_1297 = arith.constant 8 : i32
        %add3A_1298 = arith.addi %add3A_187, %add3A_1297 : i32
        %swap3A_1299 = arith.constant 0 : i32
        %swap3A_1300 = arith.index_cast %swap3A_1299 : i32 to index
        %swap3A_1301 = arith.index_cast %add3A_1298 : i32 to index
        %swap3A_1302 = arith.constant 112 : index
        %swap3A_1303 = tpu.vector_load %arg10[%swap3A_1300, %swap3A_1301, %swap3A_1302] {strides = array<i32>} : memref<2x128x128xf32, #tpu.memory_space<vmem>>, vector<16xf32>,
        tpu.vector_store %arg10[%swap3A_1300, %swap3A_1301, %swap3A_1302], %mul3A_1296 {strides = array<i32>} : memref<2x128x128xf32, #tpu.memory_space<vmem>>, vector<16xf32>,
        %broadcast_in_dim3A_1304 = arith.constant 9 : i32
        %broadcast_in_dim3A_1305 = vector.broadcast %broadcast_in_dim3A_1304 : i32 to vector<16x1xi32>
        %gather3A_1306 = vector.shape_cast %broadcast_in_dim3A_1305 : vector<16x1xi32> to vector<16xi32>
        %gather3A_1307 = tpu.dynamic_gather %get3A_190[%gather3A_1306] in [0] : vector<16xf32>, vector<16xi32> -> vector<16xf32>
        %add3A_1308 = arith.constant 9 : i32
        %add3A_1309 = arith.addi %add3A_187, %add3A_1308 : i32
        %get3A_1310 = arith.constant 0 : i32
        %get3A_1311 = arith.index_cast %get3A_1310 : i32 to index
        %get3A_1312 = arith.index_cast %add3A_1309 : i32 to index
        %get3A_1313 = arith.constant 0 : index
        %get3A_1314 = tpu.vector_load %arg10[%get3A_1311, %get3A_1312, %get3A_1313] {strides = array<i32>} : memref<2x128x128xf32, #tpu.memory_space<vmem>>, vector<16xf32>,
        %mul3A_1315 = arith.mulf %get3A_1314, %gather3A_1307 : vector<16xf32>
        %add3A_1316 = arith.constant 9 : i32
        %add3A_1317 = arith.addi %add3A_187, %add3A_1316 : i32
        %swap3A_1318 = arith.constant 0 : i32
        %swap3A_1319 = arith.index_cast %swap3A_1318 : i32 to index
        %swap3A_1320 = arith.index_cast %add3A_1317 : i32 to index
        %swap3A_1321 = arith.constant 0 : index
        %swap3A_1322 = tpu.vector_load %arg10[%swap3A_1319, %swap3A_1320, %swap3A_1321] {strides = array<i32>} : memref<2x128x128xf32, #tpu.memory_space<vmem>>, vector<16xf32>,
        tpu.vector_store %arg10[%swap3A_1319, %swap3A_1320, %swap3A_1321], %mul3A_1315 {strides = array<i32>} : memref<2x128x128xf32, #tpu.memory_space<vmem>>, vector<16xf32>,
        %add3A_1323 = arith.constant 9 : i32
        %add3A_1324 = arith.addi %add3A_187, %add3A_1323 : i32
        %get3A_1325 = arith.constant 0 : i32
        %get3A_1326 = arith.index_cast %get3A_1325 : i32 to index
        %get3A_1327 = arith.index_cast %add3A_1324 : i32 to index
        %get3A_1328 = arith.constant 16 : index
        %get3A_1329 = tpu.vector_load %arg10[%get3A_1326, %get3A_1327, %get3A_1328] {strides = array<i32>} : memref<2x128x128xf32, #tpu.memory_space<vmem>>, vector<16xf32>,
        %mul3A_1330 = arith.mulf %get3A_1329, %gather3A_1307 : vector<16xf32>
        %add3A_1331 = arith.constant 9 : i32
        %add3A_1332 = arith.addi %add3A_187, %add3A_1331 : i32
        %swap3A_1333 = arith.constant 0 : i32
        %swap3A_1334 = arith.index_cast %swap3A_1333 : i32 to index
        %swap3A_1335 = arith.index_cast %add3A_1332 : i32 to index
        %swap3A_1336 = arith.constant 16 : index
        %swap3A_1337 = tpu.vector_load %arg10[%swap3A_1334, %swap3A_1335, %swap3A_1336] {strides = array<i32>} : memref<2x128x128xf32, #tpu.memory_space<vmem>>, vector<16xf32>,
        tpu.vector_store %arg10[%swap3A_1334, %swap3A_1335, %swap3A_1336], %mul3A_1330 {strides = array<i32>} : memref<2x128x128xf32, #tpu.memory_space<vmem>>, vector<16xf32>,
        %add3A_1338 = arith.constant 9 : i32
        %add3A_1339 = arith.addi %add3A_187, %add3A_1338 : i32
        %get3A_1340 = arith.constant 0 : i32
        %get3A_1341 = arith.index_cast %get3A_1340 : i32 to index
        %get3A_1342 = arith.index_cast %add3A_1339 : i32 to index
        %get3A_1343 = arith.constant 32 : index
        %get3A_1344 = tpu.vector_load %arg10[%get3A_1341, %get3A_1342, %get3A_1343] {strides = array<i32>} : memref<2x128x128xf32, #tpu.memory_space<vmem>>, vector<16xf32>,
        %mul3A_1345 = arith.mulf %get3A_1344, %gather3A_1307 : vector<16xf32>
        %add3A_1346 = arith.constant 9 : i32
        %add3A_1347 = arith.addi %add3A_187, %add3A_1346 : i32
        %swap3A_1348 = arith.constant 0 : i32
        %swap3A_1349 = arith.index_cast %swap3A_1348 : i32 to index
        %swap3A_1350 = arith.index_cast %add3A_1347 : i32 to index
        %swap3A_1351 = arith.constant 32 : index
        %swap3A_1352 = tpu.vector_load %arg10[%swap3A_1349, %swap3A_1350, %swap3A_1351] {strides = array<i32>} : memref<2x128x128xf32, #tpu.memory_space<vmem>>, vector<16xf32>,
        tpu.vector_store %arg10[%swap3A_1349, %swap3A_1350, %swap3A_1351], %mul3A_1345 {strides = array<i32>} : memref<2x128x128xf32, #tpu.memory_space<vmem>>, vector<16xf32>,
        %add3A_1353 = arith.constant 9 : i32
        %add3A_1354 = arith.addi %add3A_187, %add3A_1353 : i32
        %get3A_1355 = arith.constant 0 : i32
        %get3A_1356 = arith.index_cast %get3A_1355 : i32 to index
        %get3A_1357 = arith.index_cast %add3A_1354 : i32 to index
        %get3A_1358 = arith.constant 48 : index
        %get3A_1359 = tpu.vector_load %arg10[%get3A_1356, %get3A_1357, %get3A_1358] {strides = array<i32>} : memref<2x128x128xf32, #tpu.memory_space<vmem>>, vector<16xf32>,
        %mul3A_1360 = arith.mulf %get3A_1359, %gather3A_1307 : vector<16xf32>
        %add3A_1361 = arith.constant 9 : i32
        %add3A_1362 = arith.addi %add3A_187, %add3A_1361 : i32
        %swap3A_1363 = arith.constant 0 : i32
        %swap3A_1364 = arith.index_cast %swap3A_1363 : i32 to index
        %swap3A_1365 = arith.index_cast %add3A_1362 : i32 to index
        %swap3A_1366 = arith.constant 48 : index
        %swap3A_1367 = tpu.vector_load %arg10[%swap3A_1364, %swap3A_1365, %swap3A_1366] {strides = array<i32>} : memref<2x128x128xf32, #tpu.memory_space<vmem>>, vector<16xf32>,
        tpu.vector_store %arg10[%swap3A_1364, %swap3A_1365, %swap3A_1366], %mul3A_1360 {strides = array<i32>} : memref<2x128x128xf32, #tpu.memory_space<vmem>>, vector<16xf32>,
        %add3A_1368 = arith.constant 9 : i32
        %add3A_1369 = arith.addi %add3A_187, %add3A_1368 : i32
        %get3A_1370 = arith.constant 0 : i32
        %get3A_1371 = arith.index_cast %get3A_1370 : i32 to index
        %get3A_1372 = arith.index_cast %add3A_1369 : i32 to index
        %get3A_1373 = arith.constant 64 : index
        %get3A_1374 = tpu.vector_load %arg10[%get3A_1371, %get3A_1372, %get3A_1373] {strides = array<i32>} : memref<2x128x128xf32, #tpu.memory_space<vmem>>, vector<16xf32>,
        %mul3A_1375 = arith.mulf %get3A_1374, %gather3A_1307 : vector<16xf32>
        %add3A_1376 = arith.constant 9 : i32
        %add3A_1377 = arith.addi %add3A_187, %add3A_1376 : i32
        %swap3A_1378 = arith.constant 0 : i32
        %swap3A_1379 = arith.index_cast %swap3A_1378 : i32 to index
        %swap3A_1380 = arith.index_cast %add3A_1377 : i32 to index
        %swap3A_1381 = arith.constant 64 : index
        %swap3A_1382 = tpu.vector_load %arg10[%swap3A_1379, %swap3A_1380, %swap3A_1381] {strides = array<i32>} : memref<2x128x128xf32, #tpu.memory_space<vmem>>, vector<16xf32>,
        tpu.vector_store %arg10[%swap3A_1379, %swap3A_1380, %swap3A_1381], %mul3A_1375 {strides = array<i32>} : memref<2x128x128xf32, #tpu.memory_space<vmem>>, vector<16xf32>,
        %add3A_1383 = arith.constant 9 : i32
        %add3A_1384 = arith.addi %add3A_187, %add3A_1383 : i32
        %get3A_1385 = arith.constant 0 : i32
        %get3A_1386 = arith.index_cast %get3A_1385 : i32 to index
        %get3A_1387 = arith.index_cast %add3A_1384 : i32 to index
        %get3A_1388 = arith.constant 80 : index
        %get3A_1389 = tpu.vector_load %arg10[%get3A_1386, %get3A_1387, %get3A_1388] {strides = array<i32>} : memref<2x128x128xf32, #tpu.memory_space<vmem>>, vector<16xf32>,
        %mul3A_1390 = arith.mulf %get3A_1389, %gather3A_1307 : vector<16xf32>
        %add3A_1391 = arith.constant 9 : i32
        %add3A_1392 = arith.addi %add3A_187, %add3A_1391 : i32
        %swap3A_1393 = arith.constant 0 : i32
        %swap3A_1394 = arith.index_cast %swap3A_1393 : i32 to index
        %swap3A_1395 = arith.index_cast %add3A_1392 : i32 to index
        %swap3A_1396 = arith.constant 80 : index
        %swap3A_1397 = tpu.vector_load %arg10[%swap3A_1394, %swap3A_1395, %swap3A_1396] {strides = array<i32>} : memref<2x128x128xf32, #tpu.memory_space<vmem>>, vector<16xf32>,
        tpu.vector_store %arg10[%swap3A_1394, %swap3A_1395, %swap3A_1396], %mul3A_1390 {strides = array<i32>} : memref<2x128x128xf32, #tpu.memory_space<vmem>>, vector<16xf32>,
        %add3A_1398 = arith.constant 9 : i32
        %add3A_1399 = arith.addi %add3A_187, %add3A_1398 : i32
        %get3A_1400 = arith.constant 0 : i32
        %get3A_1401 = arith.index_cast %get3A_1400 : i32 to index
        %get3A_1402 = arith.index_cast %add3A_1399 : i32 to index
        %get3A_1403 = arith.constant 96 : index
        %get3A_1404 = tpu.vector_load %arg10[%get3A_1401, %get3A_1402, %get3A_1403] {strides = array<i32>} : memref<2x128x128xf32, #tpu.memory_space<vmem>>, vector<16xf32>,
        %mul3A_1405 = arith.mulf %get3A_1404, %gather3A_1307 : vector<16xf32>
        %add3A_1406 = arith.constant 9 : i32
        %add3A_1407 = arith.addi %add3A_187, %add3A_1406 : i32
        %swap3A_1408 = arith.constant 0 : i32
        %swap3A_1409 = arith.index_cast %swap3A_1408 : i32 to index
        %swap3A_1410 = arith.index_cast %add3A_1407 : i32 to index
        %swap3A_1411 = arith.constant 96 : index
        %swap3A_1412 = tpu.vector_load %arg10[%swap3A_1409, %swap3A_1410, %swap3A_1411] {strides = array<i32>} : memref<2x128x128xf32, #tpu.memory_space<vmem>>, vector<16xf32>,
        tpu.vector_store %arg10[%swap3A_1409, %swap3A_1410, %swap3A_1411], %mul3A_1405 {strides = array<i32>} : memref<2x128x128xf32, #tpu.memory_space<vmem>>, vector<16xf32>,
        %add3A_1413 = arith.constant 9 : i32
        %add3A_1414 = arith.addi %add3A_187, %add3A_1413 : i32
        %get3A_1415 = arith.constant 0 : i32
        %get3A_1416 = arith.index_cast %get3A_1415 : i32 to index
        %get3A_1417 = arith.index_cast %add3A_1414 : i32 to index
        %get3A_1418 = arith.constant 112 : index
        %get3A_1419 = tpu.vector_load %arg10[%get3A_1416, %get3A_1417, %get3A_1418] {strides = array<i32>} : memref<2x128x128xf32, #tpu.memory_space<vmem>>, vector<16xf32>,
        %mul3A_1420 = arith.mulf %get3A_1419, %gather3A_1307 : vector<16xf32>
        %add3A_1421 = arith.constant 9 : i32
        %add3A_1422 = arith.addi %add3A_187, %add3A_1421 : i32
        %swap3A_1423 = arith.constant 0 : i32
        %swap3A_1424 = arith.index_cast %swap3A_1423 : i32 to index
        %swap3A_1425 = arith.index_cast %add3A_1422 : i32 to index
        %swap3A_1426 = arith.constant 112 : index
        %swap3A_1427 = tpu.vector_load %arg10[%swap3A_1424, %swap3A_1425, %swap3A_1426] {strides = array<i32>} : memref<2x128x128xf32, #tpu.memory_space<vmem>>, vector<16xf32>,
        tpu.vector_store %arg10[%swap3A_1424, %swap3A_1425, %swap3A_1426], %mul3A_1420 {strides = array<i32>} : memref<2x128x128xf32, #tpu.memory_space<vmem>>, vector<16xf32>,
        %broadcast_in_dim3A_1428 = arith.constant 10 : i32
        %broadcast_in_dim3A_1429 = vector.broadcast %broadcast_in_dim3A_1428 : i32 to vector<16x1xi32>
        %gather3A_1430 = vector.shape_cast %broadcast_in_dim3A_1429 : vector<16x1xi32> to vector<16xi32>
        %gather3A_1431 = tpu.dynamic_gather %get3A_190[%gather3A_1430] in [0] : vector<16xf32>, vector<16xi32> -> vector<16xf32>
        %add3A_1432 = arith.constant 10 : i32
        %add3A_1433 = arith.addi %add3A_187, %add3A_1432 : i32
        %get3A_1434 = arith.constant 0 : i32
        %get3A_1435 = arith.index_cast %get3A_1434 : i32 to index
        %get3A_1436 = arith.index_cast %add3A_1433 : i32 to index
        %get3A_1437 = arith.constant 0 : index
        %get3A_1438 = tpu.vector_load %arg10[%get3A_1435, %get3A_1436, %get3A_1437] {strides = array<i32>} : memref<2x128x128xf32, #tpu.memory_space<vmem>>, vector<16xf32>,
        %mul3A_1439 = arith.mulf %get3A_1438, %gather3A_1431 : vector<16xf32>
        %add3A_1440 = arith.constant 10 : i32
        %add3A_1441 = arith.addi %add3A_187, %add3A_1440 : i32
        %swap3A_1442 = arith.constant 0 : i32
        %swap3A_1443 = arith.index_cast %swap3A_1442 : i32 to index
        %swap3A_1444 = arith.index_cast %add3A_1441 : i32 to index
        %swap3A_1445 = arith.constant 0 : index
        %swap3A_1446 = tpu.vector_load %arg10[%swap3A_1443, %swap3A_1444, %swap3A_1445] {strides = array<i32>} : memref<2x128x128xf32, #tpu.memory_space<vmem>>, vector<16xf32>,
        tpu.vector_store %arg10[%swap3A_1443, %swap3A_1444, %swap3A_1445], %mul3A_1439 {strides = array<i32>} : memref<2x128x128xf32, #tpu.memory_space<vmem>>, vector<16xf32>,
        %add3A_1447 = arith.constant 10 : i32
        %add3A_1448 = arith.addi %add3A_187, %add3A_1447 : i32
        %get3A_1449 = arith.constant 0 : i32
        %get3A_1450 = arith.index_cast %get3A_1449 : i32 to index
        %get3A_1451 = arith.index_cast %add3A_1448 : i32 to index
        %get3A_1452 = arith.constant 16 : index
        %get3A_1453 = tpu.vector_load %arg10[%get3A_1450, %get3A_1451, %get3A_1452] {strides = array<i32>} : memref<2x128x128xf32, #tpu.memory_space<vmem>>, vector<16xf32>,
        %mul3A_1454 = arith.mulf %get3A_1453, %gather3A_1431 : vector<16xf32>
        %add3A_1455 = arith.constant 10 : i32
        %add3A_1456 = arith.addi %add3A_187, %add3A_1455 : i32
        %swap3A_1457 = arith.constant 0 : i32
        %swap3A_1458 = arith.index_cast %swap3A_1457 : i32 to index
        %swap3A_1459 = arith.index_cast %add3A_1456 : i32 to index
        %swap3A_1460 = arith.constant 16 : index
        %swap3A_1461 = tpu.vector_load %arg10[%swap3A_1458, %swap3A_1459, %swap3A_1460] {strides = array<i32>} : memref<2x128x128xf32, #tpu.memory_space<vmem>>, vector<16xf32>,
        tpu.vector_store %arg10[%swap3A_1458, %swap3A_1459, %swap3A_1460], %mul3A_1454 {strides = array<i32>} : memref<2x128x128xf32, #tpu.memory_space<vmem>>, vector<16xf32>,
        %add3A_1462 = arith.constant 10 : i32
        %add3A_1463 = arith.addi %add3A_187, %add3A_1462 : i32
        %get3A_1464 = arith.constant 0 : i32
        %get3A_1465 = arith.index_cast %get3A_1464 : i32 to index
        %get3A_1466 = arith.index_cast %add3A_1463 : i32 to index
        %get3A_1467 = arith.constant 32 : index
        %get3A_1468 = tpu.vector_load %arg10[%get3A_1465, %get3A_1466, %get3A_1467] {strides = array<i32>} : memref<2x128x128xf32, #tpu.memory_space<vmem>>, vector<16xf32>,
        %mul3A_1469 = arith.mulf %get3A_1468, %gather3A_1431 : vector<16xf32>
        %add3A_1470 = arith.constant 10 : i32
        %add3A_1471 = arith.addi %add3A_187, %add3A_1470 : i32
        %swap3A_1472 = arith.constant 0 : i32
        %swap3A_1473 = arith.index_cast %swap3A_1472 : i32 to index
        %swap3A_1474 = arith.index_cast %add3A_1471 : i32 to index
        %swap3A_1475 = arith.constant 32 : index
        %swap3A_1476 = tpu.vector_load %arg10[%swap3A_1473, %swap3A_1474, %swap3A_1475] {strides = array<i32>} : memref<2x128x128xf32, #tpu.memory_space<vmem>>, vector<16xf32>,
        tpu.vector_store %arg10[%swap3A_1473, %swap3A_1474, %swap3A_1475], %mul3A_1469 {strides = array<i32>} : memref<2x128x128xf32, #tpu.memory_space<vmem>>, vector<16xf32>,
        %add3A_1477 = arith.constant 10 : i32
        %add3A_1478 = arith.addi %add3A_187, %add3A_1477 : i32
        %get3A_1479 = arith.constant 0 : i32
        %get3A_1480 = arith.index_cast %get3A_1479 : i32 to index
        %get3A_1481 = arith.index_cast %add3A_1478 : i32 to index
        %get3A_1482 = arith.constant 48 : index
        %get3A_1483 = tpu.vector_load %arg10[%get3A_1480, %get3A_1481, %get3A_1482] {strides = array<i32>} : memref<2x128x128xf32, #tpu.memory_space<vmem>>, vector<16xf32>,
        %mul3A_1484 = arith.mulf %get3A_1483, %gather3A_1431 : vector<16xf32>
        %add3A_1485 = arith.constant 10 : i32
        %add3A_1486 = arith.addi %add3A_187, %add3A_1485 : i32
        %swap3A_1487 = arith.constant 0 : i32
        %swap3A_1488 = arith.index_cast %swap3A_1487 : i32 to index
        %swap3A_1489 = arith.index_cast %add3A_1486 : i32 to index
        %swap3A_1490 = arith.constant 48 : index
        %swap3A_1491 = tpu.vector_load %arg10[%swap3A_1488, %swap3A_1489, %swap3A_1490] {strides = array<i32>} : memref<2x128x128xf32, #tpu.memory_space<vmem>>, vector<16xf32>,
        tpu.vector_store %arg10[%swap3A_1488, %swap3A_1489, %swap3A_1490], %mul3A_1484 {strides = array<i32>} : memref<2x128x128xf32, #tpu.memory_space<vmem>>, vector<16xf32>,
        %add3A_1492 = arith.constant 10 : i32
        %add3A_1493 = arith.addi %add3A_187, %add3A_1492 : i32
        %get3A_1494 = arith.constant 0 : i32
        %get3A_1495 = arith.index_cast %get3A_1494 : i32 to index
        %get3A_1496 = arith.index_cast %add3A_1493 : i32 to index
        %get3A_1497 = arith.constant 64 : index
        %get3A_1498 = tpu.vector_load %arg10[%get3A_1495, %get3A_1496, %get3A_1497] {strides = array<i32>} : memref<2x128x128xf32, #tpu.memory_space<vmem>>, vector<16xf32>,
        %mul3A_1499 = arith.mulf %get3A_1498, %gather3A_1431 : vector<16xf32>
        %add3A_1500 = arith.constant 10 : i32
        %add3A_1501 = arith.addi %add3A_187, %add3A_1500 : i32
        %swap3A_1502 = arith.constant 0 : i32
        %swap3A_1503 = arith.index_cast %swap3A_1502 : i32 to index
        %swap3A_1504 = arith.index_cast %add3A_1501 : i32 to index
        %swap3A_1505 = arith.constant 64 : index
        %swap3A_1506 = tpu.vector_load %arg10[%swap3A_1503, %swap3A_1504, %swap3A_1505] {strides = array<i32>} : memref<2x128x128xf32, #tpu.memory_space<vmem>>, vector<16xf32>,
        tpu.vector_store %arg10[%swap3A_1503, %swap3A_1504, %swap3A_1505], %mul3A_1499 {strides = array<i32>} : memref<2x128x128xf32, #tpu.memory_space<vmem>>, vector<16xf32>,
        %add3A_1507 = arith.constant 10 : i32
        %add3A_1508 = arith.addi %add3A_187, %add3A_1507 : i32
        %get3A_1509 = arith.constant 0 : i32
        %get3A_1510 = arith.index_cast %get3A_1509 : i32 to index
        %get3A_1511 = arith.index_cast %add3A_1508 : i32 to index
        %get3A_1512 = arith.constant 80 : index
        %get3A_1513 = tpu.vector_load %arg10[%get3A_1510, %get3A_1511, %get3A_1512] {strides = array<i32>} : memref<2x128x128xf32, #tpu.memory_space<vmem>>, vector<16xf32>,
        %mul3A_1514 = arith.mulf %get3A_1513, %gather3A_1431 : vector<16xf32>
        %add3A_1515 = arith.constant 10 : i32
        %add3A_1516 = arith.addi %add3A_187, %add3A_1515 : i32
        %swap3A_1517 = arith.constant 0 : i32
        %swap3A_1518 = arith.index_cast %swap3A_1517 : i32 to index
        %swap3A_1519 = arith.index_cast %add3A_1516 : i32 to index
        %swap3A_1520 = arith.constant 80 : index
        %swap3A_1521 = tpu.vector_load %arg10[%swap3A_1518, %swap3A_1519, %swap3A_1520] {strides = array<i32>} : memref<2x128x128xf32, #tpu.memory_space<vmem>>, vector<16xf32>,
        tpu.vector_store %arg10[%swap3A_1518, %swap3A_1519, %swap3A_1520], %mul3A_1514 {strides = array<i32>} : memref<2x128x128xf32, #tpu.memory_space<vmem>>, vector<16xf32>,
        %add3A_1522 = arith.constant 10 : i32
        %add3A_1523 = arith.addi %add3A_187, %add3A_1522 : i32
        %get3A_1524 = arith.constant 0 : i32
        %get3A_1525 = arith.index_cast %get3A_1524 : i32 to index
        %get3A_1526 = arith.index_cast %add3A_1523 : i32 to index
        %get3A_1527 = arith.constant 96 : index
        %get3A_1528 = tpu.vector_load %arg10[%get3A_1525, %get3A_1526, %get3A_1527] {strides = array<i32>} : memref<2x128x128xf32, #tpu.memory_space<vmem>>, vector<16xf32>,
        %mul3A_1529 = arith.mulf %get3A_1528, %gather3A_1431 : vector<16xf32>
        %add3A_1530 = arith.constant 10 : i32
        %add3A_1531 = arith.addi %add3A_187, %add3A_1530 : i32
        %swap3A_1532 = arith.constant 0 : i32
        %swap3A_1533 = arith.index_cast %swap3A_1532 : i32 to index
        %swap3A_1534 = arith.index_cast %add3A_1531 : i32 to index
        %swap3A_1535 = arith.constant 96 : index
        %swap3A_1536 = tpu.vector_load %arg10[%swap3A_1533, %swap3A_1534, %swap3A_1535] {strides = array<i32>} : memref<2x128x128xf32, #tpu.memory_space<vmem>>, vector<16xf32>,
        tpu.vector_store %arg10[%swap3A_1533, %swap3A_1534, %swap3A_1535], %mul3A_1529 {strides = array<i32>} : memref<2x128x128xf32, #tpu.memory_space<vmem>>, vector<16xf32>,
        %add3A_1537 = arith.constant 10 : i32
        %add3A_1538 = arith.addi %add3A_187, %add3A_1537 : i32
        %get3A_1539 = arith.constant 0 : i32
        %get3A_1540 = arith.index_cast %get3A_1539 : i32 to index
        %get3A_1541 = arith.index_cast %add3A_1538 : i32 to index
        %get3A_1542 = arith.constant 112 : index
        %get3A_1543 = tpu.vector_load %arg10[%get3A_1540, %get3A_1541, %get3A_1542] {strides = array<i32>} : memref<2x128x128xf32, #tpu.memory_space<vmem>>, vector<16xf32>,
        %mul3A_1544 = arith.mulf %get3A_1543, %gather3A_1431 : vector<16xf32>
        %add3A_1545 = arith.constant 10 : i32
        %add3A_1546 = arith.addi %add3A_187, %add3A_1545 : i32
        %swap3A_1547 = arith.constant 0 : i32
        %swap3A_1548 = arith.index_cast %swap3A_1547 : i32 to index
        %swap3A_1549 = arith.index_cast %add3A_1546 : i32 to index
        %swap3A_1550 = arith.constant 112 : index
        %swap3A_1551 = tpu.vector_load %arg10[%swap3A_1548, %swap3A_1549, %swap3A_1550] {strides = array<i32>} : memref<2x128x128xf32, #tpu.memory_space<vmem>>, vector<16xf32>,
        tpu.vector_store %arg10[%swap3A_1548, %swap3A_1549, %swap3A_1550], %mul3A_1544 {strides = array<i32>} : memref<2x128x128xf32, #tpu.memory_space<vmem>>, vector<16xf32>,
        %broadcast_in_dim3A_1552 = arith.constant 11 : i32
        %broadcast_in_dim3A_1553 = vector.broadcast %broadcast_in_dim3A_1552 : i32 to vector<16x1xi32>
        %gather3A_1554 = vector.shape_cast %broadcast_in_dim3A_1553 : vector<16x1xi32> to vector<16xi32>
        %gather3A_1555 = tpu.dynamic_gather %get3A_190[%gather3A_1554] in [0] : vector<16xf32>, vector<16xi32> -> vector<16xf32>
        %add3A_1556 = arith.constant 11 : i32
        %add3A_1557 = arith.addi %add3A_187, %add3A_1556 : i32
        %get3A_1558 = arith.constant 0 : i32
        %get3A_1559 = arith.index_cast %get3A_1558 : i32 to index
        %get3A_1560 = arith.index_cast %add3A_1557 : i32 to index
        %get3A_1561 = arith.constant 0 : index
        %get3A_1562 = tpu.vector_load %arg10[%get3A_1559, %get3A_1560, %get3A_1561] {strides = array<i32>} : memref<2x128x128xf32, #tpu.memory_space<vmem>>, vector<16xf32>,
        %mul3A_1563 = arith.mulf %get3A_1562, %gather3A_1555 : vector<16xf32>
        %add3A_1564 = arith.constant 11 : i32
        %add3A_1565 = arith.addi %add3A_187, %add3A_1564 : i32
        %swap3A_1566 = arith.constant 0 : i32
        %swap3A_1567 = arith.index_cast %swap3A_1566 : i32 to index
        %swap3A_1568 = arith.index_cast %add3A_1565 : i32 to index
        %swap3A_1569 = arith.constant 0 : index
        %swap3A_1570 = tpu.vector_load %arg10[%swap3A_1567, %swap3A_1568, %swap3A_1569] {strides = array<i32>} : memref<2x128x128xf32, #tpu.memory_space<vmem>>, vector<16xf32>,
        tpu.vector_store %arg10[%swap3A_1567, %swap3A_1568, %swap3A_1569], %mul3A_1563 {strides = array<i32>} : memref<2x128x128xf32, #tpu.memory_space<vmem>>, vector<16xf32>,
        %add3A_1571 = arith.constant 11 : i32
        %add3A_1572 = arith.addi %add3A_187, %add3A_1571 : i32
        %get3A_1573 = arith.constant 0 : i32
        %get3A_1574 = arith.index_cast %get3A_1573 : i32 to index
        %get3A_1575 = arith.index_cast %add3A_1572 : i32 to index
        %get3A_1576 = arith.constant 16 : index
        %get3A_1577 = tpu.vector_load %arg10[%get3A_1574, %get3A_1575, %get3A_1576] {strides = array<i32>} : memref<2x128x128xf32, #tpu.memory_space<vmem>>, vector<16xf32>,
        %mul3A_1578 = arith.mulf %get3A_1577, %gather3A_1555 : vector<16xf32>
        %add3A_1579 = arith.constant 11 : i32
        %add3A_1580 = arith.addi %add3A_187, %add3A_1579 : i32
        %swap3A_1581 = arith.constant 0 : i32
        %swap3A_1582 = arith.index_cast %swap3A_1581 : i32 to index
        %swap3A_1583 = arith.index_cast %add3A_1580 : i32 to index
        %swap3A_1584 = arith.constant 16 : index
        %swap3A_1585 = tpu.vector_load %arg10[%swap3A_1582, %swap3A_1583, %swap3A_1584] {strides = array<i32>} : memref<2x128x128xf32, #tpu.memory_space<vmem>>, vector<16xf32>,
        tpu.vector_store %arg10[%swap3A_1582, %swap3A_1583, %swap3A_1584], %mul3A_1578 {strides = array<i32>} : memref<2x128x128xf32, #tpu.memory_space<vmem>>, vector<16xf32>,
        %add3A_1586 = arith.constant 11 : i32
        %add3A_1587 = arith.addi %add3A_187, %add3A_1586 : i32
        %get3A_1588 = arith.constant 0 : i32
        %get3A_1589 = arith.index_cast %get3A_1588 : i32 to index
        %get3A_1590 = arith.index_cast %add3A_1587 : i32 to index
        %get3A_1591 = arith.constant 32 : index
        %get3A_1592 = tpu.vector_load %arg10[%get3A_1589, %get3A_1590, %get3A_1591] {strides = array<i32>} : memref<2x128x128xf32, #tpu.memory_space<vmem>>, vector<16xf32>,
        %mul3A_1593 = arith.mulf %get3A_1592, %gather3A_1555 : vector<16xf32>
        %add3A_1594 = arith.constant 11 : i32
        %add3A_1595 = arith.addi %add3A_187, %add3A_1594 : i32
        %swap3A_1596 = arith.constant 0 : i32
        %swap3A_1597 = arith.index_cast %swap3A_1596 : i32 to index
        %swap3A_1598 = arith.index_cast %add3A_1595 : i32 to index
        %swap3A_1599 = arith.constant 32 : index
        %swap3A_1600 = tpu.vector_load %arg10[%swap3A_1597, %swap3A_1598, %swap3A_1599] {strides = array<i32>} : memref<2x128x128xf32, #tpu.memory_space<vmem>>, vector<16xf32>,
        tpu.vector_store %arg10[%swap3A_1597, %swap3A_1598, %swap3A_1599], %mul3A_1593 {strides = array<i32>} : memref<2x128x128xf32, #tpu.memory_space<vmem>>, vector<16xf32>,
        %add3A_1601 = arith.constant 11 : i32
        %add3A_1602 = arith.addi %add3A_187, %add3A_1601 : i32
        %get3A_1603 = arith.constant 0 : i32
        %get3A_1604 = arith.index_cast %get3A_1603 : i32 to index
        %get3A_1605 = arith.index_cast %add3A_1602 : i32 to index
        %get3A_1606 = arith.constant 48 : index
        %get3A_1607 = tpu.vector_load %arg10[%get3A_1604, %get3A_1605, %get3A_1606] {strides = array<i32>} : memref<2x128x128xf32, #tpu.memory_space<vmem>>, vector<16xf32>,
        %mul3A_1608 = arith.mulf %get3A_1607, %gather3A_1555 : vector<16xf32>
        %add3A_1609 = arith.constant 11 : i32
        %add3A_1610 = arith.addi %add3A_187, %add3A_1609 : i32
        %swap3A_1611 = arith.constant 0 : i32
        %swap3A_1612 = arith.index_cast %swap3A_1611 : i32 to index
        %swap3A_1613 = arith.index_cast %add3A_1610 : i32 to index
        %swap3A_1614 = arith.constant 48 : index
        %swap3A_1615 = tpu.vector_load %arg10[%swap3A_1612, %swap3A_1613, %swap3A_1614] {strides = array<i32>} : memref<2x128x128xf32, #tpu.memory_space<vmem>>, vector<16xf32>,
        tpu.vector_store %arg10[%swap3A_1612, %swap3A_1613, %swap3A_1614], %mul3A_1608 {strides = array<i32>} : memref<2x128x128xf32, #tpu.memory_space<vmem>>, vector<16xf32>,
        %add3A_1616 = arith.constant 11 : i32
        %add3A_1617 = arith.addi %add3A_187, %add3A_1616 : i32
        %get3A_1618 = arith.constant 0 : i32
        %get3A_1619 = arith.index_cast %get3A_1618 : i32 to index
        %get3A_1620 = arith.index_cast %add3A_1617 : i32 to index
        %get3A_1621 = arith.constant 64 : index
        %get3A_1622 = tpu.vector_load %arg10[%get3A_1619, %get3A_1620, %get3A_1621] {strides = array<i32>} : memref<2x128x128xf32, #tpu.memory_space<vmem>>, vector<16xf32>,
        %mul3A_1623 = arith.mulf %get3A_1622, %gather3A_1555 : vector<16xf32>
        %add3A_1624 = arith.constant 11 : i32
        %add3A_1625 = arith.addi %add3A_187, %add3A_1624 : i32
        %swap3A_1626 = arith.constant 0 : i32
        %swap3A_1627 = arith.index_cast %swap3A_1626 : i32 to index
        %swap3A_1628 = arith.index_cast %add3A_1625 : i32 to index
        %swap3A_1629 = arith.constant 64 : index
        %swap3A_1630 = tpu.vector_load %arg10[%swap3A_1627, %swap3A_1628, %swap3A_1629] {strides = array<i32>} : memref<2x128x128xf32, #tpu.memory_space<vmem>>, vector<16xf32>,
        tpu.vector_store %arg10[%swap3A_1627, %swap3A_1628, %swap3A_1629], %mul3A_1623 {strides = array<i32>} : memref<2x128x128xf32, #tpu.memory_space<vmem>>, vector<16xf32>,
        %add3A_1631 = arith.constant 11 : i32
        %add3A_1632 = arith.addi %add3A_187, %add3A_1631 : i32
        %get3A_1633 = arith.constant 0 : i32
        %get3A_1634 = arith.index_cast %get3A_1633 : i32 to index
        %get3A_1635 = arith.index_cast %add3A_1632 : i32 to index
        %get3A_1636 = arith.constant 80 : index
        %get3A_1637 = tpu.vector_load %arg10[%get3A_1634, %get3A_1635, %get3A_1636] {strides = array<i32>} : memref<2x128x128xf32, #tpu.memory_space<vmem>>, vector<16xf32>,
        %mul3A_1638 = arith.mulf %get3A_1637, %gather3A_1555 : vector<16xf32>
        %add3A_1639 = arith.constant 11 : i32
        %add3A_1640 = arith.addi %add3A_187, %add3A_1639 : i32
        %swap3A_1641 = arith.constant 0 : i32
        %swap3A_1642 = arith.index_cast %swap3A_1641 : i32 to index
        %swap3A_1643 = arith.index_cast %add3A_1640 : i32 to index
        %swap3A_1644 = arith.constant 80 : index
        %swap3A_1645 = tpu.vector_load %arg10[%swap3A_1642, %swap3A_1643, %swap3A_1644] {strides = array<i32>} : memref<2x128x128xf32, #tpu.memory_space<vmem>>, vector<16xf32>,
        tpu.vector_store %arg10[%swap3A_1642, %swap3A_1643, %swap3A_1644], %mul3A_1638 {strides = array<i32>} : memref<2x128x128xf32, #tpu.memory_space<vmem>>, vector<16xf32>,
        %add3A_1646 = arith.constant 11 : i32
        %add3A_1647 = arith.addi %add3A_187, %add3A_1646 : i32
        %get3A_1648 = arith.constant 0 : i32
        %get3A_1649 = arith.index_cast %get3A_1648 : i32 to index
        %get3A_1650 = arith.index_cast %add3A_1647 : i32 to index
        %get3A_1651 = arith.constant 96 : index
        %get3A_1652 = tpu.vector_load %arg10[%get3A_1649, %get3A_1650, %get3A_1651] {strides = array<i32>} : memref<2x128x128xf32, #tpu.memory_space<vmem>>, vector<16xf32>,
        %mul3A_1653 = arith.mulf %get3A_1652, %gather3A_1555 : vector<16xf32>
        %add3A_1654 = arith.constant 11 : i32
        %add3A_1655 = arith.addi %add3A_187, %add3A_1654 : i32
        %swap3A_1656 = arith.constant 0 : i32
        %swap3A_1657 = arith.index_cast %swap3A_1656 : i32 to index
        %swap3A_1658 = arith.index_cast %add3A_1655 : i32 to index
        %swap3A_1659 = arith.constant 96 : index
        %swap3A_1660 = tpu.vector_load %arg10[%swap3A_1657, %swap3A_1658, %swap3A_1659] {strides = array<i32>} : memref<2x128x128xf32, #tpu.memory_space<vmem>>, vector<16xf32>,
        tpu.vector_store %arg10[%swap3A_1657, %swap3A_1658, %swap3A_1659], %mul3A_1653 {strides = array<i32>} : memref<2x128x128xf32, #tpu.memory_space<vmem>>, vector<16xf32>,
        %add3A_1661 = arith.constant 11 : i32
        %add3A_1662 = arith.addi %add3A_187, %add3A_1661 : i32
        %get3A_1663 = arith.constant 0 : i32
        %get3A_1664 = arith.index_cast %get3A_1663 : i32 to index
        %get3A_1665 = arith.index_cast %add3A_1662 : i32 to index
        %get3A_1666 = arith.constant 112 : index
        %get3A_1667 = tpu.vector_load %arg10[%get3A_1664, %get3A_1665, %get3A_1666] {strides = array<i32>} : memref<2x128x128xf32, #tpu.memory_space<vmem>>, vector<16xf32>,
        %mul3A_1668 = arith.mulf %get3A_1667, %gather3A_1555 : vector<16xf32>
        %add3A_1669 = arith.constant 11 : i32
        %add3A_1670 = arith.addi %add3A_187, %add3A_1669 : i32
        %swap3A_1671 = arith.constant 0 : i32
        %swap3A_1672 = arith.index_cast %swap3A_1671 : i32 to index
        %swap3A_1673 = arith.index_cast %add3A_1670 : i32 to index
        %swap3A_1674 = arith.constant 112 : index
        %swap3A_1675 = tpu.vector_load %arg10[%swap3A_1672, %swap3A_1673, %swap3A_1674] {strides = array<i32>} : memref<2x128x128xf32, #tpu.memory_space<vmem>>, vector<16xf32>,
        tpu.vector_store %arg10[%swap3A_1672, %swap3A_1673, %swap3A_1674], %mul3A_1668 {strides = array<i32>} : memref<2x128x128xf32, #tpu.memory_space<vmem>>, vector<16xf32>,
        %broadcast_in_dim3A_1676 = arith.constant 12 : i32
        %broadcast_in_dim3A_1677 = vector.broadcast %broadcast_in_dim3A_1676 : i32 to vector<16x1xi32>
        %gather3A_1678 = vector.shape_cast %broadcast_in_dim3A_1677 : vector<16x1xi32> to vector<16xi32>
        %gather3A_1679 = tpu.dynamic_gather %get3A_190[%gather3A_1678] in [0] : vector<16xf32>, vector<16xi32> -> vector<16xf32>
        %add3A_1680 = arith.constant 12 : i32
        %add3A_1681 = arith.addi %add3A_187, %add3A_1680 : i32
        %get3A_1682 = arith.constant 0 : i32
        %get3A_1683 = arith.index_cast %get3A_1682 : i32 to index
        %get3A_1684 = arith.index_cast %add3A_1681 : i32 to index
        %get3A_1685 = arith.constant 0 : index
        %get3A_1686 = tpu.vector_load %arg10[%get3A_1683, %get3A_1684, %get3A_1685] {strides = array<i32>} : memref<2x128x128xf32, #tpu.memory_space<vmem>>, vector<16xf32>,
        %mul3A_1687 = arith.mulf %get3A_1686, %gather3A_1679 : vector<16xf32>
        %add3A_1688 = arith.constant 12 : i32
        %add3A_1689 = arith.addi %add3A_187, %add3A_1688 : i32
        %swap3A_1690 = arith.constant 0 : i32
        %swap3A_1691 = arith.index_cast %swap3A_1690 : i32 to index
        %swap3A_1692 = arith.index_cast %add3A_1689 : i32 to index
        %swap3A_1693 = arith.constant 0 : index
        %swap3A_1694 = tpu.vector_load %arg10[%swap3A_1691, %swap3A_1692, %swap3A_1693] {strides = array<i32>} : memref<2x128x128xf32, #tpu.memory_space<vmem>>, vector<16xf32>,
        tpu.vector_store %arg10[%swap3A_1691, %swap3A_1692, %swap3A_1693], %mul3A_1687 {strides = array<i32>} : memref<2x128x128xf32, #tpu.memory_space<vmem>>, vector<16xf32>,
        %add3A_1695 = arith.constant 12 : i32
        %add3A_1696 = arith.addi %add3A_187, %add3A_1695 : i32
        %get3A_1697 = arith.constant 0 : i32
        %get3A_1698 = arith.index_cast %get3A_1697 : i32 to index
        %get3A_1699 = arith.index_cast %add3A_1696 : i32 to index
        %get3A_1700 = arith.constant 16 : index
        %get3A_1701 = tpu.vector_load %arg10[%get3A_1698, %get3A_1699, %get3A_1700] {strides = array<i32>} : memref<2x128x128xf32, #tpu.memory_space<vmem>>, vector<16xf32>,
        %mul3A_1702 = arith.mulf %get3A_1701, %gather3A_1679 : vector<16xf32>
        %add3A_1703 = arith.constant 12 : i32
        %add3A_1704 = arith.addi %add3A_187, %add3A_1703 : i32
        %swap3A_1705 = arith.constant 0 : i32
        %swap3A_1706 = arith.index_cast %swap3A_1705 : i32 to index
        %swap3A_1707 = arith.index_cast %add3A_1704 : i32 to index
        %swap3A_1708 = arith.constant 16 : index
        %swap3A_1709 = tpu.vector_load %arg10[%swap3A_1706, %swap3A_1707, %swap3A_1708] {strides = array<i32>} : memref<2x128x128xf32, #tpu.memory_space<vmem>>, vector<16xf32>,
        tpu.vector_store %arg10[%swap3A_1706, %swap3A_1707, %swap3A_1708], %mul3A_1702 {strides = array<i32>} : memref<2x128x128xf32, #tpu.memory_space<vmem>>, vector<16xf32>,
        %add3A_1710 = arith.constant 12 : i32
        %add3A_1711 = arith.addi %add3A_187, %add3A_1710 : i32
        %get3A_1712 = arith.constant 0 : i32
        %get3A_1713 = arith.index_cast %get3A_1712 : i32 to index
        %get3A_1714 = arith.index_cast %add3A_1711 : i32 to index
        %get3A_1715 = arith.constant 32 : index
        %get3A_1716 = tpu.vector_load %arg10[%get3A_1713, %get3A_1714, %get3A_1715] {strides = array<i32>} : memref<2x128x128xf32, #tpu.memory_space<vmem>>, vector<16xf32>,
        %mul3A_1717 = arith.mulf %get3A_1716, %gather3A_1679 : vector<16xf32>
        %add3A_1718 = arith.constant 12 : i32
        %add3A_1719 = arith.addi %add3A_187, %add3A_1718 : i32
        %swap3A_1720 = arith.constant 0 : i32
        %swap3A_1721 = arith.index_cast %swap3A_1720 : i32 to index
        %swap3A_1722 = arith.index_cast %add3A_1719 : i32 to index
        %swap3A_1723 = arith.constant 32 : index
        %swap3A_1724 = tpu.vector_load %arg10[%swap3A_1721, %swap3A_1722, %swap3A_1723] {strides = array<i32>} : memref<2x128x128xf32, #tpu.memory_space<vmem>>, vector<16xf32>,
        tpu.vector_store %arg10[%swap3A_1721, %swap3A_1722, %swap3A_1723], %mul3A_1717 {strides = array<i32>} : memref<2x128x128xf32, #tpu.memory_space<vmem>>, vector<16xf32>,
        %add3A_1725 = arith.constant 12 : i32
        %add3A_1726 = arith.addi %add3A_187, %add3A_1725 : i32
        %get3A_1727 = arith.constant 0 : i32
        %get3A_1728 = arith.index_cast %get3A_1727 : i32 to index
        %get3A_1729 = arith.index_cast %add3A_1726 : i32 to index
        %get3A_1730 = arith.constant 48 : index
        %get3A_1731 = tpu.vector_load %arg10[%get3A_1728, %get3A_1729, %get3A_1730] {strides = array<i32>} : memref<2x128x128xf32, #tpu.memory_space<vmem>>, vector<16xf32>,
        %mul3A_1732 = arith.mulf %get3A_1731, %gather3A_1679 : vector<16xf32>
        %add3A_1733 = arith.constant 12 : i32
        %add3A_1734 = arith.addi %add3A_187, %add3A_1733 : i32
        %swap3A_1735 = arith.constant 0 : i32
        %swap3A_1736 = arith.index_cast %swap3A_1735 : i32 to index
        %swap3A_1737 = arith.index_cast %add3A_1734 : i32 to index
        %swap3A_1738 = arith.constant 48 : index
        %swap3A_1739 = tpu.vector_load %arg10[%swap3A_1736, %swap3A_1737, %swap3A_1738] {strides = array<i32>} : memref<2x128x128xf32, #tpu.memory_space<vmem>>, vector<16xf32>,
        tpu.vector_store %arg10[%swap3A_1736, %swap3A_1737, %swap3A_1738], %mul3A_1732 {strides = array<i32>} : memref<2x128x128xf32, #tpu.memory_space<vmem>>, vector<16xf32>,
        %add3A_1740 = arith.constant 12 : i32
        %add3A_1741 = arith.addi %add3A_187, %add3A_1740 : i32
        %get3A_1742 = arith.constant 0 : i32
        %get3A_1743 = arith.index_cast %get3A_1742 : i32 to index
        %get3A_1744 = arith.index_cast %add3A_1741 : i32 to index
        %get3A_1745 = arith.constant 64 : index
        %get3A_1746 = tpu.vector_load %arg10[%get3A_1743, %get3A_1744, %get3A_1745] {strides = array<i32>} : memref<2x128x128xf32, #tpu.memory_space<vmem>>, vector<16xf32>,
        %mul3A_1747 = arith.mulf %get3A_1746, %gather3A_1679 : vector<16xf32>
        %add3A_1748 = arith.constant 12 : i32
        %add3A_1749 = arith.addi %add3A_187, %add3A_1748 : i32
        %swap3A_1750 = arith.constant 0 : i32
        %swap3A_1751 = arith.index_cast %swap3A_1750 : i32 to index
        %swap3A_1752 = arith.index_cast %add3A_1749 : i32 to index
        %swap3A_1753 = arith.constant 64 : index
        %swap3A_1754 = tpu.vector_load %arg10[%swap3A_1751, %swap3A_1752, %swap3A_1753] {strides = array<i32>} : memref<2x128x128xf32, #tpu.memory_space<vmem>>, vector<16xf32>,
        tpu.vector_store %arg10[%swap3A_1751, %swap3A_1752, %swap3A_1753], %mul3A_1747 {strides = array<i32>} : memref<2x128x128xf32, #tpu.memory_space<vmem>>, vector<16xf32>,
        %add3A_1755 = arith.constant 12 : i32
        %add3A_1756 = arith.addi %add3A_187, %add3A_1755 : i32
        %get3A_1757 = arith.constant 0 : i32
        %get3A_1758 = arith.index_cast %get3A_1757 : i32 to index
        %get3A_1759 = arith.index_cast %add3A_1756 : i32 to index
        %get3A_1760 = arith.constant 80 : index
        %get3A_1761 = tpu.vector_load %arg10[%get3A_1758, %get3A_1759, %get3A_1760] {strides = array<i32>} : memref<2x128x128xf32, #tpu.memory_space<vmem>>, vector<16xf32>,
        %mul3A_1762 = arith.mulf %get3A_1761, %gather3A_1679 : vector<16xf32>
        %add3A_1763 = arith.constant 12 : i32
        %add3A_1764 = arith.addi %add3A_187, %add3A_1763 : i32
        %swap3A_1765 = arith.constant 0 : i32
        %swap3A_1766 = arith.index_cast %swap3A_1765 : i32 to index
        %swap3A_1767 = arith.index_cast %add3A_1764 : i32 to index
        %swap3A_1768 = arith.constant 80 : index
        %swap3A_1769 = tpu.vector_load %arg10[%swap3A_1766, %swap3A_1767, %swap3A_1768] {strides = array<i32>} : memref<2x128x128xf32, #tpu.memory_space<vmem>>, vector<16xf32>,
        tpu.vector_store %arg10[%swap3A_1766, %swap3A_1767, %swap3A_1768], %mul3A_1762 {strides = array<i32>} : memref<2x128x128xf32, #tpu.memory_space<vmem>>, vector<16xf32>,
        %add3A_1770 = arith.constant 12 : i32
        %add3A_1771 = arith.addi %add3A_187, %add3A_1770 : i32
        %get3A_1772 = arith.constant 0 : i32
        %get3A_1773 = arith.index_cast %get3A_1772 : i32 to index
        %get3A_1774 = arith.index_cast %add3A_1771 : i32 to index
        %get3A_1775 = arith.constant 96 : index
        %get3A_1776 = tpu.vector_load %arg10[%get3A_1773, %get3A_1774, %get3A_1775] {strides = array<i32>} : memref<2x128x128xf32, #tpu.memory_space<vmem>>, vector<16xf32>,
        %mul3A_1777 = arith.mulf %get3A_1776, %gather3A_1679 : vector<16xf32>
        %add3A_1778 = arith.constant 12 : i32
        %add3A_1779 = arith.addi %add3A_187, %add3A_1778 : i32
        %swap3A_1780 = arith.constant 0 : i32
        %swap3A_1781 = arith.index_cast %swap3A_1780 : i32 to index
        %swap3A_1782 = arith.index_cast %add3A_1779 : i32 to index
        %swap3A_1783 = arith.constant 96 : index
        %swap3A_1784 = tpu.vector_load %arg10[%swap3A_1781, %swap3A_1782, %swap3A_1783] {strides = array<i32>} : memref<2x128x128xf32, #tpu.memory_space<vmem>>, vector<16xf32>,
        tpu.vector_store %arg10[%swap3A_1781, %swap3A_1782, %swap3A_1783], %mul3A_1777 {strides = array<i32>} : memref<2x128x128xf32, #tpu.memory_space<vmem>>, vector<16xf32>,
        %add3A_1785 = arith.constant 12 : i32
        %add3A_1786 = arith.addi %add3A_187, %add3A_1785 : i32
        %get3A_1787 = arith.constant 0 : i32
        %get3A_1788 = arith.index_cast %get3A_1787 : i32 to index
        %get3A_1789 = arith.index_cast %add3A_1786 : i32 to index
        %get3A_1790 = arith.constant 112 : index
        %get3A_1791 = tpu.vector_load %arg10[%get3A_1788, %get3A_1789, %get3A_1790] {strides = array<i32>} : memref<2x128x128xf32, #tpu.memory_space<vmem>>, vector<16xf32>,
        %mul3A_1792 = arith.mulf %get3A_1791, %gather3A_1679 : vector<16xf32>
        %add3A_1793 = arith.constant 12 : i32
        %add3A_1794 = arith.addi %add3A_187, %add3A_1793 : i32
        %swap3A_1795 = arith.constant 0 : i32
        %swap3A_1796 = arith.index_cast %swap3A_1795 : i32 to index
        %swap3A_1797 = arith.index_cast %add3A_1794 : i32 to index
        %swap3A_1798 = arith.constant 112 : index
        %swap3A_1799 = tpu.vector_load %arg10[%swap3A_1796, %swap3A_1797, %swap3A_1798] {strides = array<i32>} : memref<2x128x128xf32, #tpu.memory_space<vmem>>, vector<16xf32>,
        tpu.vector_store %arg10[%swap3A_1796, %swap3A_1797, %swap3A_1798], %mul3A_1792 {strides = array<i32>} : memref<2x128x128xf32, #tpu.memory_space<vmem>>, vector<16xf32>,
        %broadcast_in_dim3A_1800 = arith.constant 13 : i32
        %broadcast_in_dim3A_1801 = vector.broadcast %broadcast_in_dim3A_1800 : i32 to vector<16x1xi32>
        %gather3A_1802 = vector.shape_cast %broadcast_in_dim3A_1801 : vector<16x1xi32> to vector<16xi32>
        %gather3A_1803 = tpu.dynamic_gather %get3A_190[%gather3A_1802] in [0] : vector<16xf32>, vector<16xi32> -> vector<16xf32>
        %add3A_1804 = arith.constant 13 : i32
        %add3A_1805 = arith.addi %add3A_187, %add3A_1804 : i32
        %get3A_1806 = arith.constant 0 : i32
        %get3A_1807 = arith.index_cast %get3A_1806 : i32 to index
        %get3A_1808 = arith.index_cast %add3A_1805 : i32 to index
        %get3A_1809 = arith.constant 0 : index
        %get3A_1810 = tpu.vector_load %arg10[%get3A_1807, %get3A_1808, %get3A_1809] {strides = array<i32>} : memref<2x128x128xf32, #tpu.memory_space<vmem>>, vector<16xf32>,
        %mul3A_1811 = arith.mulf %get3A_1810, %gather3A_1803 : vector<16xf32>
        %add3A_1812 = arith.constant 13 : i32
        %add3A_1813 = arith.addi %add3A_187, %add3A_1812 : i32
        %swap3A_1814 = arith.constant 0 : i32
        %swap3A_1815 = arith.index_cast %swap3A_1814 : i32 to index
        %swap3A_1816 = arith.index_cast %add3A_1813 : i32 to index
        %swap3A_1817 = arith.constant 0 : index
        %swap3A_1818 = tpu.vector_load %arg10[%swap3A_1815, %swap3A_1816, %swap3A_1817] {strides = array<i32>} : memref<2x128x128xf32, #tpu.memory_space<vmem>>, vector<16xf32>,
        tpu.vector_store %arg10[%swap3A_1815, %swap3A_1816, %swap3A_1817], %mul3A_1811 {strides = array<i32>} : memref<2x128x128xf32, #tpu.memory_space<vmem>>, vector<16xf32>,
        %add3A_1819 = arith.constant 13 : i32
        %add3A_1820 = arith.addi %add3A_187, %add3A_1819 : i32
        %get3A_1821 = arith.constant 0 : i32
        %get3A_1822 = arith.index_cast %get3A_1821 : i32 to index
        %get3A_1823 = arith.index_cast %add3A_1820 : i32 to index
        %get3A_1824 = arith.constant 16 : index
        %get3A_1825 = tpu.vector_load %arg10[%get3A_1822, %get3A_1823, %get3A_1824] {strides = array<i32>} : memref<2x128x128xf32, #tpu.memory_space<vmem>>, vector<16xf32>,
        %mul3A_1826 = arith.mulf %get3A_1825, %gather3A_1803 : vector<16xf32>
        %add3A_1827 = arith.constant 13 : i32
        %add3A_1828 = arith.addi %add3A_187, %add3A_1827 : i32
        %swap3A_1829 = arith.constant 0 : i32
        %swap3A_1830 = arith.index_cast %swap3A_1829 : i32 to index
        %swap3A_1831 = arith.index_cast %add3A_1828 : i32 to index
        %swap3A_1832 = arith.constant 16 : index
        %swap3A_1833 = tpu.vector_load %arg10[%swap3A_1830, %swap3A_1831, %swap3A_1832] {strides = array<i32>} : memref<2x128x128xf32, #tpu.memory_space<vmem>>, vector<16xf32>,
        tpu.vector_store %arg10[%swap3A_1830, %swap3A_1831, %swap3A_1832], %mul3A_1826 {strides = array<i32>} : memref<2x128x128xf32, #tpu.memory_space<vmem>>, vector<16xf32>,
        %add3A_1834 = arith.constant 13 : i32
        %add3A_1835 = arith.addi %add3A_187, %add3A_1834 : i32
        %get3A_1836 = arith.constant 0 : i32
        %get3A_1837 = arith.index_cast %get3A_1836 : i32 to index
        %get3A_1838 = arith.index_cast %add3A_1835 : i32 to index
        %get3A_1839 = arith.constant 32 : index
        %get3A_1840 = tpu.vector_load %arg10[%get3A_1837, %get3A_1838, %get3A_1839] {strides = array<i32>} : memref<2x128x128xf32, #tpu.memory_space<vmem>>, vector<16xf32>,
        %mul3A_1841 = arith.mulf %get3A_1840, %gather3A_1803 : vector<16xf32>
        %add3A_1842 = arith.constant 13 : i32
        %add3A_1843 = arith.addi %add3A_187, %add3A_1842 : i32
        %swap3A_1844 = arith.constant 0 : i32
        %swap3A_1845 = arith.index_cast %swap3A_1844 : i32 to index
        %swap3A_1846 = arith.index_cast %add3A_1843 : i32 to index
        %swap3A_1847 = arith.constant 32 : index
        %swap3A_1848 = tpu.vector_load %arg10[%swap3A_1845, %swap3A_1846, %swap3A_1847] {strides = array<i32>} : memref<2x128x128xf32, #tpu.memory_space<vmem>>, vector<16xf32>,
        tpu.vector_store %arg10[%swap3A_1845, %swap3A_1846, %swap3A_1847], %mul3A_1841 {strides = array<i32>} : memref<2x128x128xf32, #tpu.memory_space<vmem>>, vector<16xf32>,
        %add3A_1849 = arith.constant 13 : i32
        %add3A_1850 = arith.addi %add3A_187, %add3A_1849 : i32
        %get3A_1851 = arith.constant 0 : i32
        %get3A_1852 = arith.index_cast %get3A_1851 : i32 to index
        %get3A_1853 = arith.index_cast %add3A_1850 : i32 to index
        %get3A_1854 = arith.constant 48 : index
        %get3A_1855 = tpu.vector_load %arg10[%get3A_1852, %get3A_1853, %get3A_1854] {strides = array<i32>} : memref<2x128x128xf32, #tpu.memory_space<vmem>>, vector<16xf32>,
        %mul3A_1856 = arith.mulf %get3A_1855, %gather3A_1803 : vector<16xf32>
        %add3A_1857 = arith.constant 13 : i32
        %add3A_1858 = arith.addi %add3A_187, %add3A_1857 : i32
        %swap3A_1859 = arith.constant 0 : i32
        %swap3A_1860 = arith.index_cast %swap3A_1859 : i32 to index
        %swap3A_1861 = arith.index_cast %add3A_1858 : i32 to index
        %swap3A_1862 = arith.constant 48 : index
        %swap3A_1863 = tpu.vector_load %arg10[%swap3A_1860, %swap3A_1861, %swap3A_1862] {strides = array<i32>} : memref<2x128x128xf32, #tpu.memory_space<vmem>>, vector<16xf32>,
        tpu.vector_store %arg10[%swap3A_1860, %swap3A_1861, %swap3A_1862], %mul3A_1856 {strides = array<i32>} : memref<2x128x128xf32, #tpu.memory_space<vmem>>, vector<16xf32>,
        %add3A_1864 = arith.constant 13 : i32
        %add3A_1865 = arith.addi %add3A_187, %add3A_1864 : i32
        %get3A_1866 = arith.constant 0 : i32
        %get3A_1867 = arith.index_cast %get3A_1866 : i32 to index
        %get3A_1868 = arith.index_cast %add3A_1865 : i32 to index
        %get3A_1869 = arith.constant 64 : index
        %get3A_1870 = tpu.vector_load %arg10[%get3A_1867, %get3A_1868, %get3A_1869] {strides = array<i32>} : memref<2x128x128xf32, #tpu.memory_space<vmem>>, vector<16xf32>,
        %mul3A_1871 = arith.mulf %get3A_1870, %gather3A_1803 : vector<16xf32>
        %add3A_1872 = arith.constant 13 : i32
        %add3A_1873 = arith.addi %add3A_187, %add3A_1872 : i32
        %swap3A_1874 = arith.constant 0 : i32
        %swap3A_1875 = arith.index_cast %swap3A_1874 : i32 to index
        %swap3A_1876 = arith.index_cast %add3A_1873 : i32 to index
        %swap3A_1877 = arith.constant 64 : index
        %swap3A_1878 = tpu.vector_load %arg10[%swap3A_1875, %swap3A_1876, %swap3A_1877] {strides = array<i32>} : memref<2x128x128xf32, #tpu.memory_space<vmem>>, vector<16xf32>,
        tpu.vector_store %arg10[%swap3A_1875, %swap3A_1876, %swap3A_1877], %mul3A_1871 {strides = array<i32>} : memref<2x128x128xf32, #tpu.memory_space<vmem>>, vector<16xf32>,
        %add3A_1879 = arith.constant 13 : i32
        %add3A_1880 = arith.addi %add3A_187, %add3A_1879 : i32
        %get3A_1881 = arith.constant 0 : i32
        %get3A_1882 = arith.index_cast %get3A_1881 : i32 to index
        %get3A_1883 = arith.index_cast %add3A_1880 : i32 to index
        %get3A_1884 = arith.constant 80 : index
        %get3A_1885 = tpu.vector_load %arg10[%get3A_1882, %get3A_1883, %get3A_1884] {strides = array<i32>} : memref<2x128x128xf32, #tpu.memory_space<vmem>>, vector<16xf32>,
        %mul3A_1886 = arith.mulf %get3A_1885, %gather3A_1803 : vector<16xf32>
        %add3A_1887 = arith.constant 13 : i32
        %add3A_1888 = arith.addi %add3A_187, %add3A_1887 : i32
        %swap3A_1889 = arith.constant 0 : i32
        %swap3A_1890 = arith.index_cast %swap3A_1889 : i32 to index
        %swap3A_1891 = arith.index_cast %add3A_1888 : i32 to index
        %swap3A_1892 = arith.constant 80 : index
        %swap3A_1893 = tpu.vector_load %arg10[%swap3A_1890, %swap3A_1891, %swap3A_1892] {strides = array<i32>} : memref<2x128x128xf32, #tpu.memory_space<vmem>>, vector<16xf32>,
        tpu.vector_store %arg10[%swap3A_1890, %swap3A_1891, %swap3A_1892], %mul3A_1886 {strides = array<i32>} : memref<2x128x128xf32, #tpu.memory_space<vmem>>, vector<16xf32>,
        %add3A_1894 = arith.constant 13 : i32
        %add3A_1895 = arith.addi %add3A_187, %add3A_1894 : i32
        %get3A_1896 = arith.constant 0 : i32
        %get3A_1897 = arith.index_cast %get3A_1896 : i32 to index
        %get3A_1898 = arith.index_cast %add3A_1895 : i32 to index
        %get3A_1899 = arith.constant 96 : index
        %get3A_1900 = tpu.vector_load %arg10[%get3A_1897, %get3A_1898, %get3A_1899] {strides = array<i32>} : memref<2x128x128xf32, #tpu.memory_space<vmem>>, vector<16xf32>,
        %mul3A_1901 = arith.mulf %get3A_1900, %gather3A_1803 : vector<16xf32>
        %add3A_1902 = arith.constant 13 : i32
        %add3A_1903 = arith.addi %add3A_187, %add3A_1902 : i32
        %swap3A_1904 = arith.constant 0 : i32
        %swap3A_1905 = arith.index_cast %swap3A_1904 : i32 to index
        %swap3A_1906 = arith.index_cast %add3A_1903 : i32 to index
        %swap3A_1907 = arith.constant 96 : index
        %swap3A_1908 = tpu.vector_load %arg10[%swap3A_1905, %swap3A_1906, %swap3A_1907] {strides = array<i32>} : memref<2x128x128xf32, #tpu.memory_space<vmem>>, vector<16xf32>,
        tpu.vector_store %arg10[%swap3A_1905, %swap3A_1906, %swap3A_1907], %mul3A_1901 {strides = array<i32>} : memref<2x128x128xf32, #tpu.memory_space<vmem>>, vector<16xf32>,
        %add3A_1909 = arith.constant 13 : i32
        %add3A_1910 = arith.addi %add3A_187, %add3A_1909 : i32
        %get3A_1911 = arith.constant 0 : i32
        %get3A_1912 = arith.index_cast %get3A_1911 : i32 to index
        %get3A_1913 = arith.index_cast %add3A_1910 : i32 to index
        %get3A_1914 = arith.constant 112 : index
        %get3A_1915 = tpu.vector_load %arg10[%get3A_1912, %get3A_1913, %get3A_1914] {strides = array<i32>} : memref<2x128x128xf32, #tpu.memory_space<vmem>>, vector<16xf32>,
        %mul3A_1916 = arith.mulf %get3A_1915, %gather3A_1803 : vector<16xf32>
        %add3A_1917 = arith.constant 13 : i32
        %add3A_1918 = arith.addi %add3A_187, %add3A_1917 : i32
        %swap3A_1919 = arith.constant 0 : i32
        %swap3A_1920 = arith.index_cast %swap3A_1919 : i32 to index
        %swap3A_1921 = arith.index_cast %add3A_1918 : i32 to index
        %swap3A_1922 = arith.constant 112 : index
        %swap3A_1923 = tpu.vector_load %arg10[%swap3A_1920, %swap3A_1921, %swap3A_1922] {strides = array<i32>} : memref<2x128x128xf32, #tpu.memory_space<vmem>>, vector<16xf32>,
        tpu.vector_store %arg10[%swap3A_1920, %swap3A_1921, %swap3A_1922], %mul3A_1916 {strides = array<i32>} : memref<2x128x128xf32, #tpu.memory_space<vmem>>, vector<16xf32>,
        %broadcast_in_dim3A_1924 = arith.constant 14 : i32
        %broadcast_in_dim3A_1925 = vector.broadcast %broadcast_in_dim3A_1924 : i32 to vector<16x1xi32>
        %gather3A_1926 = vector.shape_cast %broadcast_in_dim3A_1925 : vector<16x1xi32> to vector<16xi32>
        %gather3A_1927 = tpu.dynamic_gather %get3A_190[%gather3A_1926] in [0] : vector<16xf32>, vector<16xi32> -> vector<16xf32>
        %add3A_1928 = arith.constant 14 : i32
        %add3A_1929 = arith.addi %add3A_187, %add3A_1928 : i32
        %get3A_1930 = arith.constant 0 : i32
        %get3A_1931 = arith.index_cast %get3A_1930 : i32 to index
        %get3A_1932 = arith.index_cast %add3A_1929 : i32 to index
        %get3A_1933 = arith.constant 0 : index
        %get3A_1934 = tpu.vector_load %arg10[%get3A_1931, %get3A_1932, %get3A_1933] {strides = array<i32>} : memref<2x128x128xf32, #tpu.memory_space<vmem>>, vector<16xf32>,
        %mul3A_1935 = arith.mulf %get3A_1934, %gather3A_1927 : vector<16xf32>
        %add3A_1936 = arith.constant 14 : i32
        %add3A_1937 = arith.addi %add3A_187, %add3A_1936 : i32
        %swap3A_1938 = arith.constant 0 : i32
        %swap3A_1939 = arith.index_cast %swap3A_1938 : i32 to index
        %swap3A_1940 = arith.index_cast %add3A_1937 : i32 to index
        %swap3A_1941 = arith.constant 0 : index
        %swap3A_1942 = tpu.vector_load %arg10[%swap3A_1939, %swap3A_1940, %swap3A_1941] {strides = array<i32>} : memref<2x128x128xf32, #tpu.memory_space<vmem>>, vector<16xf32>,
        tpu.vector_store %arg10[%swap3A_1939, %swap3A_1940, %swap3A_1941], %mul3A_1935 {strides = array<i32>} : memref<2x128x128xf32, #tpu.memory_space<vmem>>, vector<16xf32>,
        %add3A_1943 = arith.constant 14 : i32
        %add3A_1944 = arith.addi %add3A_187, %add3A_1943 : i32
        %get3A_1945 = arith.constant 0 : i32
        %get3A_1946 = arith.index_cast %get3A_1945 : i32 to index
        %get3A_1947 = arith.index_cast %add3A_1944 : i32 to index
        %get3A_1948 = arith.constant 16 : index
        %get3A_1949 = tpu.vector_load %arg10[%get3A_1946, %get3A_1947, %get3A_1948] {strides = array<i32>} : memref<2x128x128xf32, #tpu.memory_space<vmem>>, vector<16xf32>,
        %mul3A_1950 = arith.mulf %get3A_1949, %gather3A_1927 : vector<16xf32>
        %add3A_1951 = arith.constant 14 : i32
        %add3A_1952 = arith.addi %add3A_187, %add3A_1951 : i32
        %swap3A_1953 = arith.constant 0 : i32
        %swap3A_1954 = arith.index_cast %swap3A_1953 : i32 to index
        %swap3A_1955 = arith.index_cast %add3A_1952 : i32 to index
        %swap3A_1956 = arith.constant 16 : index
        %swap3A_1957 = tpu.vector_load %arg10[%swap3A_1954, %swap3A_1955, %swap3A_1956] {strides = array<i32>} : memref<2x128x128xf32, #tpu.memory_space<vmem>>, vector<16xf32>,
        tpu.vector_store %arg10[%swap3A_1954, %swap3A_1955, %swap3A_1956], %mul3A_1950 {strides = array<i32>} : memref<2x128x128xf32, #tpu.memory_space<vmem>>, vector<16xf32>,
        %add3A_1958 = arith.constant 14 : i32
        %add3A_1959 = arith.addi %add3A_187, %add3A_1958 : i32
        %get3A_1960 = arith.constant 0 : i32
        %get3A_1961 = arith.index_cast %get3A_1960 : i32 to index
        %get3A_1962 = arith.index_cast %add3A_1959 : i32 to index
        %get3A_1963 = arith.constant 32 : index
        %get3A_1964 = tpu.vector_load %arg10[%get3A_1961, %get3A_1962, %get3A_1963] {strides = array<i32>} : memref<2x128x128xf32, #tpu.memory_space<vmem>>, vector<16xf32>,
        %mul3A_1965 = arith.mulf %get3A_1964, %gather3A_1927 : vector<16xf32>
        %add3A_1966 = arith.constant 14 : i32
        %add3A_1967 = arith.addi %add3A_187, %add3A_1966 : i32
        %swap3A_1968 = arith.constant 0 : i32
        %swap3A_1969 = arith.index_cast %swap3A_1968 : i32 to index
        %swap3A_1970 = arith.index_cast %add3A_1967 : i32 to index
        %swap3A_1971 = arith.constant 32 : index
        %swap3A_1972 = tpu.vector_load %arg10[%swap3A_1969, %swap3A_1970, %swap3A_1971] {strides = array<i32>} : memref<2x128x128xf32, #tpu.memory_space<vmem>>, vector<16xf32>,
        tpu.vector_store %arg10[%swap3A_1969, %swap3A_1970, %swap3A_1971], %mul3A_1965 {strides = array<i32>} : memref<2x128x128xf32, #tpu.memory_space<vmem>>, vector<16xf32>,
        %add3A_1973 = arith.constant 14 : i32
        %add3A_1974 = arith.addi %add3A_187, %add3A_1973 : i32
        %get3A_1975 = arith.constant 0 : i32
        %get3A_1976 = arith.index_cast %get3A_1975 : i32 to index
        %get3A_1977 = arith.index_cast %add3A_1974 : i32 to index
        %get3A_1978 = arith.constant 48 : index
        %get3A_1979 = tpu.vector_load %arg10[%get3A_1976, %get3A_1977, %get3A_1978] {strides = array<i32>} : memref<2x128x128xf32, #tpu.memory_space<vmem>>, vector<16xf32>,
        %mul3A_1980 = arith.mulf %get3A_1979, %gather3A_1927 : vector<16xf32>
        %add3A_1981 = arith.constant 14 : i32
        %add3A_1982 = arith.addi %add3A_187, %add3A_1981 : i32
        %swap3A_1983 = arith.constant 0 : i32
        %swap3A_1984 = arith.index_cast %swap3A_1983 : i32 to index
        %swap3A_1985 = arith.index_cast %add3A_1982 : i32 to index
        %swap3A_1986 = arith.constant 48 : index
        %swap3A_1987 = tpu.vector_load %arg10[%swap3A_1984, %swap3A_1985, %swap3A_1986] {strides = array<i32>} : memref<2x128x128xf32, #tpu.memory_space<vmem>>, vector<16xf32>,
        tpu.vector_store %arg10[%swap3A_1984, %swap3A_1985, %swap3A_1986], %mul3A_1980 {strides = array<i32>} : memref<2x128x128xf32, #tpu.memory_space<vmem>>, vector<16xf32>,
        %add3A_1988 = arith.constant 14 : i32
        %add3A_1989 = arith.addi %add3A_187, %add3A_1988 : i32
        %get3A_1990 = arith.constant 0 : i32
        %get3A_1991 = arith.index_cast %get3A_1990 : i32 to index
        %get3A_1992 = arith.index_cast %add3A_1989 : i32 to index
        %get3A_1993 = arith.constant 64 : index
        %get3A_1994 = tpu.vector_load %arg10[%get3A_1991, %get3A_1992, %get3A_1993] {strides = array<i32>} : memref<2x128x128xf32, #tpu.memory_space<vmem>>, vector<16xf32>,
        %mul3A_1995 = arith.mulf %get3A_1994, %gather3A_1927 : vector<16xf32>
        %add3A_1996 = arith.constant 14 : i32
        %add3A_1997 = arith.addi %add3A_187, %add3A_1996 : i32
        %swap3A_1998 = arith.constant 0 : i32
        %swap3A_1999 = arith.index_cast %swap3A_1998 : i32 to index
        %swap3A_2000 = arith.index_cast %add3A_1997 : i32 to index
        %swap3A_2001 = arith.constant 64 : index
        %swap3A_2002 = tpu.vector_load %arg10[%swap3A_1999, %swap3A_2000, %swap3A_2001] {strides = array<i32>} : memref<2x128x128xf32, #tpu.memory_space<vmem>>, vector<16xf32>,
        tpu.vector_store %arg10[%swap3A_1999, %swap3A_2000, %swap3A_2001], %mul3A_1995 {strides = array<i32>} : memref<2x128x128xf32, #tpu.memory_space<vmem>>, vector<16xf32>,
        %add3A_2003 = arith.constant 14 : i32
        %add3A_2004 = arith.addi %add3A_187, %add3A_2003 : i32
        %get3A_2005 = arith.constant 0 : i32
        %get3A_2006 = arith.index_cast %get3A_2005 : i32 to index
        %get3A_2007 = arith.index_cast %add3A_2004 : i32 to index
        %get3A_2008 = arith.constant 80 : index
        %get3A_2009 = tpu.vector_load %arg10[%get3A_2006, %get3A_2007, %get3A_2008] {strides = array<i32>} : memref<2x128x128xf32, #tpu.memory_space<vmem>>, vector<16xf32>,
        %mul3A_2010 = arith.mulf %get3A_2009, %gather3A_1927 : vector<16xf32>
        %add3A_2011 = arith.constant 14 : i32
        %add3A_2012 = arith.addi %add3A_187, %add3A_2011 : i32
        %swap3A_2013 = arith.constant 0 : i32
        %swap3A_2014 = arith.index_cast %swap3A_2013 : i32 to index
        %swap3A_2015 = arith.index_cast %add3A_2012 : i32 to index
        %swap3A_2016 = arith.constant 80 : index
        %swap3A_2017 = tpu.vector_load %arg10[%swap3A_2014, %swap3A_2015, %swap3A_2016] {strides = array<i32>} : memref<2x128x128xf32, #tpu.memory_space<vmem>>, vector<16xf32>,
        tpu.vector_store %arg10[%swap3A_2014, %swap3A_2015, %swap3A_2016], %mul3A_2010 {strides = array<i32>} : memref<2x128x128xf32, #tpu.memory_space<vmem>>, vector<16xf32>,
        %add3A_2018 = arith.constant 14 : i32
        %add3A_2019 = arith.addi %add3A_187, %add3A_2018 : i32
        %get3A_2020 = arith.constant 0 : i32
        %get3A_2021 = arith.index_cast %get3A_2020 : i32 to index
        %get3A_2022 = arith.index_cast %add3A_2019 : i32 to index
        %get3A_2023 = arith.constant 96 : index
        %get3A_2024 = tpu.vector_load %arg10[%get3A_2021, %get3A_2022, %get3A_2023] {strides = array<i32>} : memref<2x128x128xf32, #tpu.memory_space<vmem>>, vector<16xf32>,
        %mul3A_2025 = arith.mulf %get3A_2024, %gather3A_1927 : vector<16xf32>
        %add3A_2026 = arith.constant 14 : i32
        %add3A_2027 = arith.addi %add3A_187, %add3A_2026 : i32
        %swap3A_2028 = arith.constant 0 : i32
        %swap3A_2029 = arith.index_cast %swap3A_2028 : i32 to index
        %swap3A_2030 = arith.index_cast %add3A_2027 : i32 to index
        %swap3A_2031 = arith.constant 96 : index
        %swap3A_2032 = tpu.vector_load %arg10[%swap3A_2029, %swap3A_2030, %swap3A_2031] {strides = array<i32>} : memref<2x128x128xf32, #tpu.memory_space<vmem>>, vector<16xf32>,
        tpu.vector_store %arg10[%swap3A_2029, %swap3A_2030, %swap3A_2031], %mul3A_2025 {strides = array<i32>} : memref<2x128x128xf32, #tpu.memory_space<vmem>>, vector<16xf32>,
        %add3A_2033 = arith.constant 14 : i32
        %add3A_2034 = arith.addi %add3A_187, %add3A_2033 : i32
        %get3A_2035 = arith.constant 0 : i32
        %get3A_2036 = arith.index_cast %get3A_2035 : i32 to index
        %get3A_2037 = arith.index_cast %add3A_2034 : i32 to index
        %get3A_2038 = arith.constant 112 : index
        %get3A_2039 = tpu.vector_load %arg10[%get3A_2036, %get3A_2037, %get3A_2038] {strides = array<i32>} : memref<2x128x128xf32, #tpu.memory_space<vmem>>, vector<16xf32>,
        %mul3A_2040 = arith.mulf %get3A_2039, %gather3A_1927 : vector<16xf32>
        %add3A_2041 = arith.constant 14 : i32
        %add3A_2042 = arith.addi %add3A_187, %add3A_2041 : i32
        %swap3A_2043 = arith.constant 0 : i32
        %swap3A_2044 = arith.index_cast %swap3A_2043 : i32 to index
        %swap3A_2045 = arith.index_cast %add3A_2042 : i32 to index
        %swap3A_2046 = arith.constant 112 : index
        %swap3A_2047 = tpu.vector_load %arg10[%swap3A_2044, %swap3A_2045, %swap3A_2046] {strides = array<i32>} : memref<2x128x128xf32, #tpu.memory_space<vmem>>, vector<16xf32>,
        tpu.vector_store %arg10[%swap3A_2044, %swap3A_2045, %swap3A_2046], %mul3A_2040 {strides = array<i32>} : memref<2x128x128xf32, #tpu.memory_space<vmem>>, vector<16xf32>,
        %broadcast_in_dim3A_2048 = arith.constant 15 : i32
        %broadcast_in_dim3A_2049 = vector.broadcast %broadcast_in_dim3A_2048 : i32 to vector<16x1xi32>
        %gather3A_2050 = vector.shape_cast %broadcast_in_dim3A_2049 : vector<16x1xi32> to vector<16xi32>
        %gather3A_2051 = tpu.dynamic_gather %get3A_190[%gather3A_2050] in [0] : vector<16xf32>, vector<16xi32> -> vector<16xf32>
        %add3A_2052 = arith.constant 15 : i32
        %add3A_2053 = arith.addi %add3A_187, %add3A_2052 : i32
        %get3A_2054 = arith.constant 0 : i32
        %get3A_2055 = arith.index_cast %get3A_2054 : i32 to index
        %get3A_2056 = arith.index_cast %add3A_2053 : i32 to index
        %get3A_2057 = arith.constant 0 : index
        %get3A_2058 = tpu.vector_load %arg10[%get3A_2055, %get3A_2056, %get3A_2057] {strides = array<i32>} : memref<2x128x128xf32, #tpu.memory_space<vmem>>, vector<16xf32>,
        %mul3A_2059 = arith.mulf %get3A_2058, %gather3A_2051 : vector<16xf32>
        %add3A_2060 = arith.constant 15 : i32
        %add3A_2061 = arith.addi %add3A_187, %add3A_2060 : i32
        %swap3A_2062 = arith.constant 0 : i32
        %swap3A_2063 = arith.index_cast %swap3A_2062 : i32 to index
        %swap3A_2064 = arith.index_cast %add3A_2061 : i32 to index
        %swap3A_2065 = arith.constant 0 : index
        %swap3A_2066 = tpu.vector_load %arg10[%swap3A_2063, %swap3A_2064, %swap3A_2065] {strides = array<i32>} : memref<2x128x128xf32, #tpu.memory_space<vmem>>, vector<16xf32>,
        tpu.vector_store %arg10[%swap3A_2063, %swap3A_2064, %swap3A_2065], %mul3A_2059 {strides = array<i32>} : memref<2x128x128xf32, #tpu.memory_space<vmem>>, vector<16xf32>,
        %add3A_2067 = arith.constant 15 : i32
        %add3A_2068 = arith.addi %add3A_187, %add3A_2067 : i32
        %get3A_2069 = arith.constant 0 : i32
        %get3A_2070 = arith.index_cast %get3A_2069 : i32 to index
        %get3A_2071 = arith.index_cast %add3A_2068 : i32 to index
        %get3A_2072 = arith.constant 16 : index
        %get3A_2073 = tpu.vector_load %arg10[%get3A_2070, %get3A_2071, %get3A_2072] {strides = array<i32>} : memref<2x128x128xf32, #tpu.memory_space<vmem>>, vector<16xf32>,
        %mul3A_2074 = arith.mulf %get3A_2073, %gather3A_2051 : vector<16xf32>
        %add3A_2075 = arith.constant 15 : i32
        %add3A_2076 = arith.addi %add3A_187, %add3A_2075 : i32
        %swap3A_2077 = arith.constant 0 : i32
        %swap3A_2078 = arith.index_cast %swap3A_2077 : i32 to index
        %swap3A_2079 = arith.index_cast %add3A_2076 : i32 to index
        %swap3A_2080 = arith.constant 16 : index
        %swap3A_2081 = tpu.vector_load %arg10[%swap3A_2078, %swap3A_2079, %swap3A_2080] {strides = array<i32>} : memref<2x128x128xf32, #tpu.memory_space<vmem>>, vector<16xf32>,
        tpu.vector_store %arg10[%swap3A_2078, %swap3A_2079, %swap3A_2080], %mul3A_2074 {strides = array<i32>} : memref<2x128x128xf32, #tpu.memory_space<vmem>>, vector<16xf32>,
        %add3A_2082 = arith.constant 15 : i32
        %add3A_2083 = arith.addi %add3A_187, %add3A_2082 : i32
        %get3A_2084 = arith.constant 0 : i32
        %get3A_2085 = arith.index_cast %get3A_2084 : i32 to index
        %get3A_2086 = arith.index_cast %add3A_2083 : i32 to index
        %get3A_2087 = arith.constant 32 : index
        %get3A_2088 = tpu.vector_load %arg10[%get3A_2085, %get3A_2086, %get3A_2087] {strides = array<i32>} : memref<2x128x128xf32, #tpu.memory_space<vmem>>, vector<16xf32>,
        %mul3A_2089 = arith.mulf %get3A_2088, %gather3A_2051 : vector<16xf32>
        %add3A_2090 = arith.constant 15 : i32
        %add3A_2091 = arith.addi %add3A_187, %add3A_2090 : i32
        %swap3A_2092 = arith.constant 0 : i32
        %swap3A_2093 = arith.index_cast %swap3A_2092 : i32 to index
        %swap3A_2094 = arith.index_cast %add3A_2091 : i32 to index
        %swap3A_2095 = arith.constant 32 : index
        %swap3A_2096 = tpu.vector_load %arg10[%swap3A_2093, %swap3A_2094, %swap3A_2095] {strides = array<i32>} : memref<2x128x128xf32, #tpu.memory_space<vmem>>, vector<16xf32>,
        tpu.vector_store %arg10[%swap3A_2093, %swap3A_2094, %swap3A_2095], %mul3A_2089 {strides = array<i32>} : memref<2x128x128xf32, #tpu.memory_space<vmem>>, vector<16xf32>,
        %add3A_2097 = arith.constant 15 : i32
        %add3A_2098 = arith.addi %add3A_187, %add3A_2097 : i32
        %get3A_2099 = arith.constant 0 : i32
        %get3A_2100 = arith.index_cast %get3A_2099 : i32 to index
        %get3A_2101 = arith.index_cast %add3A_2098 : i32 to index
        %get3A_2102 = arith.constant 48 : index
        %get3A_2103 = tpu.vector_load %arg10[%get3A_2100, %get3A_2101, %get3A_2102] {strides = array<i32>} : memref<2x128x128xf32, #tpu.memory_space<vmem>>, vector<16xf32>,
        %mul3A_2104 = arith.mulf %get3A_2103, %gather3A_2051 : vector<16xf32>
        %add3A_2105 = arith.constant 15 : i32
        %add3A_2106 = arith.addi %add3A_187, %add3A_2105 : i32
        %swap3A_2107 = arith.constant 0 : i32
        %swap3A_2108 = arith.index_cast %swap3A_2107 : i32 to index
        %swap3A_2109 = arith.index_cast %add3A_2106 : i32 to index
        %swap3A_2110 = arith.constant 48 : index
        %swap3A_2111 = tpu.vector_load %arg10[%swap3A_2108, %swap3A_2109, %swap3A_2110] {strides = array<i32>} : memref<2x128x128xf32, #tpu.memory_space<vmem>>, vector<16xf32>,
        tpu.vector_store %arg10[%swap3A_2108, %swap3A_2109, %swap3A_2110], %mul3A_2104 {strides = array<i32>} : memref<2x128x128xf32, #tpu.memory_space<vmem>>, vector<16xf32>,
        %add3A_2112 = arith.constant 15 : i32
        %add3A_2113 = arith.addi %add3A_187, %add3A_2112 : i32
        %get3A_2114 = arith.constant 0 : i32
        %get3A_2115 = arith.index_cast %get3A_2114 : i32 to index
        %get3A_2116 = arith.index_cast %add3A_2113 : i32 to index
        %get3A_2117 = arith.constant 64 : index
        %get3A_2118 = tpu.vector_load %arg10[%get3A_2115, %get3A_2116, %get3A_2117] {strides = array<i32>} : memref<2x128x128xf32, #tpu.memory_space<vmem>>, vector<16xf32>,
        %mul3A_2119 = arith.mulf %get3A_2118, %gather3A_2051 : vector<16xf32>
        %add3A_2120 = arith.constant 15 : i32
        %add3A_2121 = arith.addi %add3A_187, %add3A_2120 : i32
        %swap3A_2122 = arith.constant 0 : i32
        %swap3A_2123 = arith.index_cast %swap3A_2122 : i32 to index
        %swap3A_2124 = arith.index_cast %add3A_2121 : i32 to index
        %swap3A_2125 = arith.constant 64 : index
        %swap3A_2126 = tpu.vector_load %arg10[%swap3A_2123, %swap3A_2124, %swap3A_2125] {strides = array<i32>} : memref<2x128x128xf32, #tpu.memory_space<vmem>>, vector<16xf32>,
        tpu.vector_store %arg10[%swap3A_2123, %swap3A_2124, %swap3A_2125], %mul3A_2119 {strides = array<i32>} : memref<2x128x128xf32, #tpu.memory_space<vmem>>, vector<16xf32>,
        %add3A_2127 = arith.constant 15 : i32
        %add3A_2128 = arith.addi %add3A_187, %add3A_2127 : i32
        %get3A_2129 = arith.constant 0 : i32
        %get3A_2130 = arith.index_cast %get3A_2129 : i32 to index
        %get3A_2131 = arith.index_cast %add3A_2128 : i32 to index
        %get3A_2132 = arith.constant 80 : index
        %get3A_2133 = tpu.vector_load %arg10[%get3A_2130, %get3A_2131, %get3A_2132] {strides = array<i32>} : memref<2x128x128xf32, #tpu.memory_space<vmem>>, vector<16xf32>,
        %mul3A_2134 = arith.mulf %get3A_2133, %gather3A_2051 : vector<16xf32>
        %add3A_2135 = arith.constant 15 : i32
        %add3A_2136 = arith.addi %add3A_187, %add3A_2135 : i32
        %swap3A_2137 = arith.constant 0 : i32
        %swap3A_2138 = arith.index_cast %swap3A_2137 : i32 to index
        %swap3A_2139 = arith.index_cast %add3A_2136 : i32 to index
        %swap3A_2140 = arith.constant 80 : index
        %swap3A_2141 = tpu.vector_load %arg10[%swap3A_2138, %swap3A_2139, %swap3A_2140] {strides = array<i32>} : memref<2x128x128xf32, #tpu.memory_space<vmem>>, vector<16xf32>,
        tpu.vector_store %arg10[%swap3A_2138, %swap3A_2139, %swap3A_2140], %mul3A_2134 {strides = array<i32>} : memref<2x128x128xf32, #tpu.memory_space<vmem>>, vector<16xf32>,
        %add3A_2142 = arith.constant 15 : i32
        %add3A_2143 = arith.addi %add3A_187, %add3A_2142 : i32
        %get3A_2144 = arith.constant 0 : i32
        %get3A_2145 = arith.index_cast %get3A_2144 : i32 to index
        %get3A_2146 = arith.index_cast %add3A_2143 : i32 to index
        %get3A_2147 = arith.constant 96 : index
        %get3A_2148 = tpu.vector_load %arg10[%get3A_2145, %get3A_2146, %get3A_2147] {strides = array<i32>} : memref<2x128x128xf32, #tpu.memory_space<vmem>>, vector<16xf32>,
        %mul3A_2149 = arith.mulf %get3A_2148, %gather3A_2051 : vector<16xf32>
        %add3A_2150 = arith.constant 15 : i32
        %add3A_2151 = arith.addi %add3A_187, %add3A_2150 : i32
        %swap3A_2152 = arith.constant 0 : i32
        %swap3A_2153 = arith.index_cast %swap3A_2152 : i32 to index
        %swap3A_2154 = arith.index_cast %add3A_2151 : i32 to index
        %swap3A_2155 = arith.constant 96 : index
        %swap3A_2156 = tpu.vector_load %arg10[%swap3A_2153, %swap3A_2154, %swap3A_2155] {strides = array<i32>} : memref<2x128x128xf32, #tpu.memory_space<vmem>>, vector<16xf32>,
        tpu.vector_store %arg10[%swap3A_2153, %swap3A_2154, %swap3A_2155], %mul3A_2149 {strides = array<i32>} : memref<2x128x128xf32, #tpu.memory_space<vmem>>, vector<16xf32>,
        %add3A_2157 = arith.constant 15 : i32
        %add3A_2158 = arith.addi %add3A_187, %add3A_2157 : i32
        %get3A_2159 = arith.constant 0 : i32
        %get3A_2160 = arith.index_cast %get3A_2159 : i32 to index
        %get3A_2161 = arith.index_cast %add3A_2158 : i32 to index
        %get3A_2162 = arith.constant 112 : index
        %get3A_2163 = tpu.vector_load %arg10[%get3A_2160, %get3A_2161, %get3A_2162] {strides = array<i32>} : memref<2x128x128xf32, #tpu.memory_space<vmem>>, vector<16xf32>,
        %mul3A_2164 = arith.mulf %get3A_2163, %gather3A_2051 : vector<16xf32>
        %add3A_2165 = arith.constant 15 : i32
        %add3A_2166 = arith.addi %add3A_187, %add3A_2165 : i32
        %swap3A_2167 = arith.constant 0 : i32
        %swap3A_2168 = arith.index_cast %swap3A_2167 : i32 to index
        %swap3A_2169 = arith.index_cast %add3A_2166 : i32 to index
        %swap3A_2170 = arith.constant 112 : index
        %swap3A_2171 = tpu.vector_load %arg10[%swap3A_2168, %swap3A_2169, %swap3A_2170] {strides = array<i32>} : memref<2x128x128xf32, #tpu.memory_space<vmem>>, vector<16xf32>,
        tpu.vector_store %arg10[%swap3A_2168, %swap3A_2169, %swap3A_2170], %mul3A_2164 {strides = array<i32>} : memref<2x128x128xf32, #tpu.memory_space<vmem>>, vector<16xf32>,
      }
      %scan3A_149 = arith.constant 8 : i32
      %dma_start3A_150 = arith.constant 0 : i32
      %dma_start3A_151 = arith.constant 0 : i32
      %dma_start3A_152 = arith.constant 0 : i32
      %dma_start3A_153 = arith.constant 0 : i32
      %dma_start3A_154 = arith.constant 0 : i32
      %dma_start3A_155 = tpu.memref_slice %arg10[%dma_start3A_150, %dma_start3A_153, %dma_start3A_154] : memref<2x128x128xf32, #tpu.memory_space<vmem>> -> memref<1x128x128xf32, #tpu.memory_space<vmem>>
      %dma_start3A_156 = tpu.memref_squeeze %dma_start3A_155 : memref<1x128x128xf32, #tpu.memory_space<vmem>> -> memref<128x128xf32, #tpu.memory_space<vmem>>
      %dma_start3A_157 = arith.constant 0 : i32
      %dma_start3A_158 = tpu.memref_slice %arg9[%dma_start3A_151, %dma_start3A_157] : memref<4x128xi32, #tpu.memory_space<vmem>> -> memref<1x128xi32, #tpu.memory_space<vmem>>
      %dma_start3A_159 = tpu.memref_squeeze %dma_start3A_158 : memref<1x128xi32, #tpu.memory_space<vmem>> -> memref<128xi32, #tpu.memory_space<vmem>>
      %dma_start3A_160 = arith.constant 0 : i32
      %dma_start3A_161 = arith.constant 0 : i32
      %dma_start3A_162 = tpu.memref_slice %arg11[%dma_start3A_160, %dma_start3A_161] : memref<10240x128xf32, #tpu.memory_space<vmem_shared>> -> memref<10240x128xf32, #tpu.memory_space<vmem_shared>>
      %dma_start3A_163 = tpu.memref_slice %arg13[%dma_start3A_152] : memref<2x!tpu.dma_semaphore, #tpu.memory_space<semaphore_mem>> -> memref<1x!tpu.dma_semaphore, #tpu.memory_space<semaphore_mem>>
      %dma_start3A_164 = tpu.memref_squeeze %dma_start3A_163 : memref<1x!tpu.dma_semaphore, #tpu.memory_space<semaphore_mem>> -> memref<!tpu.dma_semaphore, #tpu.memory_space<semaphore_mem>>
      tpu.enqueue_indirect_dma source(%dma_start3A_156 : memref<128x128xf32, #tpu.memory_space<vmem>>) target(%dma_start3A_162 : memref<10240x128xf32, #tpu.memory_space<vmem_shared>>) offsets(%dma_start3A_159 : memref<128xi32, #tpu.memory_space<vmem>>) semaphore(%dma_start3A_164 : memref<!tpu.dma_semaphore, #tpu.memory_space<semaphore_mem>>) {add = true}
      %dma_wait3A_165 = arith.constant 0 : i32
      %dma_wait3A_166 = arith.constant 0 : i32
      %dma_wait3A_167 = arith.constant 0 : i32
      %dma_wait3A_168 = arith.constant 0 : i32
      %dma_wait3A_169 = tpu.memref_slice %arg10[%dma_wait3A_165, %dma_wait3A_167, %dma_wait3A_168] : memref<2x128x128xf32, #tpu.memory_space<vmem>> -> memref<1x128x128xf32, #tpu.memory_space<vmem>>
      %dma_wait3A_170 = tpu.memref_squeeze %dma_wait3A_169 : memref<1x128x128xf32, #tpu.memory_space<vmem>> -> memref<128x128xf32, #tpu.memory_space<vmem>>
      %dma_wait3A_171 = arith.constant 0 : i32
      %dma_wait3A_172 = arith.constant 0 : i32
      %dma_wait3A_173 = tpu.memref_slice %arg11[%dma_wait3A_171, %dma_wait3A_172] : memref<10240x128xf32, #tpu.memory_space<vmem_shared>> -> memref<128x128xf32, #tpu.memory_space<vmem_shared>>
      %dma_wait3A_174 = tpu.memref_slice %arg13[%dma_wait3A_166] : memref<2x!tpu.dma_semaphore, #tpu.memory_space<semaphore_mem>> -> memref<1x!tpu.dma_semaphore, #tpu.memory_space<semaphore_mem>>
      %dma_wait3A_175 = tpu.memref_squeeze %dma_wait3A_174 : memref<1x!tpu.dma_semaphore, #tpu.memory_space<semaphore_mem>> -> memref<!tpu.dma_semaphore, #tpu.memory_space<semaphore_mem>>
      %dma_wait3A_176 = arith.constant 0 : i32
      %dma_wait3A_177 = arith.constant 0 : i32
      %dma_wait3A_178 = tpu.memref_slice %arg11[%dma_wait3A_176, %dma_wait3A_177] : memref<10240x128xf32, #tpu.memory_space<vmem_shared>> -> memref<128x128xf32, #tpu.memory_space<vmem_shared>>
      %dma_wait3A_179 = arith.constant 0 : i32
      %dma_wait3A_180 = arith.constant 0 : i32
      %dma_wait3A_181 = tpu.memref_slice %arg10[%dma_wait3A_165, %dma_wait3A_179, %dma_wait3A_180] : memref<2x128x128xf32, #tpu.memory_space<vmem>> -> memref<1x128x128xf32, #tpu.memory_space<vmem>>
      %dma_wait3A_182 = tpu.memref_squeeze %dma_wait3A_181 : memref<1x128x128xf32, #tpu.memory_space<vmem>> -> memref<128x128xf32, #tpu.memory_space<vmem>>
      tpu.wait_dma2 semaphore(%dma_wait3A_175 : memref<!tpu.dma_semaphore, #tpu.memory_space<semaphore_mem>>) src(%dma_wait3A_182 : memref<128x128xf32, #tpu.memory_space<vmem>>) dst(%dma_wait3A_178 : memref<128x128xf32, #tpu.memory_space<vmem_shared>>)
    }
    %scan3A_16 = arith.constant 80 : i32
    %barrier3A_17 = arith.constant 0 : index
    tpu.barrier barrier_id(%barrier3A_17)
    %mul3A_18 = arith.constant 640 : i32
    %mul3A_19 = arith.muli %arg1, %mul3A_18 : i32
    %mul3A_20 = arith.constant 640 : i32
    %mul3A_21 = arith.muli %arg1, %mul3A_20 : i32
    "tpu.region"() ({
      %run_scoped3A = tpu.sem_alloc : memref<!tpu.dma_semaphore, #tpu.memory_space<semaphore_mem>>
      %dma_start3A = arith.constant 0 : i32
      %dma_start3A_22 = arith.constant 0 : i32
      %dma_start3A_23 = tpu.memref_slice %arg6[%arg0, %dma_start3A, %dma_start3A_22] : memref<2x10240x128xf32, #tpu.memory_space<hbm>> -> memref<1x10240x128xf32, #tpu.memory_space<hbm>>
      %dma_start3A_24 = tpu.memref_squeeze %dma_start3A_23 : memref<1x10240x128xf32, #tpu.memory_space<hbm>> -> memref<10240x128xf32, #tpu.memory_space<hbm>>
      %dma_start3A_25 = arith.constant 0 : i32
      %dma_start3A_26 = tpu.memref_slice %dma_start3A_24[%mul3A_21, %dma_start3A_25] : memref<10240x128xf32, #tpu.memory_space<hbm>> -> memref<640x128xf32, #tpu.memory_space<hbm>>
      %dma_start3A_27 = arith.constant 0 : i32
      %dma_start3A_28 = tpu.memref_slice %arg11[%mul3A_19, %dma_start3A_27] : memref<10240x128xf32, #tpu.memory_space<vmem_shared>> -> memref<640x128xf32, #tpu.memory_space<vmem_shared>>
      tpu.enqueue_dma source(%dma_start3A_28 : memref<640x128xf32, #tpu.memory_space<vmem_shared>>) target(%dma_start3A_26 : memref<640x128xf32, #tpu.memory_space<hbm>>) target_semaphore(%run_scoped3A : memref<!tpu.dma_semaphore, #tpu.memory_space<semaphore_mem>>)
      %dma_wait3A = arith.constant 0 : i32
      %dma_wait3A_29 = arith.constant 0 : i32
      %dma_wait3A_30 = tpu.memref_slice %arg6[%arg0, %dma_wait3A, %dma_wait3A_29] : memref<2x10240x128xf32, #tpu.memory_space<hbm>> -> memref<1x10240x128xf32, #tpu.memory_space<hbm>>
      %dma_wait3A_31 = tpu.memref_squeeze %dma_wait3A_30 : memref<1x10240x128xf32, #tpu.memory_space<hbm>> -> memref<10240x128xf32, #tpu.memory_space<hbm>>
      %dma_wait3A_32 = arith.constant 0 : i32
      %dma_wait3A_33 = tpu.memref_slice %dma_wait3A_31[%mul3A_21, %dma_wait3A_32] : memref<10240x128xf32, #tpu.memory_space<hbm>> -> memref<640x128xf32, #tpu.memory_space<hbm>>
      %dma_wait3A_34 = arith.constant 0 : i32
      %dma_wait3A_35 = tpu.memref_slice %arg11[%mul3A_19, %dma_wait3A_34] : memref<10240x128xf32, #tpu.memory_space<vmem_shared>> -> memref<640x128xf32, #tpu.memory_space<vmem_shared>>
      tpu.wait_dma2 semaphore(%run_scoped3A : memref<!tpu.dma_semaphore, #tpu.memory_space<semaphore_mem>>) src(%dma_wait3A_35 : memref<640x128xf32, #tpu.memory_space<vmem_shared>>) dst(%dma_wait3A_33 : memref<640x128xf32, #tpu.memory_space<hbm>>)
      tpu.yield
    }) : () -> ()
    return
  }
}

</mosaic_0001>

<sc_bundles>
// kernel: _spmm_partials.3.cloned.1.call-start
scs
__scs_entry_jumppad:
0x0: {  	(pc) =	sbr.rel $0x88, $3  }
0x1: {  	(tag) =	ssettag $0x0;
	lr =	simm.s32 $0x1  }
0x2: {  	[smem:$0x3F9D] =	sst lr;
	_ =	strace $0xD0000000  }
0x3: {  	_ = 	snop  }
0x4: {  	_ = 	snop  }
0x5: {  	_ = 	snop  }
0x6: {  	_ = 	snop  }
0x7: {  	_ = 	snop  }
__scs_overlays_trampoline_lowered:
0x8: {  	[smem:$0x3FAC] =	sst s0  }
0x9: {  	[smem:$0x3FAD] =	sst s1  }
0xa: {  	[smem:$0x3FAE] =	sst s2  }
0xb: {  	[smem:$0x3FAF] =	sst s3  }
0xc: {  	[smem:$0x3FB0] =	sst s4  }
0xd: {  	[smem:$0x3FB1] =	sst s5  }
0xe: {  	[smem:$0x3FB2] =	sst s6  }
0xf: {  	[smem:$0x3FB3] =	sst s7  }
0x10: {  	[smem:$0x3FB4] =	sst s8  }
0x11: {  	[smem:$0x3FB5] =	sst s9;
	s0 =	simm.s32 @!p0 $0x0  }
0x12: {  	s1 =	sld [smem:$0x3F9B];
	s0 =	simm.s32 @p0 $0x1  }
0x13: {  	[smem:$0x3FB6] =	sst s0;
	s0 =	simm.s32 @!p1 $0x0  }
0x14: {  	s2 =	sld [smem:$0x3F9A];
	s0 =	simm.s32 @p1 $0x1  }
0x15: {  	[smem:$0x3FB7] =	sst s0;
	s0 =	simm.s32 @!p2 $0x0  }
0x16: {  	s3 =	sld [smem:$0x3FDB];
	s0 =	simm.s32 @p2 $0x1  }
0x17: {  	s4 =	simm.s32 $0x1BF5;
	[smem:$0x3FB9] =	sst s0  }
0x18: {  	s0 =	sld [smem:$0x3F9C];
	_ =	swait.ge [sflag:s4], $0x0  }
0x19: {  	s7 =	sld [smem:$0x3F9D]  }
0x1a: {  	s8 =	sadd.s32 $0xFFFFE003, lr  }
0x1b: {  	s9 =	sadd.s32 $0xFFFFFEF7, lr;
	s5 =	simm.s32 $0xFFFFFFFF;
	p2 =	slt.u32 s8, $0xFFFFF086  }
0x1c: {  	p1 =	slt.u32 s9, $0xF7A;
	s5 =	simm.s32 @!p2 $0x0  }
0x1d: {  	s5 =	simm.s32 @p1 $0x1;
	p0 =	seq.s32 s7, s2  }
0x1e: {  	s7 =	smul.u32 @!p0 $0xF7A, s2;
	p2 =	seq.s32 @!p0 s5, $0x0  }
0x1f: {  	s9 =	smul.u32 $0xF7A, s1;
	s8 =	simm.s32 @!p0 $0x1BF5;
	p2 =	por !p2, p0  }
0x20: {  	[sflag:s8] =	ssyncset.s32 @!p0 $0xFFFFF086;
	s6 =	sadd.s32 @!p0 s3, s7;
	s7 =	simm.s32 @!p0 $0x108  }
0x21: {  	s3 =	sadd.s32 s3, s9;
	s6 =	sadd.s32 @!p0 $0x88, s6;
	s7 =	simm.s32 @p2 $0x1082  }
0x22: {  	[simem:s7], [sflag:s8] =	dma.local @!p0 [hbm:s6], $0xF7A  }
0x23: {  	s9 =	sor.u32 $0xD0000000, s2;
	s6 =	simm.s32 $0x108;
	_ =	swait.ge @!p0 [sflag:s8], $0x0  }
0x24: {  	s3 =	sadd.s32 $0x88, s3;
	s6 =	simm.s32 @!p1 $0x1082;
	[sflag:s4] =	ssyncset.s32 $0xFFFFF086  }
0x25: {  	[simem:s6], [sflag:s4] =	dma.local [hbm:s3], $0xF7A  }
0x26: {  	[smem:$0x3F9D] =	sst s1;
	(tag) =	ssettag s2;
	_ =	strace s9  }
0x27: {  	s1 =	sld [smem:$0x3FAD]  }
0x28: {  	s2 =	sld [smem:$0x3FAE]  }
0x29: {  	s4 =	sld [smem:$0x3FB0]  }
0x2a: {  	p0 =	seq.s32 s5, $0x0;
	s5 =	sld [smem:$0x3FB1]  }
0x2b: {  	s6 =	sld [smem:$0x3FB2]  }
0x2c: {  	s7 =	sld [smem:$0x3FB3]  }
0x2d: {  	s3 =	simm.s32 $0x108;
	s8 =	sld [smem:$0x3FB4]  }
0x2e: {  	s3 =	simm.s32 @!p0 $0x1082;
	s9 =	sld [smem:$0x3FB5]  }
0x2f: {  	lr =	sadd.s32 s0, s3;
	s0 =	sld [smem:$0x3FAC]  }
0x30: {  	s3 =	sld [smem:$0x3FAF]  }
0x31: {  	[smem:$0x3FB8] =	sst s10  }
0x32: {  	s10 =	sld [smem:$0x3FB6];
	_ =	sdelay $0x3  }
0x33: {  	p0 =	seq.s32 s10, $0x1;
	s10 =	sld [smem:$0x3FB8];
	_ =	sdelay $0x3  }
0x34: {  	[smem:$0x3FB8] =	sst s10  }
0x35: {  	s10 =	sld [smem:$0x3FB7];
	_ =	sdelay $0x3  }
0x36: {  	p1 =	seq.s32 s10, $0x1;
	s10 =	sld [smem:$0x3FB8];
	_ =	sdelay $0x3  }
0x37: {  	[smem:$0x3FB8] =	sst s10  }
0x38: {  	s10 =	sld [smem:$0x3FB9]  }
0x39: {  	_ = 	snop;
	(pc) =	sbr.ind lr, $3  }
0x3a: {  	_ = 	snop  }
0x3b: {  	_ = 	snop  }
0x3c: {  	p2 =	seq.s32 s10, $0x1;
	s10 =	sld [smem:$0x3FB8]  }
0x3d: {  	_ =	shalt  }
0x3e: {  	_ =	shalt  }
0x3f: {  	_ =	shalt  }
0x40: {  	_ =	shalt  }
0x41: {  	_ =	shalt  }
0x42: {  	_ =	shalt  }
0x43: {  	_ =	shalt  }
0x44: {  	_ =	shalt  }
0x45: {  	_ =	shalt  }
0x46: {  	_ =	shalt  }
0x47: {  	_ =	shalt  }
0x48: {  	_ =	shalt  }
0x49: {  	_ =	shalt  }
0x4a: {  	_ =	shalt  }
0x4b: {  	_ =	shalt  }
0x4c: {  	_ =	shalt  }
0x4d: {  	_ =	shalt  }
0x4e: {  	_ =	shalt  }
0x4f: {  	_ =	shalt  }
0x50: {  	_ =	shalt  }
0x51: {  	_ =	shalt  }
0x52: {  	_ =	shalt  }
0x53: {  	_ =	shalt  }
0x54: {  	_ =	shalt  }
0x55: {  	_ =	shalt  }
0x56: {  	_ =	shalt  }
0x57: {  	_ =	shalt  }
0x58: {  	_ =	shalt  }
0x59: {  	_ =	shalt  }
0x5a: {  	_ =	shalt  }
0x5b: {  	_ =	shalt  }
0x5c: {  	_ =	shalt  }
0x5d: {  	_ =	shalt  }
0x5e: {  	_ =	shalt  }
0x5f: {  	_ =	shalt  }
0x60: {  	_ =	shalt  }
0x61: {  	_ =	shalt  }
0x62: {  	_ =	shalt  }
0x63: {  	_ =	shalt  }
0x64: {  	_ =	shalt  }
0x65: {  	_ =	shalt  }
0x66: {  	_ =	shalt  }
0x67: {  	_ =	shalt  }
0x68: {  	_ =	shalt  }
0x69: {  	_ =	shalt  }
0x6a: {  	_ =	shalt  }
0x6b: {  	_ =	shalt  }
0x6c: {  	_ =	shalt  }
0x6d: {  	_ =	shalt  }
0x6e: {  	_ =	shalt  }
0x6f: {  	_ =	shalt  }
0x70: {  	_ =	shalt  }
0x71: {  	_ =	shalt  }
0x72: {  	_ =	shalt  }
0x73: {  	_ =	shalt  }
0x74: {  	_ =	shalt  }
0x75: {  	_ =	shalt  }
0x76: {  	_ =	shalt  }
0x77: {  	_ =	shalt  }
0x78: {  	_ =	shalt  }
0x79: {  	_ =	shalt  }
0x7a: {  	_ =	shalt  }
0x7b: {  	_ =	shalt  }
0x7c: {  	_ =	shalt  }
0x7d: {  	_ =	shalt  }
0x7e: {  	_ =	shalt  }
0x7f: {  	_ =	shalt  }
0x80: {  	_ =	shalt  }
0x81: {  	_ =	shalt  }
0x82: {  	_ =	shalt  }
0x83: {  	_ =	shalt  }
0x84: {  	_ =	shalt  }
0x85: {  	_ =	shalt  }
0x86: {  	_ =	shalt  }
0x87: {  	_ =	shalt  }
.Lfunc_end0:
.L_simem_size_0:
called_computation_lowered:
.L_overlay_start_0:
0x88: {  	s2 =	sld [smem:$0x3FD9]  }
0x89: {  	s3 =	sld [smem:$0x3FFE];
	_ =	sdelay $0x1  }
0x8a: {  	s1 =	srdreg.scid  }
0x8b: {  	s0 =	sand.u32 $0x1, s1  }
0x8c: {  	s18 =	sshll.u32 s0, $0xA;
	s2 =	sadd.s32 s3, s2  }
0x8d: {  	s2 =	sadd.s32 s2, s18  }
0x8e: {  	[smem:$0x3FC4] =	sst s2  }
0x8f: {  	_ = 	snop  }
0x90: {  	s2 =	sld [smem:$0x3FC9]  }
0x91: {  	s19 =	sld [smem:$0x3FC8]  }
0x92: {  	s4 =	sld [smem:$0x3FC7]  }
0x93: {  	s5 =	sld [smem:$0x3FC6]  }
0x94: {  	s6 =	sld [smem:$0x3FD0];
	(tm) =	ssettm $0x1  }
0x95: {  	s7 =	sld [smem:$0x3FFB];
	_ =	sdelay $0x3  }
0x96: {  	_ =	strace s7  }
0x97: {  	s7 =	sld [smem:$0x3FFC];
	_ =	sdelay $0x3  }
0x98: {  	_ =	strace s7  }
0x99: {  	s7 =	sld [smem:$0x3FFD];
	_ =	sdelay $0x3  }
0x9a: {  	_ =	strace s7  }
0x9b: {  	_ =	strace $0x8FFFFFFF  }
0x9c: {  	s20 =	sld [smem:$0x3FDB];
	_ =	sdelay $0x1  }
0x9d: {  	s8 =	simm.s32 $_scs_section_size  }
0x9e: {  	s9 =	simm.s32 $_size__tile_overlayer_lowered;
	s10 =	simm.s32 $_tile_overlayer_lowered  }
0x9f: {  	s23 =	simm.s32 $0x1BFF;
	s22 =	sshll.u32 s10, $0x1;
	s7 =	sadd.s32 s8, s20  }
0xa0: {  	s11 =	simm.s32 $0x0;
	s21 =	sshll.u32 s9, $0x1;
	s9 =	sadd.s32 s22, s7  }
0xa1: {  	[timem:s11], [sflag:s23] =	dma.local [hbm:s9], s21  }
0xa2: {  	_ =	swait.ge [sflag:s23], s21  }
0xa3: {  	s8 =	ssub.s32 $0x0, s21;
	[sflag:s23] =	ssyncset.done $0x0  }
0xa4: {  	[sflag:s23] =	ssyncadd.s32 s8;
	_ =	sdelay $0x1  }
0xa5: {  	s24 =	simm.s32 $0x1B8B  }
0xa6: {  	_ =	swait.ge [sflag:s24], $0x1  }
0xa7: {  	[sflag:s24] =	ssyncset.done $0x0  }
0xa8: {  	s25 =	simm.s32 $0x1B8E;
	[sflag:s24] =	ssyncadd.s32 $0xFFFFFFFF  }
0xa9: {  	s26 =	simm.s32 $execute0_lowered;
	[smem:$0x3FD2] =	sst s25  }
0xaa: {  	s8 =	sshll.u32 s26, $0x1;
	_ =	strace $0x80000046;
	[dreg:$0x1] =	wrdreg $0xFFFFFFFF  }
0xab: {  	s28 =	simm.s32 $_size_execute0_lowered;
	s7 =	sadd.s32 s7, s8;
	[dreg:$0x0] =	wrdreg $0x0  }
0xac: {  	s8 =	sshll.u32 s28, $0x1;
	[dreg:$0x2] =	wrdreg s7  }
0xad: {  	[dreg:$0x3] =	wrdreg s8  }
0xae: {  	[dreg:$0x4] =	wrdreg $0xC0  }
0xaf: {  	_ =	task [dreg:s11], $0x5FFFF  }
0xb0: {  	[dreg:$0x1] =	wrdreg $0xFFFFFFFF  }
0xb1: {  	[dreg:$0x0] =	wrdreg $0x60  }
0xb2: {  	[dreg:$0x2] =	wrdreg s2  }
0xb3: {  	[dreg:$0x3] =	wrdreg s19  }
0xb4: {  	[dreg:$0x4] =	wrdreg s4  }
0xb5: {  	[dreg:$0x5] =	wrdreg s5  }
0xb6: {  	[dreg:$0x6] =	wrdreg s6  }
0xb7: {  	[dreg:$0x7] =	wrdreg $0x86000  }
0xb8: {  	[dreg:$0x8] =	wrdreg $0x9  }
0xb9: {  	_ =	task.clear_ibuf [dreg:s11], $0x9FFFF;
	_ =	strace $0x90000046  }
0xba: {  	s29 =	simm.s32 $0x9;
	_ =	strace $0x80000048  }
0xbb: {  	_ =	swait.ge [sflag:s29], $0x1  }
0xbc: {  	[sflag:s29] =	ssyncadd.s32 $0xFFFFFFFF  }
0xbd: {  	_ =	strace $0x90000048  }
0xbe: {  	_ =	sfence  }
0xbf: {  	s30 =	sld [smem:$0x0];
	_ =	sdelay $0x2  }
0xc0: {  	s31 =	sshll.u32 s1, $0xD;
	s1 =	sshrl.u32 s1, $0x2  }
0xc1: {  	s3 =	sand.u32 $0x4000, s31;
	s1 =	sadd.s32 s1, s30  }
0xc2: {  	s0 =	sor.u32 s3, s0;
	s1 =	sshll.u32 s1, $0x11  }
0xc3: {  	s0 =	sor.u32 s1, s0  }
0xc4: {  	s0 =	sadd.s32 $0x8F2B, s0  }
0xc5: {  	[sflag:s0] =	ssyncadd.remote.s32 $0x1  }
0xc6: {  	_ =	sfence.sel $0xFFFF  }
0xc7: {  	[dreg:$0x0] =	wrdreg $0xFFFFFFFF;
	(pc) =	sbr.abs _section_cstart, $3  }
0xc8: {  	[dreg:$0x1] =	wrdreg $0xFFFFFFFF  }
0xc9: {  	_ =	task.clear_ibuf [dreg:s11], $0x2FFFF;
	_ =	strace $0x9FFFFFFF  }
0xca: {  	(tm) =	ssettm $0x7FFFFFFF  }
0xcb: {  	_ =	shalt  }
tec
execute0_lowered:
.L_overlay_start_1:
0x0: {  	(tag) =	ssettag $0x1  }
0x1: {  	s1 =	rddreg [dreg:$0x0]  }
0x2: {  	s2 =	rddreg [dreg:$0x1]  }
0x3: {  	s3 =	rddreg [dreg:$0x2]  }
0x4: {  	s4 =	rddreg [dreg:$0x3]  }
0x5: {  	s10 =	rddreg [dreg:$0x4]  }
0x6: {  	s5 =	rddreg [dreg:$0x5]  }
0x7: {  	s0 =	rddreg [dreg:$0x6];
	s7 =	simm.s32 $0x0;
	s8 =	srdreg.scid  }
0x8: {  	s6 =	stileid.u32;
	s15 =	simm.s32 $0x600;
	s16 =	simm.s32 $0x9  }
0x9: {  	s17 =	simm.s32 $0x200;
	s18 =	simm.s32 $0x400;
	s19 =	simm.s32 $0x5  }
0xa: {  	s20 =	simm.s32 $0x80;
	s21 =	simm.s32 $0x1;
	s22 =	simm.s32 $0x3  }
0xb: {  	[smem:$0x7FF] =	sst s7;
	s8 =	sand.u32 $0x1, s8;
	s11 =	smul.u32 $0x50000, s6  }
0xc: {  	v0 =	vimm.f32 $0.0e+00;
	v1 =	vimm.s32 $0x0;
	s24 =	smul.u32 $0x2800, s6;
	_ =	strace $0x80000047;
	s9 =	ssub.s32 $0x2, s8  }
0xd: {  	v2 =	vimm.s32 $0x1;
	v3 =	vimm.s32 $0x2;
	v4 =	vimm.s32 $0x3;
	s13 =	sshll.u32 s8, $0x4;
	s14 =	smul.u32 $0x28000, s8;
	s12 =	sshrl.u32 s9, $0x1  }
0xe: {  	v5 =	vimm.s32 $0x4;
	v6 =	vimm.s32 $0x5;
	v7 =	vimm.s32 $0x6;
	s30 =	sor.u32 s6, s13;
	s31 =	sshrl.u32 s11, $0x2;
	s12 =	ssub.s32 s9, s12  }
0xf: {  	v8 =	vimm.s32 $0x7;
	v9 =	vimm.s32 $0x8;
	v10 =	vimm.s32 $0x9;
	s8 =	sadd.s32 s31, s5;
	s9 =	smul.u32 $0x50, s30;
	s23 =	sadd.s32 s10, s14  }
0x10: {  	v11 =	vimm.s32 $0xA;
	v12 =	vimm.s32 $0xB;
	v13 =	vimm.s32 $0xC;
	s10 =	smax.u32 s12, $0x1;
	s11 =	sadd.s32 $0x4000, s8;
	s12 =	sadd.s32 $0x8000, s8  }
0x11: {  	v14 =	vimm.s32 $0xD;
	v15 =	vimm.s32 $0xE;
	v16 =	vimm.s32 $0xF;
	s13 =	sadd.s32 $0xC000, s8;
	s14 =	sadd.s32 $0x10000, s8;
	s23 =	sadd.s32 s24, s23  }
.LBB2_1:
0x12: {  	s24 =	simm.s32 $0x0;
	s25 =	simm.s32 $0x200  }
.LBB2_2:
0x13: {  	p0 =	sne.s32 s25, $0xFE00;
	[tilespmem:s24+$0x670] =	vst v0  }
0x14: {  	[tilespmem:s24+$0x600] =	vst v0  }
0x15: {  	[tilespmem:s24+$0x610] =	vst v0  }
.Ltmp0:
0x16: {  	[tilespmem:s24+$0x620] =	vst v0;
	(pc) =	sbr.rel @p0 .LBB2_2-.Ltmp0, $4  }
0x17: {  	[tilespmem:s24+$0x630] =	vst v0  }
0x18: {  	[tilespmem:s24+$0x640] =	vst v0  }
0x19: {  	[tilespmem:s24+$0x650] =	vst v0  }
0x1a: {  	[tilespmem:s24+$0x660] =	vst v0;
	s24 =	sshra.s32 s25, $0x2;
	s25 =	sadd.s32 $0x200, s25  }
0x1b: {  	[tilespmem:s24+$0x670] =	vst v0  }
0x1c: {  	[tilespmem:s24+$0x600] =	vst v0  }
0x1d: {  	[tilespmem:s24+$0x610] =	vst v0  }
0x1e: {  	[tilespmem:s24+$0x620] =	vst v0  }
0x1f: {  	[tilespmem:s24+$0x630] =	vst v0  }
0x20: {  	[tilespmem:s24+$0x640] =	vst v0  }
0x21: {  	[tilespmem:s24+$0x650] =	vst v0  }
0x22: {  	[tilespmem:s24+$0x660] =	vst v0  }
0x23: {  	[spmem:s8] =	stream.linear.scatter [tilespmem:s15], [sflag:$0x9], $0x4000, $0x38;
	[tilespmem:$0x1C600] =	vst v63  }
0x24: {  	_ =	swait.ge [sflag:s16], $0x4000  }
0x25: {  	[sflag:s16] =	ssyncset.done $0x0  }
0x26: {  	[sflag:s16] =	ssyncadd.s32 $0xFFFFC000  }
0x27: {  	[spmem:s11] =	stream.linear.scatter [tilespmem:s15], [sflag:$0x9], $0x4000, $0x38;
	[tilespmem:$0x1C600] =	vst v63  }
0x28: {  	_ =	swait.ge [sflag:s16], $0x4000  }
0x29: {  	[sflag:s16] =	ssyncset.done $0x0  }
0x2a: {  	[sflag:s16] =	ssyncadd.s32 $0xFFFFC000  }
0x2b: {  	[spmem:s12] =	stream.linear.scatter [tilespmem:s15], [sflag:$0x9], $0x4000, $0x38;
	[tilespmem:$0x1C600] =	vst v63  }
0x2c: {  	_ =	swait.ge [sflag:s16], $0x4000  }
0x2d: {  	[sflag:s16] =	ssyncset.done $0x0  }
0x2e: {  	[sflag:s16] =	ssyncadd.s32 $0xFFFFC000  }
0x2f: {  	[spmem:s13] =	stream.linear.scatter [tilespmem:s15], [sflag:$0x9], $0x4000, $0x38;
	[tilespmem:$0x1C600] =	vst v63  }
0x30: {  	_ =	swait.ge [sflag:s16], $0x4000  }
0x31: {  	[sflag:s16] =	ssyncset.done $0x0  }
0x32: {  	[sflag:s16] =	ssyncadd.s32 $0xFFFFC000  }
0x33: {  	[spmem:s14] =	stream.linear.scatter [tilespmem:s15], [sflag:$0x9], $0x4000, $0x38;
	[tilespmem:$0x1C600] =	vst v63  }
0x34: {  	_ =	swait.ge [sflag:s16], $0x4000  }
0x35: {  	[sflag:s16] =	ssyncset.done $0x0  }
0x36: {  	[sflag:s16] =	ssyncadd.s32 $0xFFFFC000  }
0x37: {  	s24 =	simm.s32 $0x0;
	s25 =	simm.s32 $0x0;
	[bflag:$0x0] =	sbarrier.arrive $0xFFFF  }
.LBB2_4:
0x38: {  	s26 =	sadd.s32 s9, s25  }
0x39: {  	s26 =	sshll.u32 s26, $0x4  }
0x3a: {  	s28 =	sadd.s32 s2, s26  }
0x3b: {  	[tilespmem:s24], [sflag:$0x5] =	stream.linear.gather [hbm4b:s28+s24], $0x80, $0x38;
	[tilespmem:$0x1C600] =	vst v63  }
0x3c: {  	s31 =	sadd.s32 s3, s26  }
0x3d: {  	[tilespmem:s17], [sflag:$0x5] =	stream.linear.gather [hbm4b:s31+s24], $0x80, $0x38;
	[tilespmem:$0x1C600] =	vst v63  }
0x3e: {  	s26 =	sadd.s32 s1, s26  }
0x3f: {  	[tilespmem:s18], [sflag:$0x5] =	stream.linear.gather [hbm4b:s26+s24], $0x80, $0x38;
	[tilespmem:$0x1C600] =	vst v63  }
0x40: {  	_ =	swait.ge [sflag:s19], $0x80  }
0x41: {  	[sflag:s19] =	ssyncset.done $0x0  }
0x42: {  	[sflag:s19] =	ssyncadd.s32 $0xFFFFFF80  }
0x43: {  	_ =	swait.ge [sflag:s19], $0x80  }
0x44: {  	[sflag:s19] =	ssyncset.done $0x0  }
0x45: {  	[sflag:s19] =	ssyncadd.s32 $0xFFFFFF80  }
0x46: {  	_ =	swait.ge [sflag:s19], $0x80  }
0x47: {  	[sflag:s19] =	ssyncset.done $0x0  }
0x48: {  	[sflag:s19] =	ssyncadd.s32 $0xFFFFFF80  }
0x49: {  	[tilespmem:s15], [sflag:$0x1] =	stream.indirect.gather [hbm4b:s4+s20], $0x80, s24, s20, $0xb8;
	[tilespmem:$0x1C600] =	vst v63  }
0x4a: {  	_ =	swait.ge [sflag:s21], $0x4000  }
0x4b: {  	[sflag:s21] =	ssyncset.done $0x0  }
0x4c: {  	s26 =	simm.s32 $0x0;
	[sflag:s21] =	ssyncadd.s32 $0xFFFFC000  }
.LBB2_5:
0x4d: {  	s28 =	sshll.u32 s26, $0x4  }
0x4e: {  	s28 =	sand.u32 $0x3FFFFFF0, s28  }
0x4f: {  	s31 =	sshll.u32 s26, $0xB;
	v17 =	vld [tilespmem:s28+$0x200]  }
0x50: {  	s28 =	sand.u32 $0x3FFFF800, s31  }
0x51: {  	v18 =	vld [tilespmem:s28+$0x600]  }
0x52: {  	v19 =	vld [tilespmem:s28+$0x610]  }
0x53: {  	v20 =	vld [tilespmem:s28+$0x620]  }
0x54: {  	v22 =	vld [tilespmem:s28+$0x630];
	v21 =	vperm.xlane v17, v1  }
0x55: {  	v23 =	vld [tilespmem:s28+$0x640]  }
0x56: {  	v24 =	vld [tilespmem:s28+$0x650];
	v18 =	vmul.f32 v18, v21  }
0x57: {  	v25 =	vld [tilespmem:s28+$0x660];
	v19 =	vmul.f32 v19, v21  }
0x58: {  	v38 =	vld [tilespmem:s28+$0x670];
	[tilespmem:s28+$0x600] =	vst v18;
	v18 =	vmul.f32 v20, v21  }
0x59: {  	v39 =	vld [tilespmem:s28+$0x680];
	[tilespmem:s28+$0x610] =	vst v19;
	v19 =	vmul.f32 v22, v21  }
0x5a: {  	v40 =	vld [tilespmem:s28+$0x690];
	[tilespmem:s28+$0x620] =	vst v18;
	v18 =	vmul.f32 v23, v21  }
0x5b: {  	v41 =	vld [tilespmem:s28+$0x6A0];
	[tilespmem:s28+$0x630] =	vst v19;
	v19 =	vmul.f32 v24, v21  }
0x5c: {  	v26 =	vld [tilespmem:s28+$0x6B0];
	v42 =	vperm.xlane v17, v2;
	[tilespmem:s28+$0x640] =	vst v18;
	v18 =	vmul.f32 v25, v21  }
0x5d: {  	v43 =	vld [tilespmem:s28+$0x6C0];
	[tilespmem:s28+$0x650] =	vst v19;
	v19 =	vmul.f32 v38, v21  }
0x5e: {  	v44 =	vld [tilespmem:s28+$0x6D0];
	[tilespmem:s28+$0x660] =	vst v18;
	v18 =	vmul.f32 v39, v42  }
0x5f: {  	v45 =	vld [tilespmem:s28+$0x6E0];
	[tilespmem:s28+$0x670] =	vst v19;
	v19 =	vmul.f32 v40, v42  }
0x60: {  	v46 =	vld [tilespmem:s28+$0x6F0];
	[tilespmem:s28+$0x680] =	vst v18;
	v18 =	vmul.f32 v41, v42  }
0x61: {  	v47 =	vld [tilespmem:s28+$0x700];
	[tilespmem:s28+$0x690] =	vst v19;
	v19 =	vmul.f32 v26, v42  }
0x62: {  	v48 =	vld [tilespmem:s28+$0x710];
	[tilespmem:s28+$0x6A0] =	vst v18;
	v18 =	vmul.f32 v43, v42  }
0x63: {  	v49 =	vld [tilespmem:s28+$0x720];
	[tilespmem:s28+$0x6B0] =	vst v19;
	v19 =	vmul.f32 v44, v42  }
0x64: {  	v51 =	vld [tilespmem:s28+$0x730];
	v50 =	vperm.xlane v17, v3;
	[tilespmem:s28+$0x6C0] =	vst v18;
	v18 =	vmul.f32 v45, v42  }
0x65: {  	v52 =	vld [tilespmem:s28+$0x740];
	[tilespmem:s28+$0x6D0] =	vst v19;
	v19 =	vmul.f32 v46, v42  }
0x66: {  	v53 =	vld [tilespmem:s28+$0x750];
	[tilespmem:s28+$0x6E0] =	vst v18;
	v18 =	vmul.f32 v47, v50  }
0x67: {  	v54 =	vld [tilespmem:s28+$0x760];
	[tilespmem:s28+$0x6F0] =	vst v19;
	v19 =	vmul.f32 v48, v50  }
0x68: {  	v55 =	vld [tilespmem:s28+$0x770];
	[tilespmem:s28+$0x700] =	vst v18;
	v18 =	vmul.f32 v49, v50  }
0x69: {  	v56 =	vld [tilespmem:s28+$0x780];
	[tilespmem:s28+$0x710] =	vst v19;
	v19 =	vmul.f32 v51, v50  }
0x6a: {  	v57 =	vld [tilespmem:s28+$0x790];
	[tilespmem:s28+$0x720] =	vst v18;
	v18 =	vmul.f32 v52, v50  }
0x6b: {  	v58 =	vld [tilespmem:s28+$0x7A0];
	[tilespmem:s28+$0x730] =	vst v19;
	v19 =	vmul.f32 v53, v50  }
0x6c: {  	v60 =	vld [tilespmem:s28+$0x7B0];
	v59 =	vperm.xlane v17, v4;
	[tilespmem:s28+$0x740] =	vst v18;
	v18 =	vmul.f32 v54, v50  }
0x6d: {  	v61 =	vld [tilespmem:s28+$0x7C0];
	[tilespmem:s28+$0x750] =	vst v19;
	v19 =	vmul.f32 v55, v50  }
0x6e: {  	v62 =	vld [tilespmem:s28+$0x7D0];
	[tilespmem:s28+$0x760] =	vst v18;
	v18 =	vmul.f32 v56, v59  }
0x6f: {  	v63 =	vld [tilespmem:s28+$0x7E0];
	[tilespmem:s28+$0x770] =	vst v19;
	v19 =	vmul.f32 v57, v59  }
0x70: {  	v28 =	vld [tilespmem:s28+$0x7F0];
	[tilespmem:s28+$0x780] =	vst v18;
	v18 =	vmul.f32 v58, v59  }
0x71: {  	v29 =	vld [tilespmem:s28+$0x800];
	[tilespmem:s28+$0x790] =	vst v19;
	v19 =	vmul.f32 v60, v59  }
0x72: {  	v30 =	vld [tilespmem:s28+$0x810];
	[tilespmem:s28+$0x7A0] =	vst v18;
	v18 =	vmul.f32 v61, v59  }
0x73: {  	v31 =	vld [tilespmem:s28+$0x820];
	[tilespmem:s28+$0x7B0] =	vst v19;
	v19 =	vmul.f32 v62, v59  }
0x74: {  	v33 =	vld [tilespmem:s28+$0x830];
	v32 =	vperm.xlane v17, v5;
	[tilespmem:s28+$0x7C0] =	vst v18;
	v18 =	vmul.f32 v63, v59  }
0x75: {  	v34 =	vld [tilespmem:s28+$0x840];
	[tilespmem:s28+$0x7D0] =	vst v19;
	v19 =	vmul.f32 v28, v59  }
0x76: {  	v35 =	vld [tilespmem:s28+$0x850];
	[tilespmem:s28+$0x7E0] =	vst v18;
	v18 =	vmul.f32 v29, v32  }
0x77: {  	v36 =	vld [tilespmem:s28+$0x860];
	[tilespmem:s28+$0x7F0] =	vst v19;
	v19 =	vmul.f32 v30, v32  }
0x78: {  	v37 =	vld [tilespmem:s28+$0x870];
	[tilespmem:s28+$0x800] =	vst v18;
	v18 =	vmul.f32 v31, v32  }
0x79: {  	v38 =	vld [tilespmem:s28+$0x880];
	[tilespmem:s28+$0x810] =	vst v19;
	v19 =	vmul.f32 v33, v32  }
0x7a: {  	v39 =	vld [tilespmem:s28+$0x890];
	[tilespmem:s28+$0x820] =	vst v18;
	v18 =	vmul.f32 v34, v32  }
0x7b: {  	v40 =	vld [tilespmem:s28+$0x8A0];
	[tilespmem:s28+$0x830] =	vst v19;
	v19 =	vmul.f32 v35, v32  }
0x7c: {  	v41 =	vperm.xlane v17, v6;
	v42 =	vld [tilespmem:s28+$0x8B0];
	[tilespmem:s28+$0x840] =	vst v18;
	v18 =	vmul.f32 v36, v32  }
0x7d: {  	v43 =	vld [tilespmem:s28+$0x8C0];
	[tilespmem:s28+$0x850] =	vst v19;
	v19 =	vmul.f32 v37, v32  }
0x7e: {  	v44 =	vld [tilespmem:s28+$0x8D0];
	[tilespmem:s28+$0x860] =	vst v18;
	v18 =	vmul.f32 v38, v41  }
0x7f: {  	v45 =	vld [tilespmem:s28+$0x8E0];
	[tilespmem:s28+$0x870] =	vst v19;
	v19 =	vmul.f32 v39, v41  }
0x80: {  	v46 =	vld [tilespmem:s28+$0x8F0];
	[tilespmem:s28+$0x880] =	vst v18;
	v18 =	vmul.f32 v40, v41  }
0x81: {  	v47 =	vld [tilespmem:s28+$0x900];
	[tilespmem:s28+$0x890] =	vst v19;
	v19 =	vmul.f32 v42, v41  }
0x82: {  	v48 =	vld [tilespmem:s28+$0x910];
	[tilespmem:s28+$0x8A0] =	vst v18;
	v18 =	vmul.f32 v43, v41  }
0x83: {  	v49 =	vld [tilespmem:s28+$0x920];
	[tilespmem:s28+$0x8B0] =	vst v19;
	v19 =	vmul.f32 v44, v41  }
0x84: {  	v51 =	vld [tilespmem:s28+$0x930];
	v50 =	vperm.xlane v17, v7;
	[tilespmem:s28+$0x8C0] =	vst v18;
	v18 =	vmul.f32 v45, v41  }
0x85: {  	v52 =	vld [tilespmem:s28+$0x940];
	[tilespmem:s28+$0x8D0] =	vst v19;
	v19 =	vmul.f32 v46, v41  }
0x86: {  	v53 =	vld [tilespmem:s28+$0x950];
	[tilespmem:s28+$0x8E0] =	vst v18;
	v18 =	vmul.f32 v47, v50  }
0x87: {  	v54 =	vld [tilespmem:s28+$0x960];
	[tilespmem:s28+$0x8F0] =	vst v19;
	v19 =	vmul.f32 v48, v50  }
0x88: {  	v55 =	vld [tilespmem:s28+$0x970];
	[tilespmem:s28+$0x900] =	vst v18;
	v18 =	vmul.f32 v49, v50  }
0x89: {  	v56 =	vld [tilespmem:s28+$0x980];
	[tilespmem:s28+$0x910] =	vst v19;
	v19 =	vmul.f32 v51, v50  }
0x8a: {  	v57 =	vld [tilespmem:s28+$0x990];
	[tilespmem:s28+$0x920] =	vst v18;
	v18 =	vmul.f32 v52, v50  }
0x8b: {  	v58 =	vld [tilespmem:s28+$0x9A0];
	[tilespmem:s28+$0x930] =	vst v19;
	v19 =	vmul.f32 v53, v50  }
0x8c: {  	v60 =	vld [tilespmem:s28+$0x9B0];
	v59 =	vperm.xlane v17, v8;
	[tilespmem:s28+$0x940] =	vst v18;
	v18 =	vmul.f32 v54, v50  }
0x8d: {  	v61 =	vld [tilespmem:s28+$0x9C0];
	[tilespmem:s28+$0x950] =	vst v19;
	v19 =	vmul.f32 v55, v50  }
0x8e: {  	v62 =	vld [tilespmem:s28+$0x9D0];
	[tilespmem:s28+$0x960] =	vst v18;
	v18 =	vmul.f32 v56, v59  }
0x8f: {  	v63 =	vld [tilespmem:s28+$0x9E0];
	[tilespmem:s28+$0x970] =	vst v19;
	v19 =	vmul.f32 v57, v59  }
0x90: {  	v28 =	vld [tilespmem:s28+$0x9F0];
	[tilespmem:s28+$0x980] =	vst v18;
	v18 =	vmul.f32 v58, v59  }
0x91: {  	v29 =	vld [tilespmem:s28+$0xA00];
	[tilespmem:s28+$0x990] =	vst v19;
	v19 =	vmul.f32 v60, v59  }
0x92: {  	v30 =	vld [tilespmem:s28+$0xA10];
	[tilespmem:s28+$0x9A0] =	vst v18;
	v18 =	vmul.f32 v61, v59  }
0x93: {  	v31 =	vld [tilespmem:s28+$0xA20];
	[tilespmem:s28+$0x9B0] =	vst v19;
	v19 =	vmul.f32 v62, v59  }
0x94: {  	v33 =	vld [tilespmem:s28+$0xA30];
	v32 =	vperm.xlane v17, v9;
	[tilespmem:s28+$0x9C0] =	vst v18;
	v18 =	vmul.f32 v63, v59  }
0x95: {  	v34 =	vld [tilespmem:s28+$0xA40];
	[tilespmem:s28+$0x9D0] =	vst v19;
	v19 =	vmul.f32 v28, v59  }
0x96: {  	v35 =	vld [tilespmem:s28+$0xA50];
	[tilespmem:s28+$0x9E0] =	vst v18;
	v18 =	vmul.f32 v29, v32  }
0x97: {  	v36 =	vld [tilespmem:s28+$0xA60];
	[tilespmem:s28+$0x9F0] =	vst v19;
	v19 =	vmul.f32 v30, v32  }
0x98: {  	v37 =	vld [tilespmem:s28+$0xA70];
	[tilespmem:s28+$0xA00] =	vst v18;
	v18 =	vmul.f32 v31, v32  }
0x99: {  	v38 =	vld [tilespmem:s28+$0xA80];
	[tilespmem:s28+$0xA10] =	vst v19;
	v19 =	vmul.f32 v33, v32  }
0x9a: {  	v39 =	vld [tilespmem:s28+$0xA90];
	[tilespmem:s28+$0xA20] =	vst v18;
	v18 =	vmul.f32 v34, v32  }
0x9b: {  	v40 =	vld [tilespmem:s28+$0xAA0];
	[tilespmem:s28+$0xA30] =	vst v19;
	v19 =	vmul.f32 v35, v32  }
0x9c: {  	v42 =	vld [tilespmem:s28+$0xAB0];
	v41 =	vperm.xlane v17, v10;
	[tilespmem:s28+$0xA40] =	vst v18;
	v18 =	vmul.f32 v36, v32  }
0x9d: {  	v43 =	vld [tilespmem:s28+$0xAC0];
	[tilespmem:s28+$0xA50] =	vst v19;
	v19 =	vmul.f32 v37, v32  }
0x9e: {  	v44 =	vld [tilespmem:s28+$0xAD0];
	[tilespmem:s28+$0xA60] =	vst v18;
	v18 =	vmul.f32 v38, v41  }
0x9f: {  	v45 =	vld [tilespmem:s28+$0xAE0];
	[tilespmem:s28+$0xA70] =	vst v19;
	v19 =	vmul.f32 v39, v41  }
0xa0: {  	v46 =	vld [tilespmem:s28+$0xAF0];
	[tilespmem:s28+$0xA80] =	vst v18;
	v18 =	vmul.f32 v40, v41  }
0xa1: {  	v47 =	vld [tilespmem:s28+$0xB00];
	[tilespmem:s28+$0xA90] =	vst v19;
	v19 =	vmul.f32 v42, v41  }
0xa2: {  	v48 =	vld [tilespmem:s28+$0xB10];
	[tilespmem:s28+$0xAA0] =	vst v18;
	v18 =	vmul.f32 v43, v41  }
0xa3: {  	v49 =	vld [tilespmem:s28+$0xB20];
	[tilespmem:s28+$0xAB0] =	vst v19;
	v19 =	vmul.f32 v44, v41  }
0xa4: {  	v51 =	vld [tilespmem:s28+$0xB30];
	v50 =	vperm.xlane v17, v11;
	[tilespmem:s28+$0xAC0] =	vst v18;
	v18 =	vmul.f32 v45, v41  }
0xa5: {  	v52 =	vld [tilespmem:s28+$0xB40];
	[tilespmem:s28+$0xAD0] =	vst v19;
	v19 =	vmul.f32 v46, v41  }
0xa6: {  	v53 =	vld [tilespmem:s28+$0xB50];
	[tilespmem:s28+$0xAE0] =	vst v18;
	v18 =	vmul.f32 v47, v50  }
0xa7: {  	v54 =	vld [tilespmem:s28+$0xB60];
	[tilespmem:s28+$0xAF0] =	vst v19;
	v19 =	vmul.f32 v48, v50  }
0xa8: {  	v55 =	vld [tilespmem:s28+$0xB70];
	[tilespmem:s28+$0xB00] =	vst v18;
	v18 =	vmul.f32 v49, v50  }
0xa9: {  	v56 =	vld [tilespmem:s28+$0xB80];
	[tilespmem:s28+$0xB10] =	vst v19;
	v19 =	vmul.f32 v51, v50  }
0xaa: {  	v57 =	vld [tilespmem:s28+$0xB90];
	[tilespmem:s28+$0xB20] =	vst v18;
	v18 =	vmul.f32 v52, v50  }
0xab: {  	v58 =	vld [tilespmem:s28+$0xBA0];
	[tilespmem:s28+$0xB30] =	vst v19;
	v19 =	vmul.f32 v53, v50  }
0xac: {  	v60 =	vld [tilespmem:s28+$0xBB0];
	v59 =	vperm.xlane v17, v12;
	[tilespmem:s28+$0xB40] =	vst v18;
	v18 =	vmul.f32 v54, v50  }
0xad: {  	v61 =	vld [tilespmem:s28+$0xBC0];
	[tilespmem:s28+$0xB50] =	vst v19;
	v19 =	vmul.f32 v55, v50  }
0xae: {  	v62 =	vld [tilespmem:s28+$0xBD0];
	[tilespmem:s28+$0xB60] =	vst v18;
	v18 =	vmul.f32 v56, v59  }
0xaf: {  	v63 =	vld [tilespmem:s28+$0xBE0];
	[tilespmem:s28+$0xB70] =	vst v19;
	v19 =	vmul.f32 v57, v59  }
0xb0: {  	v28 =	vld [tilespmem:s28+$0xBF0];
	[tilespmem:s28+$0xB80] =	vst v18;
	v18 =	vmul.f32 v58, v59  }
0xb1: {  	v29 =	vld [tilespmem:s28+$0xC00];
	[tilespmem:s28+$0xB90] =	vst v19;
	v19 =	vmul.f32 v60, v59  }
0xb2: {  	v30 =	vld [tilespmem:s28+$0xC10];
	[tilespmem:s28+$0xBA0] =	vst v18;
	v18 =	vmul.f32 v61, v59  }
0xb3: {  	v31 =	vld [tilespmem:s28+$0xC20];
	[tilespmem:s28+$0xBB0] =	vst v19;
	v19 =	vmul.f32 v62, v59  }
0xb4: {  	v33 =	vld [tilespmem:s28+$0xC30];
	v32 =	vperm.xlane v17, v13;
	[tilespmem:s28+$0xBC0] =	vst v18;
	v18 =	vmul.f32 v63, v59  }
0xb5: {  	v34 =	vld [tilespmem:s28+$0xC40];
	[tilespmem:s28+$0xBD0] =	vst v19;
	v19 =	vmul.f32 v28, v59  }
0xb6: {  	v35 =	vld [tilespmem:s28+$0xC50];
	[tilespmem:s28+$0xBE0] =	vst v18;
	v18 =	vmul.f32 v29, v32  }
0xb7: {  	v36 =	vld [tilespmem:s28+$0xC60];
	[tilespmem:s28+$0xBF0] =	vst v19;
	v19 =	vmul.f32 v30, v32  }
0xb8: {  	v37 =	vld [tilespmem:s28+$0xC70];
	[tilespmem:s28+$0xC00] =	vst v18;
	v18 =	vmul.f32 v31, v32  }
0xb9: {  	v38 =	vld [tilespmem:s28+$0xC80];
	[tilespmem:s28+$0xC10] =	vst v19;
	v19 =	vmul.f32 v33, v32  }
0xba: {  	v39 =	vld [tilespmem:s28+$0xC90];
	[tilespmem:s28+$0xC20] =	vst v18;
	v18 =	vmul.f32 v34, v32  }
0xbb: {  	v40 =	vld [tilespmem:s28+$0xCA0];
	[tilespmem:s28+$0xC30] =	vst v19;
	v19 =	vmul.f32 v35, v32  }
0xbc: {  	v42 =	vld [tilespmem:s28+$0xCB0];
	v41 =	vperm.xlane v17, v14;
	[tilespmem:s28+$0xC40] =	vst v18;
	v18 =	vmul.f32 v36, v32  }
0xbd: {  	v43 =	vld [tilespmem:s28+$0xCC0];
	[tilespmem:s28+$0xC50] =	vst v19;
	v19 =	vmul.f32 v37, v32  }
0xbe: {  	v44 =	vld [tilespmem:s28+$0xCD0];
	[tilespmem:s28+$0xC60] =	vst v18;
	v18 =	vmul.f32 v38, v41  }
0xbf: {  	v45 =	vld [tilespmem:s28+$0xCE0];
	[tilespmem:s28+$0xC70] =	vst v19;
	v19 =	vmul.f32 v39, v41  }
0xc0: {  	v46 =	vld [tilespmem:s28+$0xCF0];
	[tilespmem:s28+$0xC80] =	vst v18;
	v18 =	vmul.f32 v40, v41  }
0xc1: {  	v47 =	vld [tilespmem:s28+$0xD00];
	[tilespmem:s28+$0xC90] =	vst v19;
	v19 =	vmul.f32 v42, v41  }
0xc2: {  	v48 =	vld [tilespmem:s28+$0xD10];
	[tilespmem:s28+$0xCA0] =	vst v18;
	v18 =	vmul.f32 v43, v41  }
0xc3: {  	v49 =	vld [tilespmem:s28+$0xD20];
	[tilespmem:s28+$0xCB0] =	vst v19;
	v19 =	vmul.f32 v44, v41  }
0xc4: {  	v51 =	vld [tilespmem:s28+$0xD30];
	v50 =	vperm.xlane v17, v15;
	[tilespmem:s28+$0xCC0] =	vst v18;
	v18 =	vmul.f32 v45, v41  }
0xc5: {  	v52 =	vld [tilespmem:s28+$0xD40];
	[tilespmem:s28+$0xCD0] =	vst v19;
	v19 =	vmul.f32 v46, v41  }
0xc6: {  	v53 =	vld [tilespmem:s28+$0xD50];
	[tilespmem:s28+$0xCE0] =	vst v18;
	v18 =	vmul.f32 v47, v50  }
0xc7: {  	v54 =	vld [tilespmem:s28+$0xD60];
	[tilespmem:s28+$0xCF0] =	vst v19;
	v19 =	vmul.f32 v48, v50  }
0xc8: {  	v55 =	vld [tilespmem:s28+$0xD70];
	[tilespmem:s28+$0xD00] =	vst v18;
	v18 =	vmul.f32 v49, v50  }
0xc9: {  	v56 =	vld [tilespmem:s28+$0xD80];
	[tilespmem:s28+$0xD10] =	vst v19;
	v19 =	vmul.f32 v51, v50  }
0xca: {  	v57 =	vld [tilespmem:s28+$0xD90];
	[tilespmem:s28+$0xD20] =	vst v18;
	v18 =	vmul.f32 v52, v50  }
0xcb: {  	v58 =	vld [tilespmem:s28+$0xDA0];
	[tilespmem:s28+$0xD30] =	vst v19;
	v19 =	vmul.f32 v53, v50  }
0xcc: {  	v17 =	vperm.xlane v17, v16;
	v59 =	vld [tilespmem:s28+$0xDB0];
	[tilespmem:s28+$0xD40] =	vst v18;
	v18 =	vmul.f32 v54, v50  }
0xcd: {  	v60 =	vld [tilespmem:s28+$0xDC0];
	[tilespmem:s28+$0xD50] =	vst v19;
	v19 =	vmul.f32 v55, v50  }
0xce: {  	v61 =	vld [tilespmem:s28+$0xDD0];
	[tilespmem:s28+$0xD60] =	vst v18;
	v18 =	vmul.f32 v56, v17  }
0xcf: {  	v62 =	vld [tilespmem:s28+$0xDE0];
	[tilespmem:s28+$0xD70] =	vst v19;
	v19 =	vmul.f32 v57, v17  }
0xd0: {  	v63 =	vld [tilespmem:s28+$0xDF0];
	[tilespmem:s28+$0xD80] =	vst v18;
	v18 =	vmul.f32 v58, v17  }
0xd1: {  	[tilespmem:s28+$0xD90] =	vst v19;
	v19 =	vmul.f32 v59, v17  }
0xd2: {  	p0 =	sne.s32 s26, $0x7;
	[tilespmem:s28+$0xDA0] =	vst v18;
	v18 =	vmul.f32 v60, v17  }
.Ltmp1:
0xd3: {  	[tilespmem:s28+$0xDB0] =	vst v19;
	v19 =	vmul.f32 v61, v17;
	(pc) =	sbr.rel @p0 .LBB2_5-.Ltmp1, $4  }
0xd4: {  	[tilespmem:s28+$0xDC0] =	vst v18;
	v18 =	vmul.f32 v62, v17  }
0xd5: {  	[tilespmem:s28+$0xDD0] =	vst v19;
	v17 =	vmul.f32 v63, v17  }
0xd6: {  	[tilespmem:s28+$0xDE0] =	vst v18  }
0xd7: {  	s26 =	sadd.s32 $0x1, s26;
	[tilespmem:s28+$0xDF0] =	vst v17  }
0xd8: {  	s25 =	sadd.s32 $0x1, s25  }
0xd9: {  	p0 =	sne.s32 s25, $0x50  }
.Ltmp2:
0xda: {  	_ = 	snop;
	(pc) =	sbr.rel @p0 .LBB2_4-.Ltmp2, $4  }
0xdb: {  	[spmem:s5] =	stream.indirect.scatter.add.f32 [tilespmem:s15], [sflag:$0x3], $0x80, s18, s20, $0xb8;
	[tilespmem:$0x1C600] =	vst v63  }
0xdc: {  	_ =	swait.ge [sflag:s22], $0x4000  }
0xdd: {  	[sflag:s22] =	ssyncset.done $0x0  }
0xde: {  	[sflag:s22] =	ssyncadd.s32 $0xFFFFC000  }
0xdf: {  	s7 =	sadd.s32 $0x1, s7  }
0xe0: {  	s24 =	sshll.u32 s6, $0x6;
	[bflag:$0x0] =	sbarrier.arrive $0xFFFF;
	p0 =	sne.s32 s7, s10  }
.Ltmp3:
0xe1: {  	s25 =	sshrl.u32 s8, $0x3;
	s24 =	sor.u32 $0x1C09, s24;
	(pc) =	sbr.rel @p0 .LBB2_1-.Ltmp3, $4  }
0xe2: {  	[hbm:s23], [sflag:s24] =	dma.local [spmem:s25], $0x2800  }
0xe3: {  	_ =	swait.ge [sflag:s16], $0x2800  }
0xe4: {  	[sflag:s16] =	ssyncset.done $0x0  }
0xe5: {  	[sflag:s16] =	ssyncadd.s32 $0xFFFFD800  }
0xe6: {  	_ =	sfence.sel $0x180000  }
0xe7: {  	[bflag:$0x0] =	sbarrier.arrive $0xFFFF  }
0xe8: {  	p0 =	sne.s32 s6, $0x0;
	_ =	strace $0x90000047  }
0xe9: {  	s0 =	sadd.s32 @!p0 $0x100000, s0;
	[bflag:$0x2] =	sbarrier.arrive $0xFFFF  }
0xea: {  	[sflag:s0] =	ssyncadd.tile.s32 @!p0 $0x1;
	_ =	shalt  }
.Lfunc_end2:
_tile_overlayer_lowered:
.L_overlay_start_2:
0xeb: {  	(tag) =	ssettag $0x2  }
0xec: {  	s0 =	rddreg [dreg:$0x0];
	s2 =	stileid.u32  }
0xed: {  	s1 =	rddreg [dreg:$0x1];
	p0 =	sne.s32 s2, $0x0  }
0xee: {  	s3 =	rddreg [dreg:$0x2];
	[bflag:$0x3] =	sbarrier.arrive $0xFFFF;
	s2 =	simm.s32 @!p0 $0x1C09  }
0xef: {  	[timem:s3], [sflag:s2] =	dma.local @!p0 [hbm:s0], s1  }
0xf0: {  	s0 =	simm.s32 @!p0 $0x9  }
0xf1: {  	_ =	swait.ge @!p0 [sflag:s0], s1  }
0xf2: {  	s1 =	ssub.s32 @!p0 $0x0, s1;
	[sflag:s0] =	ssyncset.done @!p0 $0x0  }
0xf3: {  	[sflag:s0] =	ssyncadd.s32 @!p0 s1  }
0xf4: {  	[bflag:$0x3] =	sbarrier.arrive $0xFFFF  }
0xf5: {  	_ =	shalt  }

</sc_bundles>
